<compile_context>
chip_gen: v7x
topology: tpu7x:2x2x1
jax: 0.10.2.dev20260603
libtpu: 0.0.44.dev20260713+nightly
codegen_flags: <defaults>
</compile_context>

<pallas_src>
import functools

import jax
import jax.numpy as jnp
from jax import lax
from jax.experimental import pallas as pl
from jax.experimental.pallas import tpu as pltpu
from jax.experimental.pallas import tpu_sc as plsc

BITS = 24
B = 16384
D = 512
LANES = 128
BLK = 4096

_NC = 2
_NS = 16
_L = 16
_NW = _NC * _NS
_PER = B // _NW
_CHUNK = 128
_NSTREAM = _PER // _CHUNK


def _hash_tc(x_ref, rm_ref, pw_ref, idx_ref):
    prod = lax.dot_general(rm_ref[...], x_ref[...],
                           (((0,), (1,)), ((), ())),
                           preferred_element_type=jnp.float32)
    vals = jnp.where(prod < 0.0, pw_ref[...], 0)
    idx_ref[...] = jnp.sum(vals, axis=0, keepdims=True)[None]


def _tc_stage(x, rm_padded, pw_col):
    grid = (B // BLK,)
    idx = pl.pallas_call(
        _hash_tc,
        grid=grid,
        in_specs=[
            pl.BlockSpec((BLK, D), lambda i: (i, 0)),
            pl.BlockSpec((D, LANES), lambda i: (0, 0)),
            pl.BlockSpec((LANES, 1), lambda i: (0, 0)),
        ],
        out_specs=pl.BlockSpec((1, 1, BLK), lambda i: (i, 0, 0)),
        out_shape=jax.ShapeDtypeStruct((B // BLK, 1, BLK), jnp.int32),
    )(x, rm_padded, pw_col)
    return idx.reshape(B)


_ROW = 128


def _sc_gather_body(bs_hbm, idx_hbm, out_hbm,
                    idx_v, ridx_v, rows_v, out_v, sem):
    table = bs_hbm.bitcast(jnp.int32)
    wid = lax.axis_index("s") * _NC + lax.axis_index("c")
    base = wid * _PER
    lane = lax.iota(jnp.int32, _L)
    for j in range(_NSTREAM):
        pltpu.sync_copy(idx_hbm.at[pl.ds(base + j * _CHUNK, _CHUNK)],
                        idx_v.at[j])
    for j in range(_NSTREAM):
        for t in range(_CHUNK // _L):
            iv = idx_v[j, pl.ds(t * _L, _L)]
            ridx_v[j, pl.ds(t * _L, _L)] = lax.shift_right_logical(iv, 12)
    cps = [pltpu.async_copy(table.at[ridx_v.at[j]], rows_v.at[j], sem)
           for j in range(_NSTREAM)]
    for cp in cps:
        cp.wait()

    def _group(jt, carry):
        j = lax.shift_right_logical(jt, 3)
        t = jt & 7
        iv = idx_v[j, pl.ds(t * _L, _L)]
        cv = lax.shift_right_logical(iv, 3) & (_ROW - 1)
        gv = lax.shift_right_logical(cv, 4)
        pv = cv & (_L - 1)
        acc = jnp.zeros((_L,), jnp.int32)
        for r in range(_L):
            g_r = gv[r]
            sub = jnp.zeros((_L,), jnp.int32)
            for g in range(_ROW // _L):
                v = rows_v[j, t * _L + r, pl.ds(g * _L, _L)]
                sub = jnp.where(g_r == g, v, sub)
            acc = jnp.where(lane == r, sub[pv], acc)
        bitpos = lax.shift_left(lax.shift_right_logical(iv, 10) & 3, 3) \
            | (iv & 7)
        m = lax.shift_left(jnp.full((_L,), 1, jnp.int32), bitpos)
        out_v[j, pl.ds(t * _L, _L)] = jnp.where((acc & m) != 0, 1, 0)
        return carry

    lax.fori_loop(0, _NSTREAM * (_CHUNK // _L), _group, 0)
    for j in range(_NSTREAM):
        pltpu.sync_copy(out_v.at[j],
                        out_hbm.at[pl.ds(base + j * _CHUNK, _CHUNK)])


@functools.lru_cache(maxsize=None)
def _make_sc_gather():
    return pl.kernel(
        _sc_gather_body,
        mesh=plsc.VectorSubcoreMesh(core_axis_name="c", subcore_axis_name="s"),
        out_type=jax.ShapeDtypeStruct((B,), jnp.int32),
        scratch_types=[
            pltpu.VMEM((_NSTREAM, _CHUNK), jnp.int32),
            pltpu.VMEM((_NSTREAM, _CHUNK), jnp.int32),
            pltpu.VMEM((_NSTREAM, _CHUNK, _ROW), jnp.int32),
            pltpu.VMEM((_NSTREAM, _CHUNK), jnp.int32),
            pltpu.SemaphoreType.DMA,
        ],
    )


def kernel(x, random_matrix, binary_set, is_training, test_local_stats):
    x2 = jnp.reshape(x, (B, D))
    rm_padded = jnp.pad(random_matrix, ((0, 0), (0, LANES - BITS)))
    pw_col = jnp.pad((2 ** jnp.arange(BITS, dtype=jnp.int32))[:, None],
                     ((0, LANES - BITS), (0, 0)))
    idx = _tc_stage(x2, rm_padded, pw_col)
    bs2 = binary_set.reshape(2 ** (BITS - 3) // _ROW, _ROW)
    seen_i32 = _make_sc_gather()(bs2, idx)
    return seen_i32 > 0

# --- scband reference (transcript-rebuilt; emitter-appended) ---
"""Pipeline reference for scband-sim-hash-87041807221226 (READ-ONLY COPY).

The authoritative reference and input builder live on the scoring server;
editing this copy changes nothing except your own understanding.
"""

import jax, jax.numpy as jnp
import numpy as np

BITS = 24
B = 16384
D = 512

def setup_inputs(seed: int = 0) -> dict:
    key = jax.random.key(seed)
    k1, k2 = jax.random.split(key)
    x = jax.random.normal(k1, (B, D), dtype=jnp.float32)
    # haiku state: random_matrix ~ RandomNormal(), binary_set init to zeros
    random_matrix = jax.random.normal(k2, (D, BITS), dtype=jnp.float32)
    binary_set = jnp.zeros((2 ** (BITS - 3),), dtype=jnp.uint8)
    is_training = 1
    test_local_stats = 0
    return {"x": x, "random_matrix": random_matrix, "binary_set": binary_set,
            "is_training": is_training, "test_local_stats": test_local_stats}

def reference(x, random_matrix, binary_set, is_training, test_local_stats):
    # SimHash.get_indices
    x2 = jnp.reshape(x, (x.shape[0], -1))
    rm = jax.lax.stop_gradient(random_matrix)
    product = jnp.matmul(x2, rm)  # [B, BITS]
    powers_of_two = 2 ** jnp.arange(BITS, dtype=jnp.uint32)
    masked_powers = jnp.where(product < 0.0, powers_of_two, 0)
    indices = jnp.sum(masked_powers, axis=1)  # uint32, < 2^24
    byte_indices = indices // 8
    bit_indices = indices % 8
    # BaseHash.__call__: membership test against binary set
    bytes_from_set = binary_set[byte_indices]
    seen = (bytes_from_set & (1 << bit_indices)) > 0
    return seen

if __name__ == "__main__":
    import jax
    _d = setup_inputs()
    print(jax.jit(kernel)(*tuple(_d.values())))

</pallas_src>

<mosaic_0001>
#map = affine_map<(d0, d1) -> (0, 0)>
#map1 = affine_map<(d0, d1) -> (0)>
module attributes {stable_mosaic.version = 14 : i64} {
  func.func @_sc_gather_body(%arg0: i32, %arg1: i32, %arg2: memref<16384x128xi8, #tpu.memory_space<hbm>>, %arg3: memref<16384xi32, #tpu.memory_space<hbm>>, %arg4: memref<16384xi32, #tpu.memory_space<hbm>>, %arg5: memref<4x128xi32, #tpu.memory_space<vmem>>, %arg6: memref<4x128xi32, #tpu.memory_space<vmem>>, %arg7: memref<4x128x128xi32, #tpu.memory_space<vmem>>, %arg8: memref<4x128xi32, #tpu.memory_space<vmem>>, %arg9: memref<!tpu.dma_semaphore, #tpu.memory_space<semaphore_mem>>) attributes {dimension_semantics = [#tpu.dimension_semantics<core_parallel>, #tpu.dimension_semantics<subcore_parallel>], iteration_bounds = array<i64: 2, 16>, scalar_prefetch = 0 : i64, scratch_operands = 5 : i64, tpu.core_type = #tpu.core_type<sc_vector_subcore>, window_params = [{transform_indices = #map}, {transform_indices = #map1}, {transform_indices = #map1}]} {
    %mul3A = arith.constant 2 : i32
    %mul3A_0 = arith.muli %arg1, %mul3A : i32
    %add3A = arith.addi %mul3A_0, %arg0 : i32
    %mul3A_1 = arith.constant 512 : i32
    %mul3A_2 = arith.muli %add3A, %mul3A_1 : i32
    %iota3A = tpu.iota {dimensions = array<i32: 0>} : vector<16xi32>
    %add3A_3 = arith.constant 0 : i32
    %add3A_4 = arith.addi %mul3A_2, %add3A_3 : i32
    %run_scoped3A = arith.constant 0 : i32
    "tpu.region"() ({
      %run_scoped3A_578 = tpu.sem_alloc : memref<!tpu.dma_semaphore, #tpu.memory_space<semaphore_mem>>
      %dma_start3A_579 = arith.constant 0 : i32
      %dma_start3A_580 = tpu.memref_slice %arg5[%run_scoped3A, %dma_start3A_579] : memref<4x128xi32, #tpu.memory_space<vmem>> -> memref<1x128xi32, #tpu.memory_space<vmem>>
      %dma_start3A_581 = tpu.memref_squeeze %dma_start3A_580 : memref<1x128xi32, #tpu.memory_space<vmem>> -> memref<128xi32, #tpu.memory_space<vmem>>
      %dma_start3A_582 = tpu.memref_slice %arg3[%add3A_4] : memref<16384xi32, #tpu.memory_space<hbm>> -> memref<128xi32, #tpu.memory_space<hbm>>
      %dma_start3A_583 = arith.constant 0 : i32
      %dma_start3A_584 = tpu.memref_slice %arg5[%run_scoped3A, %dma_start3A_583] : memref<4x128xi32, #tpu.memory_space<vmem>> -> memref<1x128xi32, #tpu.memory_space<vmem>>
      %dma_start3A_585 = tpu.memref_squeeze %dma_start3A_584 : memref<1x128xi32, #tpu.memory_space<vmem>> -> memref<128xi32, #tpu.memory_space<vmem>>
      %dma_start3A_586 = tpu.memref_slice %arg3[%add3A_4] : memref<16384xi32, #tpu.memory_space<hbm>> -> memref<128xi32, #tpu.memory_space<hbm>>
      tpu.enqueue_dma source(%dma_start3A_586 : memref<128xi32, #tpu.memory_space<hbm>>) target(%dma_start3A_585 : memref<128xi32, #tpu.memory_space<vmem>>) target_semaphore(%run_scoped3A_578 : memref<!tpu.dma_semaphore, #tpu.memory_space<semaphore_mem>>)
      %dma_wait3A_587 = arith.constant 0 : i32
      %dma_wait3A_588 = tpu.memref_slice %arg5[%run_scoped3A, %dma_wait3A_587] : memref<4x128xi32, #tpu.memory_space<vmem>> -> memref<1x128xi32, #tpu.memory_space<vmem>>
      %dma_wait3A_589 = tpu.memref_squeeze %dma_wait3A_588 : memref<1x128xi32, #tpu.memory_space<vmem>> -> memref<128xi32, #tpu.memory_space<vmem>>
      %dma_wait3A_590 = tpu.memref_slice %arg3[%add3A_4] : memref<16384xi32, #tpu.memory_space<hbm>> -> memref<128xi32, #tpu.memory_space<hbm>>
      %dma_wait3A_591 = arith.constant 0 : i32
      %dma_wait3A_592 = tpu.memref_slice %arg5[%run_scoped3A, %dma_wait3A_591] : memref<4x128xi32, #tpu.memory_space<vmem>> -> memref<1x128xi32, #tpu.memory_space<vmem>>
      %dma_wait3A_593 = tpu.memref_squeeze %dma_wait3A_592 : memref<1x128xi32, #tpu.memory_space<vmem>> -> memref<128xi32, #tpu.memory_space<vmem>>
      %dma_wait3A_594 = tpu.memref_slice %arg3[%add3A_4] : memref<16384xi32, #tpu.memory_space<hbm>> -> memref<128xi32, #tpu.memory_space<hbm>>
      tpu.wait_dma2 semaphore(%run_scoped3A_578 : memref<!tpu.dma_semaphore, #tpu.memory_space<semaphore_mem>>) src(%dma_wait3A_594 : memref<128xi32, #tpu.memory_space<hbm>>) dst(%dma_wait3A_593 : memref<128xi32, #tpu.memory_space<vmem>>)
      tpu.yield
    }) : () -> ()
    %add3A_5 = arith.constant 128 : i32
    %add3A_6 = arith.addi %mul3A_2, %add3A_5 : i32
    %run_scoped3A_7 = arith.constant 1 : i32
    "tpu.region"() ({
      %run_scoped3A_578 = tpu.sem_alloc : memref<!tpu.dma_semaphore, #tpu.memory_space<semaphore_mem>>
      %dma_start3A_579 = arith.constant 0 : i32
      %dma_start3A_580 = tpu.memref_slice %arg5[%run_scoped3A_7, %dma_start3A_579] : memref<4x128xi32, #tpu.memory_space<vmem>> -> memref<1x128xi32, #tpu.memory_space<vmem>>
      %dma_start3A_581 = tpu.memref_squeeze %dma_start3A_580 : memref<1x128xi32, #tpu.memory_space<vmem>> -> memref<128xi32, #tpu.memory_space<vmem>>
      %dma_start3A_582 = tpu.memref_slice %arg3[%add3A_6] : memref<16384xi32, #tpu.memory_space<hbm>> -> memref<128xi32, #tpu.memory_space<hbm>>
      %dma_start3A_583 = arith.constant 0 : i32
      %dma_start3A_584 = tpu.memref_slice %arg5[%run_scoped3A_7, %dma_start3A_583] : memref<4x128xi32, #tpu.memory_space<vmem>> -> memref<1x128xi32, #tpu.memory_space<vmem>>
      %dma_start3A_585 = tpu.memref_squeeze %dma_start3A_584 : memref<1x128xi32, #tpu.memory_space<vmem>> -> memref<128xi32, #tpu.memory_space<vmem>>
      %dma_start3A_586 = tpu.memref_slice %arg3[%add3A_6] : memref<16384xi32, #tpu.memory_space<hbm>> -> memref<128xi32, #tpu.memory_space<hbm>>
      tpu.enqueue_dma source(%dma_start3A_586 : memref<128xi32, #tpu.memory_space<hbm>>) target(%dma_start3A_585 : memref<128xi32, #tpu.memory_space<vmem>>) target_semaphore(%run_scoped3A_578 : memref<!tpu.dma_semaphore, #tpu.memory_space<semaphore_mem>>)
      %dma_wait3A_587 = arith.constant 0 : i32
      %dma_wait3A_588 = tpu.memref_slice %arg5[%run_scoped3A_7, %dma_wait3A_587] : memref<4x128xi32, #tpu.memory_space<vmem>> -> memref<1x128xi32, #tpu.memory_space<vmem>>
      %dma_wait3A_589 = tpu.memref_squeeze %dma_wait3A_588 : memref<1x128xi32, #tpu.memory_space<vmem>> -> memref<128xi32, #tpu.memory_space<vmem>>
      %dma_wait3A_590 = tpu.memref_slice %arg3[%add3A_6] : memref<16384xi32, #tpu.memory_space<hbm>> -> memref<128xi32, #tpu.memory_space<hbm>>
      %dma_wait3A_591 = arith.constant 0 : i32
      %dma_wait3A_592 = tpu.memref_slice %arg5[%run_scoped3A_7, %dma_wait3A_591] : memref<4x128xi32, #tpu.memory_space<vmem>> -> memref<1x128xi32, #tpu.memory_space<vmem>>
      %dma_wait3A_593 = tpu.memref_squeeze %dma_wait3A_592 : memref<1x128xi32, #tpu.memory_space<vmem>> -> memref<128xi32, #tpu.memory_space<vmem>>
      %dma_wait3A_594 = tpu.memref_slice %arg3[%add3A_6] : memref<16384xi32, #tpu.memory_space<hbm>> -> memref<128xi32, #tpu.memory_space<hbm>>
      tpu.wait_dma2 semaphore(%run_scoped3A_578 : memref<!tpu.dma_semaphore, #tpu.memory_space<semaphore_mem>>) src(%dma_wait3A_594 : memref<128xi32, #tpu.memory_space<hbm>>) dst(%dma_wait3A_593 : memref<128xi32, #tpu.memory_space<vmem>>)
      tpu.yield
    }) : () -> ()
    %add3A_8 = arith.constant 256 : i32
    %add3A_9 = arith.addi %mul3A_2, %add3A_8 : i32
    %run_scoped3A_10 = arith.constant 2 : i32
    "tpu.region"() ({
      %run_scoped3A_578 = tpu.sem_alloc : memref<!tpu.dma_semaphore, #tpu.memory_space<semaphore_mem>>
      %dma_start3A_579 = arith.constant 0 : i32
      %dma_start3A_580 = tpu.memref_slice %arg5[%run_scoped3A_10, %dma_start3A_579] : memref<4x128xi32, #tpu.memory_space<vmem>> -> memref<1x128xi32, #tpu.memory_space<vmem>>
      %dma_start3A_581 = tpu.memref_squeeze %dma_start3A_580 : memref<1x128xi32, #tpu.memory_space<vmem>> -> memref<128xi32, #tpu.memory_space<vmem>>
      %dma_start3A_582 = tpu.memref_slice %arg3[%add3A_9] : memref<16384xi32, #tpu.memory_space<hbm>> -> memref<128xi32, #tpu.memory_space<hbm>>
      %dma_start3A_583 = arith.constant 0 : i32
      %dma_start3A_584 = tpu.memref_slice %arg5[%run_scoped3A_10, %dma_start3A_583] : memref<4x128xi32, #tpu.memory_space<vmem>> -> memref<1x128xi32, #tpu.memory_space<vmem>>
      %dma_start3A_585 = tpu.memref_squeeze %dma_start3A_584 : memref<1x128xi32, #tpu.memory_space<vmem>> -> memref<128xi32, #tpu.memory_space<vmem>>
      %dma_start3A_586 = tpu.memref_slice %arg3[%add3A_9] : memref<16384xi32, #tpu.memory_space<hbm>> -> memref<128xi32, #tpu.memory_space<hbm>>
      tpu.enqueue_dma source(%dma_start3A_586 : memref<128xi32, #tpu.memory_space<hbm>>) target(%dma_start3A_585 : memref<128xi32, #tpu.memory_space<vmem>>) target_semaphore(%run_scoped3A_578 : memref<!tpu.dma_semaphore, #tpu.memory_space<semaphore_mem>>)
      %dma_wait3A_587 = arith.constant 0 : i32
      %dma_wait3A_588 = tpu.memref_slice %arg5[%run_scoped3A_10, %dma_wait3A_587] : memref<4x128xi32, #tpu.memory_space<vmem>> -> memref<1x128xi32, #tpu.memory_space<vmem>>
      %dma_wait3A_589 = tpu.memref_squeeze %dma_wait3A_588 : memref<1x128xi32, #tpu.memory_space<vmem>> -> memref<128xi32, #tpu.memory_space<vmem>>
      %dma_wait3A_590 = tpu.memref_slice %arg3[%add3A_9] : memref<16384xi32, #tpu.memory_space<hbm>> -> memref<128xi32, #tpu.memory_space<hbm>>
      %dma_wait3A_591 = arith.constant 0 : i32
      %dma_wait3A_592 = tpu.memref_slice %arg5[%run_scoped3A_10, %dma_wait3A_591] : memref<4x128xi32, #tpu.memory_space<vmem>> -> memref<1x128xi32, #tpu.memory_space<vmem>>
      %dma_wait3A_593 = tpu.memref_squeeze %dma_wait3A_592 : memref<1x128xi32, #tpu.memory_space<vmem>> -> memref<128xi32, #tpu.memory_space<vmem>>
      %dma_wait3A_594 = tpu.memref_slice %arg3[%add3A_9] : memref<16384xi32, #tpu.memory_space<hbm>> -> memref<128xi32, #tpu.memory_space<hbm>>
      tpu.wait_dma2 semaphore(%run_scoped3A_578 : memref<!tpu.dma_semaphore, #tpu.memory_space<semaphore_mem>>) src(%dma_wait3A_594 : memref<128xi32, #tpu.memory_space<hbm>>) dst(%dma_wait3A_593 : memref<128xi32, #tpu.memory_space<vmem>>)
      tpu.yield
    }) : () -> ()
    %add3A_11 = arith.constant 384 : i32
    %add3A_12 = arith.addi %mul3A_2, %add3A_11 : i32
    %run_scoped3A_13 = arith.constant 3 : i32
    "tpu.region"() ({
      %run_scoped3A_578 = tpu.sem_alloc : memref<!tpu.dma_semaphore, #tpu.memory_space<semaphore_mem>>
      %dma_start3A_579 = arith.constant 0 : i32
      %dma_start3A_580 = tpu.memref_slice %arg5[%run_scoped3A_13, %dma_start3A_579] : memref<4x128xi32, #tpu.memory_space<vmem>> -> memref<1x128xi32, #tpu.memory_space<vmem>>
      %dma_start3A_581 = tpu.memref_squeeze %dma_start3A_580 : memref<1x128xi32, #tpu.memory_space<vmem>> -> memref<128xi32, #tpu.memory_space<vmem>>
      %dma_start3A_582 = tpu.memref_slice %arg3[%add3A_12] : memref<16384xi32, #tpu.memory_space<hbm>> -> memref<128xi32, #tpu.memory_space<hbm>>
      %dma_start3A_583 = arith.constant 0 : i32
      %dma_start3A_584 = tpu.memref_slice %arg5[%run_scoped3A_13, %dma_start3A_583] : memref<4x128xi32, #tpu.memory_space<vmem>> -> memref<1x128xi32, #tpu.memory_space<vmem>>
      %dma_start3A_585 = tpu.memref_squeeze %dma_start3A_584 : memref<1x128xi32, #tpu.memory_space<vmem>> -> memref<128xi32, #tpu.memory_space<vmem>>
      %dma_start3A_586 = tpu.memref_slice %arg3[%add3A_12] : memref<16384xi32, #tpu.memory_space<hbm>> -> memref<128xi32, #tpu.memory_space<hbm>>
      tpu.enqueue_dma source(%dma_start3A_586 : memref<128xi32, #tpu.memory_space<hbm>>) target(%dma_start3A_585 : memref<128xi32, #tpu.memory_space<vmem>>) target_semaphore(%run_scoped3A_578 : memref<!tpu.dma_semaphore, #tpu.memory_space<semaphore_mem>>)
      %dma_wait3A_587 = arith.constant 0 : i32
      %dma_wait3A_588 = tpu.memref_slice %arg5[%run_scoped3A_13, %dma_wait3A_587] : memref<4x128xi32, #tpu.memory_space<vmem>> -> memref<1x128xi32, #tpu.memory_space<vmem>>
      %dma_wait3A_589 = tpu.memref_squeeze %dma_wait3A_588 : memref<1x128xi32, #tpu.memory_space<vmem>> -> memref<128xi32, #tpu.memory_space<vmem>>
      %dma_wait3A_590 = tpu.memref_slice %arg3[%add3A_12] : memref<16384xi32, #tpu.memory_space<hbm>> -> memref<128xi32, #tpu.memory_space<hbm>>
      %dma_wait3A_591 = arith.constant 0 : i32
      %dma_wait3A_592 = tpu.memref_slice %arg5[%run_scoped3A_13, %dma_wait3A_591] : memref<4x128xi32, #tpu.memory_space<vmem>> -> memref<1x128xi32, #tpu.memory_space<vmem>>
      %dma_wait3A_593 = tpu.memref_squeeze %dma_wait3A_592 : memref<1x128xi32, #tpu.memory_space<vmem>> -> memref<128xi32, #tpu.memory_space<vmem>>
      %dma_wait3A_594 = tpu.memref_slice %arg3[%add3A_12] : memref<16384xi32, #tpu.memory_space<hbm>> -> memref<128xi32, #tpu.memory_space<hbm>>
      tpu.wait_dma2 semaphore(%run_scoped3A_578 : memref<!tpu.dma_semaphore, #tpu.memory_space<semaphore_mem>>) src(%dma_wait3A_594 : memref<128xi32, #tpu.memory_space<hbm>>) dst(%dma_wait3A_593 : memref<128xi32, #tpu.memory_space<vmem>>)
      tpu.yield
    }) : () -> ()
    %get3A = arith.constant 0 : i32
    %get3A_14 = arith.index_cast %get3A : i32 to index
    %get3A_15 = arith.constant 0 : index
    %get3A_16 = tpu.vector_load %arg5[%get3A_14, %get3A_15] {strides = array<i32>} : memref<4x128xi32, #tpu.memory_space<vmem>>, vector<1x16xi32>,
    %get3A_17 = vector.shape_cast %get3A_16 : vector<1x16xi32> to vector<16xi32>
    %shift_right_logical3A = arith.constant 12 : i32
    %shift_right_logical3A_18 = vector.broadcast %shift_right_logical3A : i32 to vector<16xi32>
    %shift_right_logical3A_19 = arith.shrui %get3A_17, %shift_right_logical3A_18 : vector<16xi32>
    %swap3A = arith.constant 0 : i32
    %swap3A_20 = arith.index_cast %swap3A : i32 to index
    %swap3A_21 = arith.constant 0 : index
    %swap3A_22 = tpu.vector_load %arg6[%swap3A_20, %swap3A_21] {strides = array<i32>} : memref<4x128xi32, #tpu.memory_space<vmem>>, vector<1x16xi32>,
    %swap3A_23 = vector.shape_cast %swap3A_22 : vector<1x16xi32> to vector<16xi32>
    %swap3A_24 = vector.shape_cast %shift_right_logical3A_19 : vector<16xi32> to vector<1x16xi32>
    tpu.vector_store %arg6[%swap3A_20, %swap3A_21], %swap3A_24 {strides = array<i32>} : memref<4x128xi32, #tpu.memory_space<vmem>>, vector<1x16xi32>,
    %get3A_25 = arith.constant 0 : i32
    %get3A_26 = arith.index_cast %get3A_25 : i32 to index
    %get3A_27 = arith.constant 16 : index
    %get3A_28 = tpu.vector_load %arg5[%get3A_26, %get3A_27] {strides = array<i32>} : memref<4x128xi32, #tpu.memory_space<vmem>>, vector<1x16xi32>,
    %get3A_29 = vector.shape_cast %get3A_28 : vector<1x16xi32> to vector<16xi32>
    %shift_right_logical3A_30 = arith.constant 12 : i32
    %shift_right_logical3A_31 = vector.broadcast %shift_right_logical3A_30 : i32 to vector<16xi32>
    %shift_right_logical3A_32 = arith.shrui %get3A_29, %shift_right_logical3A_31 : vector<16xi32>
    %swap3A_33 = arith.constant 0 : i32
    %swap3A_34 = arith.index_cast %swap3A_33 : i32 to index
    %swap3A_35 = arith.constant 16 : index
    %swap3A_36 = tpu.vector_load %arg6[%swap3A_34, %swap3A_35] {strides = array<i32>} : memref<4x128xi32, #tpu.memory_space<vmem>>, vector<1x16xi32>,
    %swap3A_37 = vector.shape_cast %swap3A_36 : vector<1x16xi32> to vector<16xi32>
    %swap3A_38 = vector.shape_cast %shift_right_logical3A_32 : vector<16xi32> to vector<1x16xi32>
    tpu.vector_store %arg6[%swap3A_34, %swap3A_35], %swap3A_38 {strides = array<i32>} : memref<4x128xi32, #tpu.memory_space<vmem>>, vector<1x16xi32>,
    %get3A_39 = arith.constant 0 : i32
    %get3A_40 = arith.index_cast %get3A_39 : i32 to index
    %get3A_41 = arith.constant 32 : index
    %get3A_42 = tpu.vector_load %arg5[%get3A_40, %get3A_41] {strides = array<i32>} : memref<4x128xi32, #tpu.memory_space<vmem>>, vector<1x16xi32>,
    %get3A_43 = vector.shape_cast %get3A_42 : vector<1x16xi32> to vector<16xi32>
    %shift_right_logical3A_44 = arith.constant 12 : i32
    %shift_right_logical3A_45 = vector.broadcast %shift_right_logical3A_44 : i32 to vector<16xi32>
    %shift_right_logical3A_46 = arith.shrui %get3A_43, %shift_right_logical3A_45 : vector<16xi32>
    %swap3A_47 = arith.constant 0 : i32
    %swap3A_48 = arith.index_cast %swap3A_47 : i32 to index
    %swap3A_49 = arith.constant 32 : index
    %swap3A_50 = tpu.vector_load %arg6[%swap3A_48, %swap3A_49] {strides = array<i32>} : memref<4x128xi32, #tpu.memory_space<vmem>>, vector<1x16xi32>,
    %swap3A_51 = vector.shape_cast %swap3A_50 : vector<1x16xi32> to vector<16xi32>
    %swap3A_52 = vector.shape_cast %shift_right_logical3A_46 : vector<16xi32> to vector<1x16xi32>
    tpu.vector_store %arg6[%swap3A_48, %swap3A_49], %swap3A_52 {strides = array<i32>} : memref<4x128xi32, #tpu.memory_space<vmem>>, vector<1x16xi32>,
    %get3A_53 = arith.constant 0 : i32
    %get3A_54 = arith.index_cast %get3A_53 : i32 to index
    %get3A_55 = arith.constant 48 : index
    %get3A_56 = tpu.vector_load %arg5[%get3A_54, %get3A_55] {strides = array<i32>} : memref<4x128xi32, #tpu.memory_space<vmem>>, vector<1x16xi32>,
    %get3A_57 = vector.shape_cast %get3A_56 : vector<1x16xi32> to vector<16xi32>
    %shift_right_logical3A_58 = arith.constant 12 : i32
    %shift_right_logical3A_59 = vector.broadcast %shift_right_logical3A_58 : i32 to vector<16xi32>
    %shift_right_logical3A_60 = arith.shrui %get3A_57, %shift_right_logical3A_59 : vector<16xi32>
    %swap3A_61 = arith.constant 0 : i32
    %swap3A_62 = arith.index_cast %swap3A_61 : i32 to index
    %swap3A_63 = arith.constant 48 : index
    %swap3A_64 = tpu.vector_load %arg6[%swap3A_62, %swap3A_63] {strides = array<i32>} : memref<4x128xi32, #tpu.memory_space<vmem>>, vector<1x16xi32>,
    %swap3A_65 = vector.shape_cast %swap3A_64 : vector<1x16xi32> to vector<16xi32>
    %swap3A_66 = vector.shape_cast %shift_right_logical3A_60 : vector<16xi32> to vector<1x16xi32>
    tpu.vector_store %arg6[%swap3A_62, %swap3A_63], %swap3A_66 {strides = array<i32>} : memref<4x128xi32, #tpu.memory_space<vmem>>, vector<1x16xi32>,
    %get3A_67 = arith.constant 0 : i32
    %get3A_68 = arith.index_cast %get3A_67 : i32 to index
    %get3A_69 = arith.constant 64 : index
    %get3A_70 = tpu.vector_load %arg5[%get3A_68, %get3A_69] {strides = array<i32>} : memref<4x128xi32, #tpu.memory_space<vmem>>, vector<1x16xi32>,
    %get3A_71 = vector.shape_cast %get3A_70 : vector<1x16xi32> to vector<16xi32>
    %shift_right_logical3A_72 = arith.constant 12 : i32
    %shift_right_logical3A_73 = vector.broadcast %shift_right_logical3A_72 : i32 to vector<16xi32>
    %shift_right_logical3A_74 = arith.shrui %get3A_71, %shift_right_logical3A_73 : vector<16xi32>
    %swap3A_75 = arith.constant 0 : i32
    %swap3A_76 = arith.index_cast %swap3A_75 : i32 to index
    %swap3A_77 = arith.constant 64 : index
    %swap3A_78 = tpu.vector_load %arg6[%swap3A_76, %swap3A_77] {strides = array<i32>} : memref<4x128xi32, #tpu.memory_space<vmem>>, vector<1x16xi32>,
    %swap3A_79 = vector.shape_cast %swap3A_78 : vector<1x16xi32> to vector<16xi32>
    %swap3A_80 = vector.shape_cast %shift_right_logical3A_74 : vector<16xi32> to vector<1x16xi32>
    tpu.vector_store %arg6[%swap3A_76, %swap3A_77], %swap3A_80 {strides = array<i32>} : memref<4x128xi32, #tpu.memory_space<vmem>>, vector<1x16xi32>,
    %get3A_81 = arith.constant 0 : i32
    %get3A_82 = arith.index_cast %get3A_81 : i32 to index
    %get3A_83 = arith.constant 80 : index
    %get3A_84 = tpu.vector_load %arg5[%get3A_82, %get3A_83] {strides = array<i32>} : memref<4x128xi32, #tpu.memory_space<vmem>>, vector<1x16xi32>,
    %get3A_85 = vector.shape_cast %get3A_84 : vector<1x16xi32> to vector<16xi32>
    %shift_right_logical3A_86 = arith.constant 12 : i32
    %shift_right_logical3A_87 = vector.broadcast %shift_right_logical3A_86 : i32 to vector<16xi32>
    %shift_right_logical3A_88 = arith.shrui %get3A_85, %shift_right_logical3A_87 : vector<16xi32>
    %swap3A_89 = arith.constant 0 : i32
    %swap3A_90 = arith.index_cast %swap3A_89 : i32 to index
    %swap3A_91 = arith.constant 80 : index
    %swap3A_92 = tpu.vector_load %arg6[%swap3A_90, %swap3A_91] {strides = array<i32>} : memref<4x128xi32, #tpu.memory_space<vmem>>, vector<1x16xi32>,
    %swap3A_93 = vector.shape_cast %swap3A_92 : vector<1x16xi32> to vector<16xi32>
    %swap3A_94 = vector.shape_cast %shift_right_logical3A_88 : vector<16xi32> to vector<1x16xi32>
    tpu.vector_store %arg6[%swap3A_90, %swap3A_91], %swap3A_94 {strides = array<i32>} : memref<4x128xi32, #tpu.memory_space<vmem>>, vector<1x16xi32>,
    %get3A_95 = arith.constant 0 : i32
    %get3A_96 = arith.index_cast %get3A_95 : i32 to index
    %get3A_97 = arith.constant 96 : index
    %get3A_98 = tpu.vector_load %arg5[%get3A_96, %get3A_97] {strides = array<i32>} : memref<4x128xi32, #tpu.memory_space<vmem>>, vector<1x16xi32>,
    %get3A_99 = vector.shape_cast %get3A_98 : vector<1x16xi32> to vector<16xi32>
    %shift_right_logical3A_100 = arith.constant 12 : i32
    %shift_right_logical3A_101 = vector.broadcast %shift_right_logical3A_100 : i32 to vector<16xi32>
    %shift_right_logical3A_102 = arith.shrui %get3A_99, %shift_right_logical3A_101 : vector<16xi32>
    %swap3A_103 = arith.constant 0 : i32
    %swap3A_104 = arith.index_cast %swap3A_103 : i32 to index
    %swap3A_105 = arith.constant 96 : index
    %swap3A_106 = tpu.vector_load %arg6[%swap3A_104, %swap3A_105] {strides = array<i32>} : memref<4x128xi32, #tpu.memory_space<vmem>>, vector<1x16xi32>,
    %swap3A_107 = vector.shape_cast %swap3A_106 : vector<1x16xi32> to vector<16xi32>
    %swap3A_108 = vector.shape_cast %shift_right_logical3A_102 : vector<16xi32> to vector<1x16xi32>
    tpu.vector_store %arg6[%swap3A_104, %swap3A_105], %swap3A_108 {strides = array<i32>} : memref<4x128xi32, #tpu.memory_space<vmem>>, vector<1x16xi32>,
    %get3A_109 = arith.constant 0 : i32
    %get3A_110 = arith.index_cast %get3A_109 : i32 to index
    %get3A_111 = arith.constant 112 : index
    %get3A_112 = tpu.vector_load %arg5[%get3A_110, %get3A_111] {strides = array<i32>} : memref<4x128xi32, #tpu.memory_space<vmem>>, vector<1x16xi32>,
    %get3A_113 = vector.shape_cast %get3A_112 : vector<1x16xi32> to vector<16xi32>
    %shift_right_logical3A_114 = arith.constant 12 : i32
    %shift_right_logical3A_115 = vector.broadcast %shift_right_logical3A_114 : i32 to vector<16xi32>
    %shift_right_logical3A_116 = arith.shrui %get3A_113, %shift_right_logical3A_115 : vector<16xi32>
    %swap3A_117 = arith.constant 0 : i32
    %swap3A_118 = arith.index_cast %swap3A_117 : i32 to index
    %swap3A_119 = arith.constant 112 : index
    %swap3A_120 = tpu.vector_load %arg6[%swap3A_118, %swap3A_119] {strides = array<i32>} : memref<4x128xi32, #tpu.memory_space<vmem>>, vector<1x16xi32>,
    %swap3A_121 = vector.shape_cast %swap3A_120 : vector<1x16xi32> to vector<16xi32>
    %swap3A_122 = vector.shape_cast %shift_right_logical3A_116 : vector<16xi32> to vector<1x16xi32>
    tpu.vector_store %arg6[%swap3A_118, %swap3A_119], %swap3A_122 {strides = array<i32>} : memref<4x128xi32, #tpu.memory_space<vmem>>, vector<1x16xi32>,
    %get3A_123 = arith.constant 1 : i32
    %get3A_124 = arith.index_cast %get3A_123 : i32 to index
    %get3A_125 = arith.constant 0 : index
    %get3A_126 = tpu.vector_load %arg5[%get3A_124, %get3A_125] {strides = array<i32>} : memref<4x128xi32, #tpu.memory_space<vmem>>, vector<1x16xi32>,
    %get3A_127 = vector.shape_cast %get3A_126 : vector<1x16xi32> to vector<16xi32>
    %shift_right_logical3A_128 = arith.constant 12 : i32
    %shift_right_logical3A_129 = vector.broadcast %shift_right_logical3A_128 : i32 to vector<16xi32>
    %shift_right_logical3A_130 = arith.shrui %get3A_127, %shift_right_logical3A_129 : vector<16xi32>
    %swap3A_131 = arith.constant 1 : i32
    %swap3A_132 = arith.index_cast %swap3A_131 : i32 to index
    %swap3A_133 = arith.constant 0 : index
    %swap3A_134 = tpu.vector_load %arg6[%swap3A_132, %swap3A_133] {strides = array<i32>} : memref<4x128xi32, #tpu.memory_space<vmem>>, vector<1x16xi32>,
    %swap3A_135 = vector.shape_cast %swap3A_134 : vector<1x16xi32> to vector<16xi32>
    %swap3A_136 = vector.shape_cast %shift_right_logical3A_130 : vector<16xi32> to vector<1x16xi32>
    tpu.vector_store %arg6[%swap3A_132, %swap3A_133], %swap3A_136 {strides = array<i32>} : memref<4x128xi32, #tpu.memory_space<vmem>>, vector<1x16xi32>,
    %get3A_137 = arith.constant 1 : i32
    %get3A_138 = arith.index_cast %get3A_137 : i32 to index
    %get3A_139 = arith.constant 16 : index
    %get3A_140 = tpu.vector_load %arg5[%get3A_138, %get3A_139] {strides = array<i32>} : memref<4x128xi32, #tpu.memory_space<vmem>>, vector<1x16xi32>,
    %get3A_141 = vector.shape_cast %get3A_140 : vector<1x16xi32> to vector<16xi32>
    %shift_right_logical3A_142 = arith.constant 12 : i32
    %shift_right_logical3A_143 = vector.broadcast %shift_right_logical3A_142 : i32 to vector<16xi32>
    %shift_right_logical3A_144 = arith.shrui %get3A_141, %shift_right_logical3A_143 : vector<16xi32>
    %swap3A_145 = arith.constant 1 : i32
    %swap3A_146 = arith.index_cast %swap3A_145 : i32 to index
    %swap3A_147 = arith.constant 16 : index
    %swap3A_148 = tpu.vector_load %arg6[%swap3A_146, %swap3A_147] {strides = array<i32>} : memref<4x128xi32, #tpu.memory_space<vmem>>, vector<1x16xi32>,
    %swap3A_149 = vector.shape_cast %swap3A_148 : vector<1x16xi32> to vector<16xi32>
    %swap3A_150 = vector.shape_cast %shift_right_logical3A_144 : vector<16xi32> to vector<1x16xi32>
    tpu.vector_store %arg6[%swap3A_146, %swap3A_147], %swap3A_150 {strides = array<i32>} : memref<4x128xi32, #tpu.memory_space<vmem>>, vector<1x16xi32>,
    %get3A_151 = arith.constant 1 : i32
    %get3A_152 = arith.index_cast %get3A_151 : i32 to index
    %get3A_153 = arith.constant 32 : index
    %get3A_154 = tpu.vector_load %arg5[%get3A_152, %get3A_153] {strides = array<i32>} : memref<4x128xi32, #tpu.memory_space<vmem>>, vector<1x16xi32>,
    %get3A_155 = vector.shape_cast %get3A_154 : vector<1x16xi32> to vector<16xi32>
    %shift_right_logical3A_156 = arith.constant 12 : i32
    %shift_right_logical3A_157 = vector.broadcast %shift_right_logical3A_156 : i32 to vector<16xi32>
    %shift_right_logical3A_158 = arith.shrui %get3A_155, %shift_right_logical3A_157 : vector<16xi32>
    %swap3A_159 = arith.constant 1 : i32
    %swap3A_160 = arith.index_cast %swap3A_159 : i32 to index
    %swap3A_161 = arith.constant 32 : index
    %swap3A_162 = tpu.vector_load %arg6[%swap3A_160, %swap3A_161] {strides = array<i32>} : memref<4x128xi32, #tpu.memory_space<vmem>>, vector<1x16xi32>,
    %swap3A_163 = vector.shape_cast %swap3A_162 : vector<1x16xi32> to vector<16xi32>
    %swap3A_164 = vector.shape_cast %shift_right_logical3A_158 : vector<16xi32> to vector<1x16xi32>
    tpu.vector_store %arg6[%swap3A_160, %swap3A_161], %swap3A_164 {strides = array<i32>} : memref<4x128xi32, #tpu.memory_space<vmem>>, vector<1x16xi32>,
    %get3A_165 = arith.constant 1 : i32
    %get3A_166 = arith.index_cast %get3A_165 : i32 to index
    %get3A_167 = arith.constant 48 : index
    %get3A_168 = tpu.vector_load %arg5[%get3A_166, %get3A_167] {strides = array<i32>} : memref<4x128xi32, #tpu.memory_space<vmem>>, vector<1x16xi32>,
    %get3A_169 = vector.shape_cast %get3A_168 : vector<1x16xi32> to vector<16xi32>
    %shift_right_logical3A_170 = arith.constant 12 : i32
    %shift_right_logical3A_171 = vector.broadcast %shift_right_logical3A_170 : i32 to vector<16xi32>
    %shift_right_logical3A_172 = arith.shrui %get3A_169, %shift_right_logical3A_171 : vector<16xi32>
    %swap3A_173 = arith.constant 1 : i32
    %swap3A_174 = arith.index_cast %swap3A_173 : i32 to index
    %swap3A_175 = arith.constant 48 : index
    %swap3A_176 = tpu.vector_load %arg6[%swap3A_174, %swap3A_175] {strides = array<i32>} : memref<4x128xi32, #tpu.memory_space<vmem>>, vector<1x16xi32>,
    %swap3A_177 = vector.shape_cast %swap3A_176 : vector<1x16xi32> to vector<16xi32>
    %swap3A_178 = vector.shape_cast %shift_right_logical3A_172 : vector<16xi32> to vector<1x16xi32>
    tpu.vector_store %arg6[%swap3A_174, %swap3A_175], %swap3A_178 {strides = array<i32>} : memref<4x128xi32, #tpu.memory_space<vmem>>, vector<1x16xi32>,
    %get3A_179 = arith.constant 1 : i32
    %get3A_180 = arith.index_cast %get3A_179 : i32 to index
    %get3A_181 = arith.constant 64 : index
    %get3A_182 = tpu.vector_load %arg5[%get3A_180, %get3A_181] {strides = array<i32>} : memref<4x128xi32, #tpu.memory_space<vmem>>, vector<1x16xi32>,
    %get3A_183 = vector.shape_cast %get3A_182 : vector<1x16xi32> to vector<16xi32>
    %shift_right_logical3A_184 = arith.constant 12 : i32
    %shift_right_logical3A_185 = vector.broadcast %shift_right_logical3A_184 : i32 to vector<16xi32>
    %shift_right_logical3A_186 = arith.shrui %get3A_183, %shift_right_logical3A_185 : vector<16xi32>
    %swap3A_187 = arith.constant 1 : i32
    %swap3A_188 = arith.index_cast %swap3A_187 : i32 to index
    %swap3A_189 = arith.constant 64 : index
    %swap3A_190 = tpu.vector_load %arg6[%swap3A_188, %swap3A_189] {strides = array<i32>} : memref<4x128xi32, #tpu.memory_space<vmem>>, vector<1x16xi32>,
    %swap3A_191 = vector.shape_cast %swap3A_190 : vector<1x16xi32> to vector<16xi32>
    %swap3A_192 = vector.shape_cast %shift_right_logical3A_186 : vector<16xi32> to vector<1x16xi32>
    tpu.vector_store %arg6[%swap3A_188, %swap3A_189], %swap3A_192 {strides = array<i32>} : memref<4x128xi32, #tpu.memory_space<vmem>>, vector<1x16xi32>,
    %get3A_193 = arith.constant 1 : i32
    %get3A_194 = arith.index_cast %get3A_193 : i32 to index
    %get3A_195 = arith.constant 80 : index
    %get3A_196 = tpu.vector_load %arg5[%get3A_194, %get3A_195] {strides = array<i32>} : memref<4x128xi32, #tpu.memory_space<vmem>>, vector<1x16xi32>,
    %get3A_197 = vector.shape_cast %get3A_196 : vector<1x16xi32> to vector<16xi32>
    %shift_right_logical3A_198 = arith.constant 12 : i32
    %shift_right_logical3A_199 = vector.broadcast %shift_right_logical3A_198 : i32 to vector<16xi32>
    %shift_right_logical3A_200 = arith.shrui %get3A_197, %shift_right_logical3A_199 : vector<16xi32>
    %swap3A_201 = arith.constant 1 : i32
    %swap3A_202 = arith.index_cast %swap3A_201 : i32 to index
    %swap3A_203 = arith.constant 80 : index
    %swap3A_204 = tpu.vector_load %arg6[%swap3A_202, %swap3A_203] {strides = array<i32>} : memref<4x128xi32, #tpu.memory_space<vmem>>, vector<1x16xi32>,
    %swap3A_205 = vector.shape_cast %swap3A_204 : vector<1x16xi32> to vector<16xi32>
    %swap3A_206 = vector.shape_cast %shift_right_logical3A_200 : vector<16xi32> to vector<1x16xi32>
    tpu.vector_store %arg6[%swap3A_202, %swap3A_203], %swap3A_206 {strides = array<i32>} : memref<4x128xi32, #tpu.memory_space<vmem>>, vector<1x16xi32>,
    %get3A_207 = arith.constant 1 : i32
    %get3A_208 = arith.index_cast %get3A_207 : i32 to index
    %get3A_209 = arith.constant 96 : index
    %get3A_210 = tpu.vector_load %arg5[%get3A_208, %get3A_209] {strides = array<i32>} : memref<4x128xi32, #tpu.memory_space<vmem>>, vector<1x16xi32>,
    %get3A_211 = vector.shape_cast %get3A_210 : vector<1x16xi32> to vector<16xi32>
    %shift_right_logical3A_212 = arith.constant 12 : i32
    %shift_right_logical3A_213 = vector.broadcast %shift_right_logical3A_212 : i32 to vector<16xi32>
    %shift_right_logical3A_214 = arith.shrui %get3A_211, %shift_right_logical3A_213 : vector<16xi32>
    %swap3A_215 = arith.constant 1 : i32
    %swap3A_216 = arith.index_cast %swap3A_215 : i32 to index
    %swap3A_217 = arith.constant 96 : index
    %swap3A_218 = tpu.vector_load %arg6[%swap3A_216, %swap3A_217] {strides = array<i32>} : memref<4x128xi32, #tpu.memory_space<vmem>>, vector<1x16xi32>,
    %swap3A_219 = vector.shape_cast %swap3A_218 : vector<1x16xi32> to vector<16xi32>
    %swap3A_220 = vector.shape_cast %shift_right_logical3A_214 : vector<16xi32> to vector<1x16xi32>
    tpu.vector_store %arg6[%swap3A_216, %swap3A_217], %swap3A_220 {strides = array<i32>} : memref<4x128xi32, #tpu.memory_space<vmem>>, vector<1x16xi32>,
    %get3A_221 = arith.constant 1 : i32
    %get3A_222 = arith.index_cast %get3A_221 : i32 to index
    %get3A_223 = arith.constant 112 : index
    %get3A_224 = tpu.vector_load %arg5[%get3A_222, %get3A_223] {strides = array<i32>} : memref<4x128xi32, #tpu.memory_space<vmem>>, vector<1x16xi32>,
    %get3A_225 = vector.shape_cast %get3A_224 : vector<1x16xi32> to vector<16xi32>
    %shift_right_logical3A_226 = arith.constant 12 : i32
    %shift_right_logical3A_227 = vector.broadcast %shift_right_logical3A_226 : i32 to vector<16xi32>
    %shift_right_logical3A_228 = arith.shrui %get3A_225, %shift_right_logical3A_227 : vector<16xi32>
    %swap3A_229 = arith.constant 1 : i32
    %swap3A_230 = arith.index_cast %swap3A_229 : i32 to index
    %swap3A_231 = arith.constant 112 : index
    %swap3A_232 = tpu.vector_load %arg6[%swap3A_230, %swap3A_231] {strides = array<i32>} : memref<4x128xi32, #tpu.memory_space<vmem>>, vector<1x16xi32>,
    %swap3A_233 = vector.shape_cast %swap3A_232 : vector<1x16xi32> to vector<16xi32>
    %swap3A_234 = vector.shape_cast %shift_right_logical3A_228 : vector<16xi32> to vector<1x16xi32>
    tpu.vector_store %arg6[%swap3A_230, %swap3A_231], %swap3A_234 {strides = array<i32>} : memref<4x128xi32, #tpu.memory_space<vmem>>, vector<1x16xi32>,
    %get3A_235 = arith.constant 2 : i32
    %get3A_236 = arith.index_cast %get3A_235 : i32 to index
    %get3A_237 = arith.constant 0 : index
    %get3A_238 = tpu.vector_load %arg5[%get3A_236, %get3A_237] {strides = array<i32>} : memref<4x128xi32, #tpu.memory_space<vmem>>, vector<1x16xi32>,
    %get3A_239 = vector.shape_cast %get3A_238 : vector<1x16xi32> to vector<16xi32>
    %shift_right_logical3A_240 = arith.constant 12 : i32
    %shift_right_logical3A_241 = vector.broadcast %shift_right_logical3A_240 : i32 to vector<16xi32>
    %shift_right_logical3A_242 = arith.shrui %get3A_239, %shift_right_logical3A_241 : vector<16xi32>
    %swap3A_243 = arith.constant 2 : i32
    %swap3A_244 = arith.index_cast %swap3A_243 : i32 to index
    %swap3A_245 = arith.constant 0 : index
    %swap3A_246 = tpu.vector_load %arg6[%swap3A_244, %swap3A_245] {strides = array<i32>} : memref<4x128xi32, #tpu.memory_space<vmem>>, vector<1x16xi32>,
    %swap3A_247 = vector.shape_cast %swap3A_246 : vector<1x16xi32> to vector<16xi32>
    %swap3A_248 = vector.shape_cast %shift_right_logical3A_242 : vector<16xi32> to vector<1x16xi32>
    tpu.vector_store %arg6[%swap3A_244, %swap3A_245], %swap3A_248 {strides = array<i32>} : memref<4x128xi32, #tpu.memory_space<vmem>>, vector<1x16xi32>,
    %get3A_249 = arith.constant 2 : i32
    %get3A_250 = arith.index_cast %get3A_249 : i32 to index
    %get3A_251 = arith.constant 16 : index
    %get3A_252 = tpu.vector_load %arg5[%get3A_250, %get3A_251] {strides = array<i32>} : memref<4x128xi32, #tpu.memory_space<vmem>>, vector<1x16xi32>,
    %get3A_253 = vector.shape_cast %get3A_252 : vector<1x16xi32> to vector<16xi32>
    %shift_right_logical3A_254 = arith.constant 12 : i32
    %shift_right_logical3A_255 = vector.broadcast %shift_right_logical3A_254 : i32 to vector<16xi32>
    %shift_right_logical3A_256 = arith.shrui %get3A_253, %shift_right_logical3A_255 : vector<16xi32>
    %swap3A_257 = arith.constant 2 : i32
    %swap3A_258 = arith.index_cast %swap3A_257 : i32 to index
    %swap3A_259 = arith.constant 16 : index
    %swap3A_260 = tpu.vector_load %arg6[%swap3A_258, %swap3A_259] {strides = array<i32>} : memref<4x128xi32, #tpu.memory_space<vmem>>, vector<1x16xi32>,
    %swap3A_261 = vector.shape_cast %swap3A_260 : vector<1x16xi32> to vector<16xi32>
    %swap3A_262 = vector.shape_cast %shift_right_logical3A_256 : vector<16xi32> to vector<1x16xi32>
    tpu.vector_store %arg6[%swap3A_258, %swap3A_259], %swap3A_262 {strides = array<i32>} : memref<4x128xi32, #tpu.memory_space<vmem>>, vector<1x16xi32>,
    %get3A_263 = arith.constant 2 : i32
    %get3A_264 = arith.index_cast %get3A_263 : i32 to index
    %get3A_265 = arith.constant 32 : index
    %get3A_266 = tpu.vector_load %arg5[%get3A_264, %get3A_265] {strides = array<i32>} : memref<4x128xi32, #tpu.memory_space<vmem>>, vector<1x16xi32>,
    %get3A_267 = vector.shape_cast %get3A_266 : vector<1x16xi32> to vector<16xi32>
    %shift_right_logical3A_268 = arith.constant 12 : i32
    %shift_right_logical3A_269 = vector.broadcast %shift_right_logical3A_268 : i32 to vector<16xi32>
    %shift_right_logical3A_270 = arith.shrui %get3A_267, %shift_right_logical3A_269 : vector<16xi32>
    %swap3A_271 = arith.constant 2 : i32
    %swap3A_272 = arith.index_cast %swap3A_271 : i32 to index
    %swap3A_273 = arith.constant 32 : index
    %swap3A_274 = tpu.vector_load %arg6[%swap3A_272, %swap3A_273] {strides = array<i32>} : memref<4x128xi32, #tpu.memory_space<vmem>>, vector<1x16xi32>,
    %swap3A_275 = vector.shape_cast %swap3A_274 : vector<1x16xi32> to vector<16xi32>
    %swap3A_276 = vector.shape_cast %shift_right_logical3A_270 : vector<16xi32> to vector<1x16xi32>
    tpu.vector_store %arg6[%swap3A_272, %swap3A_273], %swap3A_276 {strides = array<i32>} : memref<4x128xi32, #tpu.memory_space<vmem>>, vector<1x16xi32>,
    %get3A_277 = arith.constant 2 : i32
    %get3A_278 = arith.index_cast %get3A_277 : i32 to index
    %get3A_279 = arith.constant 48 : index
    %get3A_280 = tpu.vector_load %arg5[%get3A_278, %get3A_279] {strides = array<i32>} : memref<4x128xi32, #tpu.memory_space<vmem>>, vector<1x16xi32>,
    %get3A_281 = vector.shape_cast %get3A_280 : vector<1x16xi32> to vector<16xi32>
    %shift_right_logical3A_282 = arith.constant 12 : i32
    %shift_right_logical3A_283 = vector.broadcast %shift_right_logical3A_282 : i32 to vector<16xi32>
    %shift_right_logical3A_284 = arith.shrui %get3A_281, %shift_right_logical3A_283 : vector<16xi32>
    %swap3A_285 = arith.constant 2 : i32
    %swap3A_286 = arith.index_cast %swap3A_285 : i32 to index
    %swap3A_287 = arith.constant 48 : index
    %swap3A_288 = tpu.vector_load %arg6[%swap3A_286, %swap3A_287] {strides = array<i32>} : memref<4x128xi32, #tpu.memory_space<vmem>>, vector<1x16xi32>,
    %swap3A_289 = vector.shape_cast %swap3A_288 : vector<1x16xi32> to vector<16xi32>
    %swap3A_290 = vector.shape_cast %shift_right_logical3A_284 : vector<16xi32> to vector<1x16xi32>
    tpu.vector_store %arg6[%swap3A_286, %swap3A_287], %swap3A_290 {strides = array<i32>} : memref<4x128xi32, #tpu.memory_space<vmem>>, vector<1x16xi32>,
    %get3A_291 = arith.constant 2 : i32
    %get3A_292 = arith.index_cast %get3A_291 : i32 to index
    %get3A_293 = arith.constant 64 : index
    %get3A_294 = tpu.vector_load %arg5[%get3A_292, %get3A_293] {strides = array<i32>} : memref<4x128xi32, #tpu.memory_space<vmem>>, vector<1x16xi32>,
    %get3A_295 = vector.shape_cast %get3A_294 : vector<1x16xi32> to vector<16xi32>
    %shift_right_logical3A_296 = arith.constant 12 : i32
    %shift_right_logical3A_297 = vector.broadcast %shift_right_logical3A_296 : i32 to vector<16xi32>
    %shift_right_logical3A_298 = arith.shrui %get3A_295, %shift_right_logical3A_297 : vector<16xi32>
    %swap3A_299 = arith.constant 2 : i32
    %swap3A_300 = arith.index_cast %swap3A_299 : i32 to index
    %swap3A_301 = arith.constant 64 : index
    %swap3A_302 = tpu.vector_load %arg6[%swap3A_300, %swap3A_301] {strides = array<i32>} : memref<4x128xi32, #tpu.memory_space<vmem>>, vector<1x16xi32>,
    %swap3A_303 = vector.shape_cast %swap3A_302 : vector<1x16xi32> to vector<16xi32>
    %swap3A_304 = vector.shape_cast %shift_right_logical3A_298 : vector<16xi32> to vector<1x16xi32>
    tpu.vector_store %arg6[%swap3A_300, %swap3A_301], %swap3A_304 {strides = array<i32>} : memref<4x128xi32, #tpu.memory_space<vmem>>, vector<1x16xi32>,
    %get3A_305 = arith.constant 2 : i32
    %get3A_306 = arith.index_cast %get3A_305 : i32 to index
    %get3A_307 = arith.constant 80 : index
    %get3A_308 = tpu.vector_load %arg5[%get3A_306, %get3A_307] {strides = array<i32>} : memref<4x128xi32, #tpu.memory_space<vmem>>, vector<1x16xi32>,
    %get3A_309 = vector.shape_cast %get3A_308 : vector<1x16xi32> to vector<16xi32>
    %shift_right_logical3A_310 = arith.constant 12 : i32
    %shift_right_logical3A_311 = vector.broadcast %shift_right_logical3A_310 : i32 to vector<16xi32>
    %shift_right_logical3A_312 = arith.shrui %get3A_309, %shift_right_logical3A_311 : vector<16xi32>
    %swap3A_313 = arith.constant 2 : i32
    %swap3A_314 = arith.index_cast %swap3A_313 : i32 to index
    %swap3A_315 = arith.constant 80 : index
    %swap3A_316 = tpu.vector_load %arg6[%swap3A_314, %swap3A_315] {strides = array<i32>} : memref<4x128xi32, #tpu.memory_space<vmem>>, vector<1x16xi32>,
    %swap3A_317 = vector.shape_cast %swap3A_316 : vector<1x16xi32> to vector<16xi32>
    %swap3A_318 = vector.shape_cast %shift_right_logical3A_312 : vector<16xi32> to vector<1x16xi32>
    tpu.vector_store %arg6[%swap3A_314, %swap3A_315], %swap3A_318 {strides = array<i32>} : memref<4x128xi32, #tpu.memory_space<vmem>>, vector<1x16xi32>,
    %get3A_319 = arith.constant 2 : i32
    %get3A_320 = arith.index_cast %get3A_319 : i32 to index
    %get3A_321 = arith.constant 96 : index
    %get3A_322 = tpu.vector_load %arg5[%get3A_320, %get3A_321] {strides = array<i32>} : memref<4x128xi32, #tpu.memory_space<vmem>>, vector<1x16xi32>,
    %get3A_323 = vector.shape_cast %get3A_322 : vector<1x16xi32> to vector<16xi32>
    %shift_right_logical3A_324 = arith.constant 12 : i32
    %shift_right_logical3A_325 = vector.broadcast %shift_right_logical3A_324 : i32 to vector<16xi32>
    %shift_right_logical3A_326 = arith.shrui %get3A_323, %shift_right_logical3A_325 : vector<16xi32>
    %swap3A_327 = arith.constant 2 : i32
    %swap3A_328 = arith.index_cast %swap3A_327 : i32 to index
    %swap3A_329 = arith.constant 96 : index
    %swap3A_330 = tpu.vector_load %arg6[%swap3A_328, %swap3A_329] {strides = array<i32>} : memref<4x128xi32, #tpu.memory_space<vmem>>, vector<1x16xi32>,
    %swap3A_331 = vector.shape_cast %swap3A_330 : vector<1x16xi32> to vector<16xi32>
    %swap3A_332 = vector.shape_cast %shift_right_logical3A_326 : vector<16xi32> to vector<1x16xi32>
    tpu.vector_store %arg6[%swap3A_328, %swap3A_329], %swap3A_332 {strides = array<i32>} : memref<4x128xi32, #tpu.memory_space<vmem>>, vector<1x16xi32>,
    %get3A_333 = arith.constant 2 : i32
    %get3A_334 = arith.index_cast %get3A_333 : i32 to index
    %get3A_335 = arith.constant 112 : index
    %get3A_336 = tpu.vector_load %arg5[%get3A_334, %get3A_335] {strides = array<i32>} : memref<4x128xi32, #tpu.memory_space<vmem>>, vector<1x16xi32>,
    %get3A_337 = vector.shape_cast %get3A_336 : vector<1x16xi32> to vector<16xi32>
    %shift_right_logical3A_338 = arith.constant 12 : i32
    %shift_right_logical3A_339 = vector.broadcast %shift_right_logical3A_338 : i32 to vector<16xi32>
    %shift_right_logical3A_340 = arith.shrui %get3A_337, %shift_right_logical3A_339 : vector<16xi32>
    %swap3A_341 = arith.constant 2 : i32
    %swap3A_342 = arith.index_cast %swap3A_341 : i32 to index
    %swap3A_343 = arith.constant 112 : index
    %swap3A_344 = tpu.vector_load %arg6[%swap3A_342, %swap3A_343] {strides = array<i32>} : memref<4x128xi32, #tpu.memory_space<vmem>>, vector<1x16xi32>,
    %swap3A_345 = vector.shape_cast %swap3A_344 : vector<1x16xi32> to vector<16xi32>
    %swap3A_346 = vector.shape_cast %shift_right_logical3A_340 : vector<16xi32> to vector<1x16xi32>
    tpu.vector_store %arg6[%swap3A_342, %swap3A_343], %swap3A_346 {strides = array<i32>} : memref<4x128xi32, #tpu.memory_space<vmem>>, vector<1x16xi32>,
    %get3A_347 = arith.constant 3 : i32
    %get3A_348 = arith.index_cast %get3A_347 : i32 to index
    %get3A_349 = arith.constant 0 : index
    %get3A_350 = tpu.vector_load %arg5[%get3A_348, %get3A_349] {strides = array<i32>} : memref<4x128xi32, #tpu.memory_space<vmem>>, vector<1x16xi32>,
    %get3A_351 = vector.shape_cast %get3A_350 : vector<1x16xi32> to vector<16xi32>
    %shift_right_logical3A_352 = arith.constant 12 : i32
    %shift_right_logical3A_353 = vector.broadcast %shift_right_logical3A_352 : i32 to vector<16xi32>
    %shift_right_logical3A_354 = arith.shrui %get3A_351, %shift_right_logical3A_353 : vector<16xi32>
    %swap3A_355 = arith.constant 3 : i32
    %swap3A_356 = arith.index_cast %swap3A_355 : i32 to index
    %swap3A_357 = arith.constant 0 : index
    %swap3A_358 = tpu.vector_load %arg6[%swap3A_356, %swap3A_357] {strides = array<i32>} : memref<4x128xi32, #tpu.memory_space<vmem>>, vector<1x16xi32>,
    %swap3A_359 = vector.shape_cast %swap3A_358 : vector<1x16xi32> to vector<16xi32>
    %swap3A_360 = vector.shape_cast %shift_right_logical3A_354 : vector<16xi32> to vector<1x16xi32>
    tpu.vector_store %arg6[%swap3A_356, %swap3A_357], %swap3A_360 {strides = array<i32>} : memref<4x128xi32, #tpu.memory_space<vmem>>, vector<1x16xi32>,
    %get3A_361 = arith.constant 3 : i32
    %get3A_362 = arith.index_cast %get3A_361 : i32 to index
    %get3A_363 = arith.constant 16 : index
    %get3A_364 = tpu.vector_load %arg5[%get3A_362, %get3A_363] {strides = array<i32>} : memref<4x128xi32, #tpu.memory_space<vmem>>, vector<1x16xi32>,
    %get3A_365 = vector.shape_cast %get3A_364 : vector<1x16xi32> to vector<16xi32>
    %shift_right_logical3A_366 = arith.constant 12 : i32
    %shift_right_logical3A_367 = vector.broadcast %shift_right_logical3A_366 : i32 to vector<16xi32>
    %shift_right_logical3A_368 = arith.shrui %get3A_365, %shift_right_logical3A_367 : vector<16xi32>
    %swap3A_369 = arith.constant 3 : i32
    %swap3A_370 = arith.index_cast %swap3A_369 : i32 to index
    %swap3A_371 = arith.constant 16 : index
    %swap3A_372 = tpu.vector_load %arg6[%swap3A_370, %swap3A_371] {strides = array<i32>} : memref<4x128xi32, #tpu.memory_space<vmem>>, vector<1x16xi32>,
    %swap3A_373 = vector.shape_cast %swap3A_372 : vector<1x16xi32> to vector<16xi32>
    %swap3A_374 = vector.shape_cast %shift_right_logical3A_368 : vector<16xi32> to vector<1x16xi32>
    tpu.vector_store %arg6[%swap3A_370, %swap3A_371], %swap3A_374 {strides = array<i32>} : memref<4x128xi32, #tpu.memory_space<vmem>>, vector<1x16xi32>,
    %get3A_375 = arith.constant 3 : i32
    %get3A_376 = arith.index_cast %get3A_375 : i32 to index
    %get3A_377 = arith.constant 32 : index
    %get3A_378 = tpu.vector_load %arg5[%get3A_376, %get3A_377] {strides = array<i32>} : memref<4x128xi32, #tpu.memory_space<vmem>>, vector<1x16xi32>,
    %get3A_379 = vector.shape_cast %get3A_378 : vector<1x16xi32> to vector<16xi32>
    %shift_right_logical3A_380 = arith.constant 12 : i32
    %shift_right_logical3A_381 = vector.broadcast %shift_right_logical3A_380 : i32 to vector<16xi32>
    %shift_right_logical3A_382 = arith.shrui %get3A_379, %shift_right_logical3A_381 : vector<16xi32>
    %swap3A_383 = arith.constant 3 : i32
    %swap3A_384 = arith.index_cast %swap3A_383 : i32 to index
    %swap3A_385 = arith.constant 32 : index
    %swap3A_386 = tpu.vector_load %arg6[%swap3A_384, %swap3A_385] {strides = array<i32>} : memref<4x128xi32, #tpu.memory_space<vmem>>, vector<1x16xi32>,
    %swap3A_387 = vector.shape_cast %swap3A_386 : vector<1x16xi32> to vector<16xi32>
    %swap3A_388 = vector.shape_cast %shift_right_logical3A_382 : vector<16xi32> to vector<1x16xi32>
    tpu.vector_store %arg6[%swap3A_384, %swap3A_385], %swap3A_388 {strides = array<i32>} : memref<4x128xi32, #tpu.memory_space<vmem>>, vector<1x16xi32>,
    %get3A_389 = arith.constant 3 : i32
    %get3A_390 = arith.index_cast %get3A_389 : i32 to index
    %get3A_391 = arith.constant 48 : index
    %get3A_392 = tpu.vector_load %arg5[%get3A_390, %get3A_391] {strides = array<i32>} : memref<4x128xi32, #tpu.memory_space<vmem>>, vector<1x16xi32>,
    %get3A_393 = vector.shape_cast %get3A_392 : vector<1x16xi32> to vector<16xi32>
    %shift_right_logical3A_394 = arith.constant 12 : i32
    %shift_right_logical3A_395 = vector.broadcast %shift_right_logical3A_394 : i32 to vector<16xi32>
    %shift_right_logical3A_396 = arith.shrui %get3A_393, %shift_right_logical3A_395 : vector<16xi32>
    %swap3A_397 = arith.constant 3 : i32
    %swap3A_398 = arith.index_cast %swap3A_397 : i32 to index
    %swap3A_399 = arith.constant 48 : index
    %swap3A_400 = tpu.vector_load %arg6[%swap3A_398, %swap3A_399] {strides = array<i32>} : memref<4x128xi32, #tpu.memory_space<vmem>>, vector<1x16xi32>,
    %swap3A_401 = vector.shape_cast %swap3A_400 : vector<1x16xi32> to vector<16xi32>
    %swap3A_402 = vector.shape_cast %shift_right_logical3A_396 : vector<16xi32> to vector<1x16xi32>
    tpu.vector_store %arg6[%swap3A_398, %swap3A_399], %swap3A_402 {strides = array<i32>} : memref<4x128xi32, #tpu.memory_space<vmem>>, vector<1x16xi32>,
    %get3A_403 = arith.constant 3 : i32
    %get3A_404 = arith.index_cast %get3A_403 : i32 to index
    %get3A_405 = arith.constant 64 : index
    %get3A_406 = tpu.vector_load %arg5[%get3A_404, %get3A_405] {strides = array<i32>} : memref<4x128xi32, #tpu.memory_space<vmem>>, vector<1x16xi32>,
    %get3A_407 = vector.shape_cast %get3A_406 : vector<1x16xi32> to vector<16xi32>
    %shift_right_logical3A_408 = arith.constant 12 : i32
    %shift_right_logical3A_409 = vector.broadcast %shift_right_logical3A_408 : i32 to vector<16xi32>
    %shift_right_logical3A_410 = arith.shrui %get3A_407, %shift_right_logical3A_409 : vector<16xi32>
    %swap3A_411 = arith.constant 3 : i32
    %swap3A_412 = arith.index_cast %swap3A_411 : i32 to index
    %swap3A_413 = arith.constant 64 : index
    %swap3A_414 = tpu.vector_load %arg6[%swap3A_412, %swap3A_413] {strides = array<i32>} : memref<4x128xi32, #tpu.memory_space<vmem>>, vector<1x16xi32>,
    %swap3A_415 = vector.shape_cast %swap3A_414 : vector<1x16xi32> to vector<16xi32>
    %swap3A_416 = vector.shape_cast %shift_right_logical3A_410 : vector<16xi32> to vector<1x16xi32>
    tpu.vector_store %arg6[%swap3A_412, %swap3A_413], %swap3A_416 {strides = array<i32>} : memref<4x128xi32, #tpu.memory_space<vmem>>, vector<1x16xi32>,
    %get3A_417 = arith.constant 3 : i32
    %get3A_418 = arith.index_cast %get3A_417 : i32 to index
    %get3A_419 = arith.constant 80 : index
    %get3A_420 = tpu.vector_load %arg5[%get3A_418, %get3A_419] {strides = array<i32>} : memref<4x128xi32, #tpu.memory_space<vmem>>, vector<1x16xi32>,
    %get3A_421 = vector.shape_cast %get3A_420 : vector<1x16xi32> to vector<16xi32>
    %shift_right_logical3A_422 = arith.constant 12 : i32
    %shift_right_logical3A_423 = vector.broadcast %shift_right_logical3A_422 : i32 to vector<16xi32>
    %shift_right_logical3A_424 = arith.shrui %get3A_421, %shift_right_logical3A_423 : vector<16xi32>
    %swap3A_425 = arith.constant 3 : i32
    %swap3A_426 = arith.index_cast %swap3A_425 : i32 to index
    %swap3A_427 = arith.constant 80 : index
    %swap3A_428 = tpu.vector_load %arg6[%swap3A_426, %swap3A_427] {strides = array<i32>} : memref<4x128xi32, #tpu.memory_space<vmem>>, vector<1x16xi32>,
    %swap3A_429 = vector.shape_cast %swap3A_428 : vector<1x16xi32> to vector<16xi32>
    %swap3A_430 = vector.shape_cast %shift_right_logical3A_424 : vector<16xi32> to vector<1x16xi32>
    tpu.vector_store %arg6[%swap3A_426, %swap3A_427], %swap3A_430 {strides = array<i32>} : memref<4x128xi32, #tpu.memory_space<vmem>>, vector<1x16xi32>,
    %get3A_431 = arith.constant 3 : i32
    %get3A_432 = arith.index_cast %get3A_431 : i32 to index
    %get3A_433 = arith.constant 96 : index
    %get3A_434 = tpu.vector_load %arg5[%get3A_432, %get3A_433] {strides = array<i32>} : memref<4x128xi32, #tpu.memory_space<vmem>>, vector<1x16xi32>,
    %get3A_435 = vector.shape_cast %get3A_434 : vector<1x16xi32> to vector<16xi32>
    %shift_right_logical3A_436 = arith.constant 12 : i32
    %shift_right_logical3A_437 = vector.broadcast %shift_right_logical3A_436 : i32 to vector<16xi32>
    %shift_right_logical3A_438 = arith.shrui %get3A_435, %shift_right_logical3A_437 : vector<16xi32>
    %swap3A_439 = arith.constant 3 : i32
    %swap3A_440 = arith.index_cast %swap3A_439 : i32 to index
    %swap3A_441 = arith.constant 96 : index
    %swap3A_442 = tpu.vector_load %arg6[%swap3A_440, %swap3A_441] {strides = array<i32>} : memref<4x128xi32, #tpu.memory_space<vmem>>, vector<1x16xi32>,
    %swap3A_443 = vector.shape_cast %swap3A_442 : vector<1x16xi32> to vector<16xi32>
    %swap3A_444 = vector.shape_cast %shift_right_logical3A_438 : vector<16xi32> to vector<1x16xi32>
    tpu.vector_store %arg6[%swap3A_440, %swap3A_441], %swap3A_444 {strides = array<i32>} : memref<4x128xi32, #tpu.memory_space<vmem>>, vector<1x16xi32>,
    %get3A_445 = arith.constant 3 : i32
    %get3A_446 = arith.index_cast %get3A_445 : i32 to index
    %get3A_447 = arith.constant 112 : index
    %get3A_448 = tpu.vector_load %arg5[%get3A_446, %get3A_447] {strides = array<i32>} : memref<4x128xi32, #tpu.memory_space<vmem>>, vector<1x16xi32>,
    %get3A_449 = vector.shape_cast %get3A_448 : vector<1x16xi32> to vector<16xi32>
    %shift_right_logical3A_450 = arith.constant 12 : i32
    %shift_right_logical3A_451 = vector.broadcast %shift_right_logical3A_450 : i32 to vector<16xi32>
    %shift_right_logical3A_452 = arith.shrui %get3A_449, %shift_right_logical3A_451 : vector<16xi32>
    %swap3A_453 = arith.constant 3 : i32
    %swap3A_454 = arith.index_cast %swap3A_453 : i32 to index
    %swap3A_455 = arith.constant 112 : index
    %swap3A_456 = tpu.vector_load %arg6[%swap3A_454, %swap3A_455] {strides = array<i32>} : memref<4x128xi32, #tpu.memory_space<vmem>>, vector<1x16xi32>,
    %swap3A_457 = vector.shape_cast %swap3A_456 : vector<1x16xi32> to vector<16xi32>
    %swap3A_458 = vector.shape_cast %shift_right_logical3A_452 : vector<16xi32> to vector<1x16xi32>
    tpu.vector_store %arg6[%swap3A_454, %swap3A_455], %swap3A_458 {strides = array<i32>} : memref<4x128xi32, #tpu.memory_space<vmem>>, vector<1x16xi32>,
    %dma_start3A = arith.constant 0 : i32
    %dma_start3A_459 = arith.constant 0 : i32
    %dma_start3A_460 = arith.constant 0 : i32
    %dma_start3A_461 = arith.constant 0 : i32
    %dma_start3A_462 = tpu.memref_slice %arg7[%dma_start3A_459, %dma_start3A_460, %dma_start3A_461] : memref<4x128x128xi32, #tpu.memory_space<vmem>> -> memref<1x128x128xi32, #tpu.memory_space<vmem>>
    %dma_start3A_463 = tpu.memref_squeeze %dma_start3A_462 : memref<1x128x128xi32, #tpu.memory_space<vmem>> -> memref<128x128xi32, #tpu.memory_space<vmem>>
    %dma_start3A_464 = arith.constant 0 : i32
    %dma_start3A_465 = tpu.memref_slice %arg6[%dma_start3A, %dma_start3A_464] : memref<4x128xi32, #tpu.memory_space<vmem>> -> memref<1x128xi32, #tpu.memory_space<vmem>>
    %dma_start3A_466 = tpu.memref_squeeze %dma_start3A_465 : memref<1x128xi32, #tpu.memory_space<vmem>> -> memref<128xi32, #tpu.memory_space<vmem>>
    %dma_start3A_467 = tpu.memref_bitcast %arg2 : memref<16384x128xi8, #tpu.memory_space<hbm>> -> memref<4096x128xi32, #tpu.memory_space<hbm>>
    %dma_start3A_468 = arith.constant 0 : i32
    %dma_start3A_469 = arith.constant 0 : i32
    %dma_start3A_470 = tpu.memref_slice %dma_start3A_467[%dma_start3A_468, %dma_start3A_469] : memref<4096x128xi32, #tpu.memory_space<hbm>> -> memref<4096x128xi32, #tpu.memory_space<hbm>>
    tpu.enqueue_indirect_dma source(%dma_start3A_470 : memref<4096x128xi32, #tpu.memory_space<hbm>>) target(%dma_start3A_463 : memref<128x128xi32, #tpu.memory_space<vmem>>) offsets(%dma_start3A_466 : memref<128xi32, #tpu.memory_space<vmem>>) semaphore(%arg9 : memref<!tpu.dma_semaphore, #tpu.memory_space<semaphore_mem>>)
    %dma_start3A_471 = arith.constant 1 : i32
    %dma_start3A_472 = arith.constant 1 : i32
    %dma_start3A_473 = arith.constant 0 : i32
    %dma_start3A_474 = arith.constant 0 : i32
    %dma_start3A_475 = tpu.memref_slice %arg7[%dma_start3A_472, %dma_start3A_473, %dma_start3A_474] : memref<4x128x128xi32, #tpu.memory_space<vmem>> -> memref<1x128x128xi32, #tpu.memory_space<vmem>>
    %dma_start3A_476 = tpu.memref_squeeze %dma_start3A_475 : memref<1x128x128xi32, #tpu.memory_space<vmem>> -> memref<128x128xi32, #tpu.memory_space<vmem>>
    %dma_start3A_477 = arith.constant 0 : i32
    %dma_start3A_478 = tpu.memref_slice %arg6[%dma_start3A_471, %dma_start3A_477] : memref<4x128xi32, #tpu.memory_space<vmem>> -> memref<1x128xi32, #tpu.memory_space<vmem>>
    %dma_start3A_479 = tpu.memref_squeeze %dma_start3A_478 : memref<1x128xi32, #tpu.memory_space<vmem>> -> memref<128xi32, #tpu.memory_space<vmem>>
    %dma_start3A_480 = tpu.memref_bitcast %arg2 : memref<16384x128xi8, #tpu.memory_space<hbm>> -> memref<4096x128xi32, #tpu.memory_space<hbm>>
    %dma_start3A_481 = arith.constant 0 : i32
    %dma_start3A_482 = arith.constant 0 : i32
    %dma_start3A_483 = tpu.memref_slice %dma_start3A_480[%dma_start3A_481, %dma_start3A_482] : memref<4096x128xi32, #tpu.memory_space<hbm>> -> memref<4096x128xi32, #tpu.memory_space<hbm>>
    tpu.enqueue_indirect_dma source(%dma_start3A_483 : memref<4096x128xi32, #tpu.memory_space<hbm>>) target(%dma_start3A_476 : memref<128x128xi32, #tpu.memory_space<vmem>>) offsets(%dma_start3A_479 : memref<128xi32, #tpu.memory_space<vmem>>) semaphore(%arg9 : memref<!tpu.dma_semaphore, #tpu.memory_space<semaphore_mem>>)
    %dma_start3A_484 = arith.constant 2 : i32
    %dma_start3A_485 = arith.constant 2 : i32
    %dma_start3A_486 = arith.constant 0 : i32
    %dma_start3A_487 = arith.constant 0 : i32
    %dma_start3A_488 = tpu.memref_slice %arg7[%dma_start3A_485, %dma_start3A_486, %dma_start3A_487] : memref<4x128x128xi32, #tpu.memory_space<vmem>> -> memref<1x128x128xi32, #tpu.memory_space<vmem>>
    %dma_start3A_489 = tpu.memref_squeeze %dma_start3A_488 : memref<1x128x128xi32, #tpu.memory_space<vmem>> -> memref<128x128xi32, #tpu.memory_space<vmem>>
    %dma_start3A_490 = arith.constant 0 : i32
    %dma_start3A_491 = tpu.memref_slice %arg6[%dma_start3A_484, %dma_start3A_490] : memref<4x128xi32, #tpu.memory_space<vmem>> -> memref<1x128xi32, #tpu.memory_space<vmem>>
    %dma_start3A_492 = tpu.memref_squeeze %dma_start3A_491 : memref<1x128xi32, #tpu.memory_space<vmem>> -> memref<128xi32, #tpu.memory_space<vmem>>
    %dma_start3A_493 = tpu.memref_bitcast %arg2 : memref<16384x128xi8, #tpu.memory_space<hbm>> -> memref<4096x128xi32, #tpu.memory_space<hbm>>
    %dma_start3A_494 = arith.constant 0 : i32
    %dma_start3A_495 = arith.constant 0 : i32
    %dma_start3A_496 = tpu.memref_slice %dma_start3A_493[%dma_start3A_494, %dma_start3A_495] : memref<4096x128xi32, #tpu.memory_space<hbm>> -> memref<4096x128xi32, #tpu.memory_space<hbm>>
    tpu.enqueue_indirect_dma source(%dma_start3A_496 : memref<4096x128xi32, #tpu.memory_space<hbm>>) target(%dma_start3A_489 : memref<128x128xi32, #tpu.memory_space<vmem>>) offsets(%dma_start3A_492 : memref<128xi32, #tpu.memory_space<vmem>>) semaphore(%arg9 : memref<!tpu.dma_semaphore, #tpu.memory_space<semaphore_mem>>)
    %dma_start3A_497 = arith.constant 3 : i32
    %dma_start3A_498 = arith.constant 3 : i32
    %dma_start3A_499 = arith.constant 0 : i32
    %dma_start3A_500 = arith.constant 0 : i32
    %dma_start3A_501 = tpu.memref_slice %arg7[%dma_start3A_498, %dma_start3A_499, %dma_start3A_500] : memref<4x128x128xi32, #tpu.memory_space<vmem>> -> memref<1x128x128xi32, #tpu.memory_space<vmem>>
    %dma_start3A_502 = tpu.memref_squeeze %dma_start3A_501 : memref<1x128x128xi32, #tpu.memory_space<vmem>> -> memref<128x128xi32, #tpu.memory_space<vmem>>
    %dma_start3A_503 = arith.constant 0 : i32
    %dma_start3A_504 = tpu.memref_slice %arg6[%dma_start3A_497, %dma_start3A_503] : memref<4x128xi32, #tpu.memory_space<vmem>> -> memref<1x128xi32, #tpu.memory_space<vmem>>
    %dma_start3A_505 = tpu.memref_squeeze %dma_start3A_504 : memref<1x128xi32, #tpu.memory_space<vmem>> -> memref<128xi32, #tpu.memory_space<vmem>>
    %dma_start3A_506 = tpu.memref_bitcast %arg2 : memref<16384x128xi8, #tpu.memory_space<hbm>> -> memref<4096x128xi32, #tpu.memory_space<hbm>>
    %dma_start3A_507 = arith.constant 0 : i32
    %dma_start3A_508 = arith.constant 0 : i32
    %dma_start3A_509 = tpu.memref_slice %dma_start3A_506[%dma_start3A_507, %dma_start3A_508] : memref<4096x128xi32, #tpu.memory_space<hbm>> -> memref<4096x128xi32, #tpu.memory_space<hbm>>
    tpu.enqueue_indirect_dma source(%dma_start3A_509 : memref<4096x128xi32, #tpu.memory_space<hbm>>) target(%dma_start3A_502 : memref<128x128xi32, #tpu.memory_space<vmem>>) offsets(%dma_start3A_505 : memref<128xi32, #tpu.memory_space<vmem>>) semaphore(%arg9 : memref<!tpu.dma_semaphore, #tpu.memory_space<semaphore_mem>>)
    %dma_wait3A = arith.constant 0 : i32
    %dma_wait3A_510 = arith.constant 0 : i32
    %dma_wait3A_511 = arith.constant 0 : i32
    %dma_wait3A_512 = arith.constant 0 : i32
    %dma_wait3A_513 = tpu.memref_slice %arg7[%dma_wait3A_510, %dma_wait3A_511, %dma_wait3A_512] : memref<4x128x128xi32, #tpu.memory_space<vmem>> -> memref<1x128x128xi32, #tpu.memory_space<vmem>>
    %dma_wait3A_514 = tpu.memref_squeeze %dma_wait3A_513 : memref<1x128x128xi32, #tpu.memory_space<vmem>> -> memref<128x128xi32, #tpu.memory_space<vmem>>
    %dma_wait3A_515 = arith.constant 0 : i32
    %dma_wait3A_516 = tpu.memref_slice %arg6[%dma_wait3A, %dma_wait3A_515] : memref<4x128xi32, #tpu.memory_space<vmem>> -> memref<1x128xi32, #tpu.memory_space<vmem>>
    %dma_wait3A_517 = tpu.memref_squeeze %dma_wait3A_516 : memref<1x128xi32, #tpu.memory_space<vmem>> -> memref<128xi32, #tpu.memory_space<vmem>>
    %dma_wait3A_518 = tpu.memref_bitcast %arg2 : memref<16384x128xi8, #tpu.memory_space<hbm>> -> memref<4096x128xi32, #tpu.memory_space<hbm>>
    %dma_wait3A_519 = arith.constant 0 : i32
    %dma_wait3A_520 = arith.constant 0 : i32
    %dma_wait3A_521 = tpu.memref_slice %dma_wait3A_518[%dma_wait3A_519, %dma_wait3A_520] : memref<4096x128xi32, #tpu.memory_space<hbm>> -> memref<4096x128xi32, #tpu.memory_space<hbm>>
    tpu.wait_indirect_dma semaphore(%arg9 : memref<!tpu.dma_semaphore, #tpu.memory_space<semaphore_mem>>) src(%dma_wait3A_521 : memref<4096x128xi32, #tpu.memory_space<hbm>>) dst(%dma_wait3A_514 : memref<128x128xi32, #tpu.memory_space<vmem>>)
    %dma_wait3A_522 = arith.constant 1 : i32
    %dma_wait3A_523 = arith.constant 1 : i32
    %dma_wait3A_524 = arith.constant 0 : i32
    %dma_wait3A_525 = arith.constant 0 : i32
    %dma_wait3A_526 = tpu.memref_slice %arg7[%dma_wait3A_523, %dma_wait3A_524, %dma_wait3A_525] : memref<4x128x128xi32, #tpu.memory_space<vmem>> -> memref<1x128x128xi32, #tpu.memory_space<vmem>>
    %dma_wait3A_527 = tpu.memref_squeeze %dma_wait3A_526 : memref<1x128x128xi32, #tpu.memory_space<vmem>> -> memref<128x128xi32, #tpu.memory_space<vmem>>
    %dma_wait3A_528 = arith.constant 0 : i32
    %dma_wait3A_529 = tpu.memref_slice %arg6[%dma_wait3A_522, %dma_wait3A_528] : memref<4x128xi32, #tpu.memory_space<vmem>> -> memref<1x128xi32, #tpu.memory_space<vmem>>
    %dma_wait3A_530 = tpu.memref_squeeze %dma_wait3A_529 : memref<1x128xi32, #tpu.memory_space<vmem>> -> memref<128xi32, #tpu.memory_space<vmem>>
    %dma_wait3A_531 = tpu.memref_bitcast %arg2 : memref<16384x128xi8, #tpu.memory_space<hbm>> -> memref<4096x128xi32, #tpu.memory_space<hbm>>
    %dma_wait3A_532 = arith.constant 0 : i32
    %dma_wait3A_533 = arith.constant 0 : i32
    %dma_wait3A_534 = tpu.memref_slice %dma_wait3A_531[%dma_wait3A_532, %dma_wait3A_533] : memref<4096x128xi32, #tpu.memory_space<hbm>> -> memref<4096x128xi32, #tpu.memory_space<hbm>>
    tpu.wait_indirect_dma semaphore(%arg9 : memref<!tpu.dma_semaphore, #tpu.memory_space<semaphore_mem>>) src(%dma_wait3A_534 : memref<4096x128xi32, #tpu.memory_space<hbm>>) dst(%dma_wait3A_527 : memref<128x128xi32, #tpu.memory_space<vmem>>)
    %dma_wait3A_535 = arith.constant 2 : i32
    %dma_wait3A_536 = arith.constant 2 : i32
    %dma_wait3A_537 = arith.constant 0 : i32
    %dma_wait3A_538 = arith.constant 0 : i32
    %dma_wait3A_539 = tpu.memref_slice %arg7[%dma_wait3A_536, %dma_wait3A_537, %dma_wait3A_538] : memref<4x128x128xi32, #tpu.memory_space<vmem>> -> memref<1x128x128xi32, #tpu.memory_space<vmem>>
    %dma_wait3A_540 = tpu.memref_squeeze %dma_wait3A_539 : memref<1x128x128xi32, #tpu.memory_space<vmem>> -> memref<128x128xi32, #tpu.memory_space<vmem>>
    %dma_wait3A_541 = arith.constant 0 : i32
    %dma_wait3A_542 = tpu.memref_slice %arg6[%dma_wait3A_535, %dma_wait3A_541] : memref<4x128xi32, #tpu.memory_space<vmem>> -> memref<1x128xi32, #tpu.memory_space<vmem>>
    %dma_wait3A_543 = tpu.memref_squeeze %dma_wait3A_542 : memref<1x128xi32, #tpu.memory_space<vmem>> -> memref<128xi32, #tpu.memory_space<vmem>>
    %dma_wait3A_544 = tpu.memref_bitcast %arg2 : memref<16384x128xi8, #tpu.memory_space<hbm>> -> memref<4096x128xi32, #tpu.memory_space<hbm>>
    %dma_wait3A_545 = arith.constant 0 : i32
    %dma_wait3A_546 = arith.constant 0 : i32
    %dma_wait3A_547 = tpu.memref_slice %dma_wait3A_544[%dma_wait3A_545, %dma_wait3A_546] : memref<4096x128xi32, #tpu.memory_space<hbm>> -> memref<4096x128xi32, #tpu.memory_space<hbm>>
    tpu.wait_indirect_dma semaphore(%arg9 : memref<!tpu.dma_semaphore, #tpu.memory_space<semaphore_mem>>) src(%dma_wait3A_547 : memref<4096x128xi32, #tpu.memory_space<hbm>>) dst(%dma_wait3A_540 : memref<128x128xi32, #tpu.memory_space<vmem>>)
    %dma_wait3A_548 = arith.constant 3 : i32
    %dma_wait3A_549 = arith.constant 3 : i32
    %dma_wait3A_550 = arith.constant 0 : i32
    %dma_wait3A_551 = arith.constant 0 : i32
    %dma_wait3A_552 = tpu.memref_slice %arg7[%dma_wait3A_549, %dma_wait3A_550, %dma_wait3A_551] : memref<4x128x128xi32, #tpu.memory_space<vmem>> -> memref<1x128x128xi32, #tpu.memory_space<vmem>>
    %dma_wait3A_553 = tpu.memref_squeeze %dma_wait3A_552 : memref<1x128x128xi32, #tpu.memory_space<vmem>> -> memref<128x128xi32, #tpu.memory_space<vmem>>
    %dma_wait3A_554 = arith.constant 0 : i32
    %dma_wait3A_555 = tpu.memref_slice %arg6[%dma_wait3A_548, %dma_wait3A_554] : memref<4x128xi32, #tpu.memory_space<vmem>> -> memref<1x128xi32, #tpu.memory_space<vmem>>
    %dma_wait3A_556 = tpu.memref_squeeze %dma_wait3A_555 : memref<1x128xi32, #tpu.memory_space<vmem>> -> memref<128xi32, #tpu.memory_space<vmem>>
    %dma_wait3A_557 = tpu.memref_bitcast %arg2 : memref<16384x128xi8, #tpu.memory_space<hbm>> -> memref<4096x128xi32, #tpu.memory_space<hbm>>
    %dma_wait3A_558 = arith.constant 0 : i32
    %dma_wait3A_559 = arith.constant 0 : i32
    %dma_wait3A_560 = tpu.memref_slice %dma_wait3A_557[%dma_wait3A_558, %dma_wait3A_559] : memref<4096x128xi32, #tpu.memory_space<hbm>> -> memref<4096x128xi32, #tpu.memory_space<hbm>>
    tpu.wait_indirect_dma semaphore(%arg9 : memref<!tpu.dma_semaphore, #tpu.memory_space<semaphore_mem>>) src(%dma_wait3A_560 : memref<4096x128xi32, #tpu.memory_space<hbm>>) dst(%dma_wait3A_553 : memref<128x128xi32, #tpu.memory_space<vmem>>)
    %scan3A = arith.constant 0 : i32
    %scan3A_561 = arith.constant 0 : i32
    %scan3A_562 = arith.constant 32 : i32
    %scan3A_563 = arith.addi %scan3A_561, %scan3A_562 : i32
    %scan3A_564 = arith.constant 1 : i32
    scf.for %scan3A_578 = %scan3A_561 to %scan3A_563 step %scan3A_564  : i32 {
      %shift_right_logical3A_579 = arith.constant 3 : i32
      %shift_right_logical3A_580 = arith.shrui %scan3A_578, %shift_right_logical3A_579 : i32
      %and3A = arith.constant 7 : i32
      %and3A_581 = arith.andi %scan3A_578, %and3A : i32
      %mul3A_582 = arith.constant 16 : i32
      %mul3A_583 = arith.muli %and3A_581, %mul3A_582 : i32
      %get3A_584 = arith.index_cast %shift_right_logical3A_580 : i32 to index
      %get3A_585 = arith.index_cast %mul3A_583 : i32 to index
      %get3A_586 = tpu.vector_load %arg5[%get3A_584, %get3A_585] {strides = array<i32>} : memref<4x128xi32, #tpu.memory_space<vmem>>, vector<1x16xi32>,
      %get3A_587 = vector.shape_cast %get3A_586 : vector<1x16xi32> to vector<16xi32>
      %shift_right_logical3A_588 = arith.constant 3 : i32
      %shift_right_logical3A_589 = vector.broadcast %shift_right_logical3A_588 : i32 to vector<16xi32>
      %shift_right_logical3A_590 = arith.shrui %get3A_587, %shift_right_logical3A_589 : vector<16xi32>
      %and3A_591 = arith.constant 127 : i32
      %and3A_592 = vector.broadcast %and3A_591 : i32 to vector<16xi32>
      %and3A_593 = arith.andi %shift_right_logical3A_590, %and3A_592 : vector<16xi32>
      %shift_right_logical3A_594 = arith.constant 4 : i32
      %shift_right_logical3A_595 = vector.broadcast %shift_right_logical3A_594 : i32 to vector<16xi32>
      %shift_right_logical3A_596 = arith.shrui %and3A_593, %shift_right_logical3A_595 : vector<16xi32>
      %and3A_597 = arith.constant 15 : i32
      %and3A_598 = vector.broadcast %and3A_597 : i32 to vector<16xi32>
      %and3A_599 = arith.andi %and3A_593, %and3A_598 : vector<16xi32>
      %broadcast_in_dim3A = arith.constant 0 : i32
      %broadcast_in_dim3A_600 = vector.broadcast %broadcast_in_dim3A : i32 to vector<16xi32>
      %slice3A = vector.extract_strided_slice %shift_right_logical3A_596 {offsets = [0], sizes = [1], strides = [1]} : vector<16xi32> to vector<1xi32>
      %squeeze3A = vector.extract %slice3A[0] : i32 from vector<1xi32>
      %broadcast_in_dim3A_601 = arith.constant 0 : i32
      %broadcast_in_dim3A_602 = vector.broadcast %broadcast_in_dim3A_601 : i32 to vector<16xi32>
      %mul3A_603 = arith.constant 16 : i32
      %mul3A_604 = arith.muli %and3A_581, %mul3A_603 : i32
      %add3A_605 = arith.constant 0 : i32
      %add3A_606 = arith.addi %mul3A_604, %add3A_605 : i32
      %get3A_607 = arith.index_cast %shift_right_logical3A_580 : i32 to index
      %get3A_608 = arith.index_cast %add3A_606 : i32 to index
      %get3A_609 = arith.constant 0 : index
      %get3A_610 = tpu.vector_load %arg7[%get3A_607, %get3A_608, %get3A_609] {strides = array<i32>} : memref<4x128x128xi32, #tpu.memory_space<vmem>>, vector<1x1x16xi32>,
      %get3A_611 = vector.shape_cast %get3A_610 : vector<1x1x16xi32> to vector<16xi32>
      %eq3A = arith.constant 0 : i32
      %eq3A_612 = arith.cmpi eq, %squeeze3A, %eq3A : i32
      %select_n3A = arith.select %eq3A_612, %get3A_611, %broadcast_in_dim3A_602 : vector<16xi32>
      %mul3A_613 = arith.constant 16 : i32
      %mul3A_614 = arith.muli %and3A_581, %mul3A_613 : i32
      %add3A_615 = arith.constant 0 : i32
      %add3A_616 = arith.addi %mul3A_614, %add3A_615 : i32
      %get3A_617 = arith.index_cast %shift_right_logical3A_580 : i32 to index
      %get3A_618 = arith.index_cast %add3A_616 : i32 to index
      %get3A_619 = arith.constant 16 : index
      %get3A_620 = tpu.vector_load %arg7[%get3A_617, %get3A_618, %get3A_619] {strides = array<i32>} : memref<4x128x128xi32, #tpu.memory_space<vmem>>, vector<1x1x16xi32>,
      %get3A_621 = vector.shape_cast %get3A_620 : vector<1x1x16xi32> to vector<16xi32>
      %eq3A_622 = arith.constant 1 : i32
      %eq3A_623 = arith.cmpi eq, %squeeze3A, %eq3A_622 : i32
      %select_n3A_624 = arith.select %eq3A_623, %get3A_621, %select_n3A : vector<16xi32>
      %mul3A_625 = arith.constant 16 : i32
      %mul3A_626 = arith.muli %and3A_581, %mul3A_625 : i32
      %add3A_627 = arith.constant 0 : i32
      %add3A_628 = arith.addi %mul3A_626, %add3A_627 : i32
      %get3A_629 = arith.index_cast %shift_right_logical3A_580 : i32 to index
      %get3A_630 = arith.index_cast %add3A_628 : i32 to index
      %get3A_631 = arith.constant 32 : index
      %get3A_632 = tpu.vector_load %arg7[%get3A_629, %get3A_630, %get3A_631] {strides = array<i32>} : memref<4x128x128xi32, #tpu.memory_space<vmem>>, vector<1x1x16xi32>,
      %get3A_633 = vector.shape_cast %get3A_632 : vector<1x1x16xi32> to vector<16xi32>
      %eq3A_634 = arith.constant 2 : i32
      %eq3A_635 = arith.cmpi eq, %squeeze3A, %eq3A_634 : i32
      %select_n3A_636 = arith.select %eq3A_635, %get3A_633, %select_n3A_624 : vector<16xi32>
      %mul3A_637 = arith.constant 16 : i32
      %mul3A_638 = arith.muli %and3A_581, %mul3A_637 : i32
      %add3A_639 = arith.constant 0 : i32
      %add3A_640 = arith.addi %mul3A_638, %add3A_639 : i32
      %get3A_641 = arith.index_cast %shift_right_logical3A_580 : i32 to index
      %get3A_642 = arith.index_cast %add3A_640 : i32 to index
      %get3A_643 = arith.constant 48 : index
      %get3A_644 = tpu.vector_load %arg7[%get3A_641, %get3A_642, %get3A_643] {strides = array<i32>} : memref<4x128x128xi32, #tpu.memory_space<vmem>>, vector<1x1x16xi32>,
      %get3A_645 = vector.shape_cast %get3A_644 : vector<1x1x16xi32> to vector<16xi32>
      %eq3A_646 = arith.constant 3 : i32
      %eq3A_647 = arith.cmpi eq, %squeeze3A, %eq3A_646 : i32
      %select_n3A_648 = arith.select %eq3A_647, %get3A_645, %select_n3A_636 : vector<16xi32>
      %mul3A_649 = arith.constant 16 : i32
      %mul3A_650 = arith.muli %and3A_581, %mul3A_649 : i32
      %add3A_651 = arith.constant 0 : i32
      %add3A_652 = arith.addi %mul3A_650, %add3A_651 : i32
      %get3A_653 = arith.index_cast %shift_right_logical3A_580 : i32 to index
      %get3A_654 = arith.index_cast %add3A_652 : i32 to index
      %get3A_655 = arith.constant 64 : index
      %get3A_656 = tpu.vector_load %arg7[%get3A_653, %get3A_654, %get3A_655] {strides = array<i32>} : memref<4x128x128xi32, #tpu.memory_space<vmem>>, vector<1x1x16xi32>,
      %get3A_657 = vector.shape_cast %get3A_656 : vector<1x1x16xi32> to vector<16xi32>
      %eq3A_658 = arith.constant 4 : i32
      %eq3A_659 = arith.cmpi eq, %squeeze3A, %eq3A_658 : i32
      %select_n3A_660 = arith.select %eq3A_659, %get3A_657, %select_n3A_648 : vector<16xi32>
      %mul3A_661 = arith.constant 16 : i32
      %mul3A_662 = arith.muli %and3A_581, %mul3A_661 : i32
      %add3A_663 = arith.constant 0 : i32
      %add3A_664 = arith.addi %mul3A_662, %add3A_663 : i32
      %get3A_665 = arith.index_cast %shift_right_logical3A_580 : i32 to index
      %get3A_666 = arith.index_cast %add3A_664 : i32 to index
      %get3A_667 = arith.constant 80 : index
      %get3A_668 = tpu.vector_load %arg7[%get3A_665, %get3A_666, %get3A_667] {strides = array<i32>} : memref<4x128x128xi32, #tpu.memory_space<vmem>>, vector<1x1x16xi32>,
      %get3A_669 = vector.shape_cast %get3A_668 : vector<1x1x16xi32> to vector<16xi32>
      %eq3A_670 = arith.constant 5 : i32
      %eq3A_671 = arith.cmpi eq, %squeeze3A, %eq3A_670 : i32
      %select_n3A_672 = arith.select %eq3A_671, %get3A_669, %select_n3A_660 : vector<16xi32>
      %mul3A_673 = arith.constant 16 : i32
      %mul3A_674 = arith.muli %and3A_581, %mul3A_673 : i32
      %add3A_675 = arith.constant 0 : i32
      %add3A_676 = arith.addi %mul3A_674, %add3A_675 : i32
      %get3A_677 = arith.index_cast %shift_right_logical3A_580 : i32 to index
      %get3A_678 = arith.index_cast %add3A_676 : i32 to index
      %get3A_679 = arith.constant 96 : index
      %get3A_680 = tpu.vector_load %arg7[%get3A_677, %get3A_678, %get3A_679] {strides = array<i32>} : memref<4x128x128xi32, #tpu.memory_space<vmem>>, vector<1x1x16xi32>,
      %get3A_681 = vector.shape_cast %get3A_680 : vector<1x1x16xi32> to vector<16xi32>
      %eq3A_682 = arith.constant 6 : i32
      %eq3A_683 = arith.cmpi eq, %squeeze3A, %eq3A_682 : i32
      %select_n3A_684 = arith.select %eq3A_683, %get3A_681, %select_n3A_672 : vector<16xi32>
      %mul3A_685 = arith.constant 16 : i32
      %mul3A_686 = arith.muli %and3A_581, %mul3A_685 : i32
      %add3A_687 = arith.constant 0 : i32
      %add3A_688 = arith.addi %mul3A_686, %add3A_687 : i32
      %get3A_689 = arith.index_cast %shift_right_logical3A_580 : i32 to index
      %get3A_690 = arith.index_cast %add3A_688 : i32 to index
      %get3A_691 = arith.constant 112 : index
      %get3A_692 = tpu.vector_load %arg7[%get3A_689, %get3A_690, %get3A_691] {strides = array<i32>} : memref<4x128x128xi32, #tpu.memory_space<vmem>>, vector<1x1x16xi32>,
      %get3A_693 = vector.shape_cast %get3A_692 : vector<1x1x16xi32> to vector<16xi32>
      %eq3A_694 = arith.constant 7 : i32
      %eq3A_695 = arith.cmpi eq, %squeeze3A, %eq3A_694 : i32
      %select_n3A_696 = arith.select %eq3A_695, %get3A_693, %select_n3A_684 : vector<16xi32>
      %eq3A_697 = arith.constant 0 : i32
      %eq3A_698 = vector.broadcast %eq3A_697 : i32 to vector<16xi32>
      %eq3A_699 = arith.cmpi eq, %iota3A, %eq3A_698 : vector<16xi32>
      %lt3A = arith.constant 0 : i32
      %lt3A_700 = vector.broadcast %lt3A : i32 to vector<16xi32>
      %lt3A_701 = arith.cmpi slt, %and3A_599, %lt3A_700 : vector<16xi32>
      %add3A_702 = arith.constant 16 : i32
      %add3A_703 = vector.broadcast %add3A_702 : i32 to vector<16xi32>
      %add3A_704 = arith.addi %and3A_599, %add3A_703 : vector<16xi32>
      %select_n3A_705 = arith.select %lt3A_701, %add3A_704, %and3A_599 : vector<16xi1>, vector<16xi32>
      %broadcast_in_dim3A_706 = vector.shape_cast %select_n3A_705 : vector<16xi32> to vector<16x1xi32>
      %gather3A = vector.shape_cast %broadcast_in_dim3A_706 : vector<16x1xi32> to vector<16xi32>
      %gather3A_707 = tpu.dynamic_gather %select_n3A_696[%gather3A] in [0] : vector<16xi32>, vector<16xi32> -> vector<16xi32>
      %select_n3A_708 = arith.select %eq3A_699, %gather3A_707, %broadcast_in_dim3A_600 : vector<16xi1>, vector<16xi32>
      %slice3A_709 = vector.extract_strided_slice %shift_right_logical3A_596 {offsets = [1], sizes = [1], strides = [1]} : vector<16xi32> to vector<1xi32>
      %squeeze3A_710 = vector.extract %slice3A_709[0] : i32 from vector<1xi32>
      %broadcast_in_dim3A_711 = arith.constant 0 : i32
      %broadcast_in_dim3A_712 = vector.broadcast %broadcast_in_dim3A_711 : i32 to vector<16xi32>
      %mul3A_713 = arith.constant 16 : i32
      %mul3A_714 = arith.muli %and3A_581, %mul3A_713 : i32
      %add3A_715 = arith.constant 1 : i32
      %add3A_716 = arith.addi %mul3A_714, %add3A_715 : i32
      %get3A_717 = arith.index_cast %shift_right_logical3A_580 : i32 to index
      %get3A_718 = arith.index_cast %add3A_716 : i32 to index
      %get3A_719 = arith.constant 0 : index
      %get3A_720 = tpu.vector_load %arg7[%get3A_717, %get3A_718, %get3A_719] {strides = array<i32>} : memref<4x128x128xi32, #tpu.memory_space<vmem>>, vector<1x1x16xi32>,
      %get3A_721 = vector.shape_cast %get3A_720 : vector<1x1x16xi32> to vector<16xi32>
      %eq3A_722 = arith.constant 0 : i32
      %eq3A_723 = arith.cmpi eq, %squeeze3A_710, %eq3A_722 : i32
      %select_n3A_724 = arith.select %eq3A_723, %get3A_721, %broadcast_in_dim3A_712 : vector<16xi32>
      %mul3A_725 = arith.constant 16 : i32
      %mul3A_726 = arith.muli %and3A_581, %mul3A_725 : i32
      %add3A_727 = arith.constant 1 : i32
      %add3A_728 = arith.addi %mul3A_726, %add3A_727 : i32
      %get3A_729 = arith.index_cast %shift_right_logical3A_580 : i32 to index
      %get3A_730 = arith.index_cast %add3A_728 : i32 to index
      %get3A_731 = arith.constant 16 : index
      %get3A_732 = tpu.vector_load %arg7[%get3A_729, %get3A_730, %get3A_731] {strides = array<i32>} : memref<4x128x128xi32, #tpu.memory_space<vmem>>, vector<1x1x16xi32>,
      %get3A_733 = vector.shape_cast %get3A_732 : vector<1x1x16xi32> to vector<16xi32>
      %eq3A_734 = arith.constant 1 : i32
      %eq3A_735 = arith.cmpi eq, %squeeze3A_710, %eq3A_734 : i32
      %select_n3A_736 = arith.select %eq3A_735, %get3A_733, %select_n3A_724 : vector<16xi32>
      %mul3A_737 = arith.constant 16 : i32
      %mul3A_738 = arith.muli %and3A_581, %mul3A_737 : i32
      %add3A_739 = arith.constant 1 : i32
      %add3A_740 = arith.addi %mul3A_738, %add3A_739 : i32
      %get3A_741 = arith.index_cast %shift_right_logical3A_580 : i32 to index
      %get3A_742 = arith.index_cast %add3A_740 : i32 to index
      %get3A_743 = arith.constant 32 : index
      %get3A_744 = tpu.vector_load %arg7[%get3A_741, %get3A_742, %get3A_743] {strides = array<i32>} : memref<4x128x128xi32, #tpu.memory_space<vmem>>, vector<1x1x16xi32>,
      %get3A_745 = vector.shape_cast %get3A_744 : vector<1x1x16xi32> to vector<16xi32>
      %eq3A_746 = arith.constant 2 : i32
      %eq3A_747 = arith.cmpi eq, %squeeze3A_710, %eq3A_746 : i32
      %select_n3A_748 = arith.select %eq3A_747, %get3A_745, %select_n3A_736 : vector<16xi32>
      %mul3A_749 = arith.constant 16 : i32
      %mul3A_750 = arith.muli %and3A_581, %mul3A_749 : i32
      %add3A_751 = arith.constant 1 : i32
      %add3A_752 = arith.addi %mul3A_750, %add3A_751 : i32
      %get3A_753 = arith.index_cast %shift_right_logical3A_580 : i32 to index
      %get3A_754 = arith.index_cast %add3A_752 : i32 to index
      %get3A_755 = arith.constant 48 : index
      %get3A_756 = tpu.vector_load %arg7[%get3A_753, %get3A_754, %get3A_755] {strides = array<i32>} : memref<4x128x128xi32, #tpu.memory_space<vmem>>, vector<1x1x16xi32>,
      %get3A_757 = vector.shape_cast %get3A_756 : vector<1x1x16xi32> to vector<16xi32>
      %eq3A_758 = arith.constant 3 : i32
      %eq3A_759 = arith.cmpi eq, %squeeze3A_710, %eq3A_758 : i32
      %select_n3A_760 = arith.select %eq3A_759, %get3A_757, %select_n3A_748 : vector<16xi32>
      %mul3A_761 = arith.constant 16 : i32
      %mul3A_762 = arith.muli %and3A_581, %mul3A_761 : i32
      %add3A_763 = arith.constant 1 : i32
      %add3A_764 = arith.addi %mul3A_762, %add3A_763 : i32
      %get3A_765 = arith.index_cast %shift_right_logical3A_580 : i32 to index
      %get3A_766 = arith.index_cast %add3A_764 : i32 to index
      %get3A_767 = arith.constant 64 : index
      %get3A_768 = tpu.vector_load %arg7[%get3A_765, %get3A_766, %get3A_767] {strides = array<i32>} : memref<4x128x128xi32, #tpu.memory_space<vmem>>, vector<1x1x16xi32>,
      %get3A_769 = vector.shape_cast %get3A_768 : vector<1x1x16xi32> to vector<16xi32>
      %eq3A_770 = arith.constant 4 : i32
      %eq3A_771 = arith.cmpi eq, %squeeze3A_710, %eq3A_770 : i32
      %select_n3A_772 = arith.select %eq3A_771, %get3A_769, %select_n3A_760 : vector<16xi32>
      %mul3A_773 = arith.constant 16 : i32
      %mul3A_774 = arith.muli %and3A_581, %mul3A_773 : i32
      %add3A_775 = arith.constant 1 : i32
      %add3A_776 = arith.addi %mul3A_774, %add3A_775 : i32
      %get3A_777 = arith.index_cast %shift_right_logical3A_580 : i32 to index
      %get3A_778 = arith.index_cast %add3A_776 : i32 to index
      %get3A_779 = arith.constant 80 : index
      %get3A_780 = tpu.vector_load %arg7[%get3A_777, %get3A_778, %get3A_779] {strides = array<i32>} : memref<4x128x128xi32, #tpu.memory_space<vmem>>, vector<1x1x16xi32>,
      %get3A_781 = vector.shape_cast %get3A_780 : vector<1x1x16xi32> to vector<16xi32>
      %eq3A_782 = arith.constant 5 : i32
      %eq3A_783 = arith.cmpi eq, %squeeze3A_710, %eq3A_782 : i32
      %select_n3A_784 = arith.select %eq3A_783, %get3A_781, %select_n3A_772 : vector<16xi32>
      %mul3A_785 = arith.constant 16 : i32
      %mul3A_786 = arith.muli %and3A_581, %mul3A_785 : i32
      %add3A_787 = arith.constant 1 : i32
      %add3A_788 = arith.addi %mul3A_786, %add3A_787 : i32
      %get3A_789 = arith.index_cast %shift_right_logical3A_580 : i32 to index
      %get3A_790 = arith.index_cast %add3A_788 : i32 to index
      %get3A_791 = arith.constant 96 : index
      %get3A_792 = tpu.vector_load %arg7[%get3A_789, %get3A_790, %get3A_791] {strides = array<i32>} : memref<4x128x128xi32, #tpu.memory_space<vmem>>, vector<1x1x16xi32>,
      %get3A_793 = vector.shape_cast %get3A_792 : vector<1x1x16xi32> to vector<16xi32>
      %eq3A_794 = arith.constant 6 : i32
      %eq3A_795 = arith.cmpi eq, %squeeze3A_710, %eq3A_794 : i32
      %select_n3A_796 = arith.select %eq3A_795, %get3A_793, %select_n3A_784 : vector<16xi32>
      %mul3A_797 = arith.constant 16 : i32
      %mul3A_798 = arith.muli %and3A_581, %mul3A_797 : i32
      %add3A_799 = arith.constant 1 : i32
      %add3A_800 = arith.addi %mul3A_798, %add3A_799 : i32
      %get3A_801 = arith.index_cast %shift_right_logical3A_580 : i32 to index
      %get3A_802 = arith.index_cast %add3A_800 : i32 to index
      %get3A_803 = arith.constant 112 : index
      %get3A_804 = tpu.vector_load %arg7[%get3A_801, %get3A_802, %get3A_803] {strides = array<i32>} : memref<4x128x128xi32, #tpu.memory_space<vmem>>, vector<1x1x16xi32>,
      %get3A_805 = vector.shape_cast %get3A_804 : vector<1x1x16xi32> to vector<16xi32>
      %eq3A_806 = arith.constant 7 : i32
      %eq3A_807 = arith.cmpi eq, %squeeze3A_710, %eq3A_806 : i32
      %select_n3A_808 = arith.select %eq3A_807, %get3A_805, %select_n3A_796 : vector<16xi32>
      %eq3A_809 = arith.constant 1 : i32
      %eq3A_810 = vector.broadcast %eq3A_809 : i32 to vector<16xi32>
      %eq3A_811 = arith.cmpi eq, %iota3A, %eq3A_810 : vector<16xi32>
      %lt3A_812 = arith.constant 0 : i32
      %lt3A_813 = vector.broadcast %lt3A_812 : i32 to vector<16xi32>
      %lt3A_814 = arith.cmpi slt, %and3A_599, %lt3A_813 : vector<16xi32>
      %add3A_815 = arith.constant 16 : i32
      %add3A_816 = vector.broadcast %add3A_815 : i32 to vector<16xi32>
      %add3A_817 = arith.addi %and3A_599, %add3A_816 : vector<16xi32>
      %select_n3A_818 = arith.select %lt3A_814, %add3A_817, %and3A_599 : vector<16xi1>, vector<16xi32>
      %broadcast_in_dim3A_819 = vector.shape_cast %select_n3A_818 : vector<16xi32> to vector<16x1xi32>
      %gather3A_820 = vector.shape_cast %broadcast_in_dim3A_819 : vector<16x1xi32> to vector<16xi32>
      %gather3A_821 = tpu.dynamic_gather %select_n3A_808[%gather3A_820] in [0] : vector<16xi32>, vector<16xi32> -> vector<16xi32>
      %select_n3A_822 = arith.select %eq3A_811, %gather3A_821, %select_n3A_708 : vector<16xi1>, vector<16xi32>
      %slice3A_823 = vector.extract_strided_slice %shift_right_logical3A_596 {offsets = [2], sizes = [1], strides = [1]} : vector<16xi32> to vector<1xi32>
      %squeeze3A_824 = vector.extract %slice3A_823[0] : i32 from vector<1xi32>
      %broadcast_in_dim3A_825 = arith.constant 0 : i32
      %broadcast_in_dim3A_826 = vector.broadcast %broadcast_in_dim3A_825 : i32 to vector<16xi32>
      %mul3A_827 = arith.constant 16 : i32
      %mul3A_828 = arith.muli %and3A_581, %mul3A_827 : i32
      %add3A_829 = arith.constant 2 : i32
      %add3A_830 = arith.addi %mul3A_828, %add3A_829 : i32
      %get3A_831 = arith.index_cast %shift_right_logical3A_580 : i32 to index
      %get3A_832 = arith.index_cast %add3A_830 : i32 to index
      %get3A_833 = arith.constant 0 : index
      %get3A_834 = tpu.vector_load %arg7[%get3A_831, %get3A_832, %get3A_833] {strides = array<i32>} : memref<4x128x128xi32, #tpu.memory_space<vmem>>, vector<1x1x16xi32>,
      %get3A_835 = vector.shape_cast %get3A_834 : vector<1x1x16xi32> to vector<16xi32>
      %eq3A_836 = arith.constant 0 : i32
      %eq3A_837 = arith.cmpi eq, %squeeze3A_824, %eq3A_836 : i32
      %select_n3A_838 = arith.select %eq3A_837, %get3A_835, %broadcast_in_dim3A_826 : vector<16xi32>
      %mul3A_839 = arith.constant 16 : i32
      %mul3A_840 = arith.muli %and3A_581, %mul3A_839 : i32
      %add3A_841 = arith.constant 2 : i32
      %add3A_842 = arith.addi %mul3A_840, %add3A_841 : i32
      %get3A_843 = arith.index_cast %shift_right_logical3A_580 : i32 to index
      %get3A_844 = arith.index_cast %add3A_842 : i32 to index
      %get3A_845 = arith.constant 16 : index
      %get3A_846 = tpu.vector_load %arg7[%get3A_843, %get3A_844, %get3A_845] {strides = array<i32>} : memref<4x128x128xi32, #tpu.memory_space<vmem>>, vector<1x1x16xi32>,
      %get3A_847 = vector.shape_cast %get3A_846 : vector<1x1x16xi32> to vector<16xi32>
      %eq3A_848 = arith.constant 1 : i32
      %eq3A_849 = arith.cmpi eq, %squeeze3A_824, %eq3A_848 : i32
      %select_n3A_850 = arith.select %eq3A_849, %get3A_847, %select_n3A_838 : vector<16xi32>
      %mul3A_851 = arith.constant 16 : i32
      %mul3A_852 = arith.muli %and3A_581, %mul3A_851 : i32
      %add3A_853 = arith.constant 2 : i32
      %add3A_854 = arith.addi %mul3A_852, %add3A_853 : i32
      %get3A_855 = arith.index_cast %shift_right_logical3A_580 : i32 to index
      %get3A_856 = arith.index_cast %add3A_854 : i32 to index
      %get3A_857 = arith.constant 32 : index
      %get3A_858 = tpu.vector_load %arg7[%get3A_855, %get3A_856, %get3A_857] {strides = array<i32>} : memref<4x128x128xi32, #tpu.memory_space<vmem>>, vector<1x1x16xi32>,
      %get3A_859 = vector.shape_cast %get3A_858 : vector<1x1x16xi32> to vector<16xi32>
      %eq3A_860 = arith.constant 2 : i32
      %eq3A_861 = arith.cmpi eq, %squeeze3A_824, %eq3A_860 : i32
      %select_n3A_862 = arith.select %eq3A_861, %get3A_859, %select_n3A_850 : vector<16xi32>
      %mul3A_863 = arith.constant 16 : i32
      %mul3A_864 = arith.muli %and3A_581, %mul3A_863 : i32
      %add3A_865 = arith.constant 2 : i32
      %add3A_866 = arith.addi %mul3A_864, %add3A_865 : i32
      %get3A_867 = arith.index_cast %shift_right_logical3A_580 : i32 to index
      %get3A_868 = arith.index_cast %add3A_866 : i32 to index
      %get3A_869 = arith.constant 48 : index
      %get3A_870 = tpu.vector_load %arg7[%get3A_867, %get3A_868, %get3A_869] {strides = array<i32>} : memref<4x128x128xi32, #tpu.memory_space<vmem>>, vector<1x1x16xi32>,
      %get3A_871 = vector.shape_cast %get3A_870 : vector<1x1x16xi32> to vector<16xi32>
      %eq3A_872 = arith.constant 3 : i32
      %eq3A_873 = arith.cmpi eq, %squeeze3A_824, %eq3A_872 : i32
      %select_n3A_874 = arith.select %eq3A_873, %get3A_871, %select_n3A_862 : vector<16xi32>
      %mul3A_875 = arith.constant 16 : i32
      %mul3A_876 = arith.muli %and3A_581, %mul3A_875 : i32
      %add3A_877 = arith.constant 2 : i32
      %add3A_878 = arith.addi %mul3A_876, %add3A_877 : i32
      %get3A_879 = arith.index_cast %shift_right_logical3A_580 : i32 to index
      %get3A_880 = arith.index_cast %add3A_878 : i32 to index
      %get3A_881 = arith.constant 64 : index
      %get3A_882 = tpu.vector_load %arg7[%get3A_879, %get3A_880, %get3A_881] {strides = array<i32>} : memref<4x128x128xi32, #tpu.memory_space<vmem>>, vector<1x1x16xi32>,
      %get3A_883 = vector.shape_cast %get3A_882 : vector<1x1x16xi32> to vector<16xi32>
      %eq3A_884 = arith.constant 4 : i32
      %eq3A_885 = arith.cmpi eq, %squeeze3A_824, %eq3A_884 : i32
      %select_n3A_886 = arith.select %eq3A_885, %get3A_883, %select_n3A_874 : vector<16xi32>
      %mul3A_887 = arith.constant 16 : i32
      %mul3A_888 = arith.muli %and3A_581, %mul3A_887 : i32
      %add3A_889 = arith.constant 2 : i32
      %add3A_890 = arith.addi %mul3A_888, %add3A_889 : i32
      %get3A_891 = arith.index_cast %shift_right_logical3A_580 : i32 to index
      %get3A_892 = arith.index_cast %add3A_890 : i32 to index
      %get3A_893 = arith.constant 80 : index
      %get3A_894 = tpu.vector_load %arg7[%get3A_891, %get3A_892, %get3A_893] {strides = array<i32>} : memref<4x128x128xi32, #tpu.memory_space<vmem>>, vector<1x1x16xi32>,
      %get3A_895 = vector.shape_cast %get3A_894 : vector<1x1x16xi32> to vector<16xi32>
      %eq3A_896 = arith.constant 5 : i32
      %eq3A_897 = arith.cmpi eq, %squeeze3A_824, %eq3A_896 : i32
      %select_n3A_898 = arith.select %eq3A_897, %get3A_895, %select_n3A_886 : vector<16xi32>
      %mul3A_899 = arith.constant 16 : i32
      %mul3A_900 = arith.muli %and3A_581, %mul3A_899 : i32
      %add3A_901 = arith.constant 2 : i32
      %add3A_902 = arith.addi %mul3A_900, %add3A_901 : i32
      %get3A_903 = arith.index_cast %shift_right_logical3A_580 : i32 to index
      %get3A_904 = arith.index_cast %add3A_902 : i32 to index
      %get3A_905 = arith.constant 96 : index
      %get3A_906 = tpu.vector_load %arg7[%get3A_903, %get3A_904, %get3A_905] {strides = array<i32>} : memref<4x128x128xi32, #tpu.memory_space<vmem>>, vector<1x1x16xi32>,
      %get3A_907 = vector.shape_cast %get3A_906 : vector<1x1x16xi32> to vector<16xi32>
      %eq3A_908 = arith.constant 6 : i32
      %eq3A_909 = arith.cmpi eq, %squeeze3A_824, %eq3A_908 : i32
      %select_n3A_910 = arith.select %eq3A_909, %get3A_907, %select_n3A_898 : vector<16xi32>
      %mul3A_911 = arith.constant 16 : i32
      %mul3A_912 = arith.muli %and3A_581, %mul3A_911 : i32
      %add3A_913 = arith.constant 2 : i32
      %add3A_914 = arith.addi %mul3A_912, %add3A_913 : i32
      %get3A_915 = arith.index_cast %shift_right_logical3A_580 : i32 to index
      %get3A_916 = arith.index_cast %add3A_914 : i32 to index
      %get3A_917 = arith.constant 112 : index
      %get3A_918 = tpu.vector_load %arg7[%get3A_915, %get3A_916, %get3A_917] {strides = array<i32>} : memref<4x128x128xi32, #tpu.memory_space<vmem>>, vector<1x1x16xi32>,
      %get3A_919 = vector.shape_cast %get3A_918 : vector<1x1x16xi32> to vector<16xi32>
      %eq3A_920 = arith.constant 7 : i32
      %eq3A_921 = arith.cmpi eq, %squeeze3A_824, %eq3A_920 : i32
      %select_n3A_922 = arith.select %eq3A_921, %get3A_919, %select_n3A_910 : vector<16xi32>
      %eq3A_923 = arith.constant 2 : i32
      %eq3A_924 = vector.broadcast %eq3A_923 : i32 to vector<16xi32>
      %eq3A_925 = arith.cmpi eq, %iota3A, %eq3A_924 : vector<16xi32>
      %lt3A_926 = arith.constant 0 : i32
      %lt3A_927 = vector.broadcast %lt3A_926 : i32 to vector<16xi32>
      %lt3A_928 = arith.cmpi slt, %and3A_599, %lt3A_927 : vector<16xi32>
      %add3A_929 = arith.constant 16 : i32
      %add3A_930 = vector.broadcast %add3A_929 : i32 to vector<16xi32>
      %add3A_931 = arith.addi %and3A_599, %add3A_930 : vector<16xi32>
      %select_n3A_932 = arith.select %lt3A_928, %add3A_931, %and3A_599 : vector<16xi1>, vector<16xi32>
      %broadcast_in_dim3A_933 = vector.shape_cast %select_n3A_932 : vector<16xi32> to vector<16x1xi32>
      %gather3A_934 = vector.shape_cast %broadcast_in_dim3A_933 : vector<16x1xi32> to vector<16xi32>
      %gather3A_935 = tpu.dynamic_gather %select_n3A_922[%gather3A_934] in [0] : vector<16xi32>, vector<16xi32> -> vector<16xi32>
      %select_n3A_936 = arith.select %eq3A_925, %gather3A_935, %select_n3A_822 : vector<16xi1>, vector<16xi32>
      %slice3A_937 = vector.extract_strided_slice %shift_right_logical3A_596 {offsets = [3], sizes = [1], strides = [1]} : vector<16xi32> to vector<1xi32>
      %squeeze3A_938 = vector.extract %slice3A_937[0] : i32 from vector<1xi32>
      %broadcast_in_dim3A_939 = arith.constant 0 : i32
      %broadcast_in_dim3A_940 = vector.broadcast %broadcast_in_dim3A_939 : i32 to vector<16xi32>
      %mul3A_941 = arith.constant 16 : i32
      %mul3A_942 = arith.muli %and3A_581, %mul3A_941 : i32
      %add3A_943 = arith.constant 3 : i32
      %add3A_944 = arith.addi %mul3A_942, %add3A_943 : i32
      %get3A_945 = arith.index_cast %shift_right_logical3A_580 : i32 to index
      %get3A_946 = arith.index_cast %add3A_944 : i32 to index
      %get3A_947 = arith.constant 0 : index
      %get3A_948 = tpu.vector_load %arg7[%get3A_945, %get3A_946, %get3A_947] {strides = array<i32>} : memref<4x128x128xi32, #tpu.memory_space<vmem>>, vector<1x1x16xi32>,
      %get3A_949 = vector.shape_cast %get3A_948 : vector<1x1x16xi32> to vector<16xi32>
      %eq3A_950 = arith.constant 0 : i32
      %eq3A_951 = arith.cmpi eq, %squeeze3A_938, %eq3A_950 : i32
      %select_n3A_952 = arith.select %eq3A_951, %get3A_949, %broadcast_in_dim3A_940 : vector<16xi32>
      %mul3A_953 = arith.constant 16 : i32
      %mul3A_954 = arith.muli %and3A_581, %mul3A_953 : i32
      %add3A_955 = arith.constant 3 : i32
      %add3A_956 = arith.addi %mul3A_954, %add3A_955 : i32
      %get3A_957 = arith.index_cast %shift_right_logical3A_580 : i32 to index
      %get3A_958 = arith.index_cast %add3A_956 : i32 to index
      %get3A_959 = arith.constant 16 : index
      %get3A_960 = tpu.vector_load %arg7[%get3A_957, %get3A_958, %get3A_959] {strides = array<i32>} : memref<4x128x128xi32, #tpu.memory_space<vmem>>, vector<1x1x16xi32>,
      %get3A_961 = vector.shape_cast %get3A_960 : vector<1x1x16xi32> to vector<16xi32>
      %eq3A_962 = arith.constant 1 : i32
      %eq3A_963 = arith.cmpi eq, %squeeze3A_938, %eq3A_962 : i32
      %select_n3A_964 = arith.select %eq3A_963, %get3A_961, %select_n3A_952 : vector<16xi32>
      %mul3A_965 = arith.constant 16 : i32
      %mul3A_966 = arith.muli %and3A_581, %mul3A_965 : i32
      %add3A_967 = arith.constant 3 : i32
      %add3A_968 = arith.addi %mul3A_966, %add3A_967 : i32
      %get3A_969 = arith.index_cast %shift_right_logical3A_580 : i32 to index
      %get3A_970 = arith.index_cast %add3A_968 : i32 to index
      %get3A_971 = arith.constant 32 : index
      %get3A_972 = tpu.vector_load %arg7[%get3A_969, %get3A_970, %get3A_971] {strides = array<i32>} : memref<4x128x128xi32, #tpu.memory_space<vmem>>, vector<1x1x16xi32>,
      %get3A_973 = vector.shape_cast %get3A_972 : vector<1x1x16xi32> to vector<16xi32>
      %eq3A_974 = arith.constant 2 : i32
      %eq3A_975 = arith.cmpi eq, %squeeze3A_938, %eq3A_974 : i32
      %select_n3A_976 = arith.select %eq3A_975, %get3A_973, %select_n3A_964 : vector<16xi32>
      %mul3A_977 = arith.constant 16 : i32
      %mul3A_978 = arith.muli %and3A_581, %mul3A_977 : i32
      %add3A_979 = arith.constant 3 : i32
      %add3A_980 = arith.addi %mul3A_978, %add3A_979 : i32
      %get3A_981 = arith.index_cast %shift_right_logical3A_580 : i32 to index
      %get3A_982 = arith.index_cast %add3A_980 : i32 to index
      %get3A_983 = arith.constant 48 : index
      %get3A_984 = tpu.vector_load %arg7[%get3A_981, %get3A_982, %get3A_983] {strides = array<i32>} : memref<4x128x128xi32, #tpu.memory_space<vmem>>, vector<1x1x16xi32>,
      %get3A_985 = vector.shape_cast %get3A_984 : vector<1x1x16xi32> to vector<16xi32>
      %eq3A_986 = arith.constant 3 : i32
      %eq3A_987 = arith.cmpi eq, %squeeze3A_938, %eq3A_986 : i32
      %select_n3A_988 = arith.select %eq3A_987, %get3A_985, %select_n3A_976 : vector<16xi32>
      %mul3A_989 = arith.constant 16 : i32
      %mul3A_990 = arith.muli %and3A_581, %mul3A_989 : i32
      %add3A_991 = arith.constant 3 : i32
      %add3A_992 = arith.addi %mul3A_990, %add3A_991 : i32
      %get3A_993 = arith.index_cast %shift_right_logical3A_580 : i32 to index
      %get3A_994 = arith.index_cast %add3A_992 : i32 to index
      %get3A_995 = arith.constant 64 : index
      %get3A_996 = tpu.vector_load %arg7[%get3A_993, %get3A_994, %get3A_995] {strides = array<i32>} : memref<4x128x128xi32, #tpu.memory_space<vmem>>, vector<1x1x16xi32>,
      %get3A_997 = vector.shape_cast %get3A_996 : vector<1x1x16xi32> to vector<16xi32>
      %eq3A_998 = arith.constant 4 : i32
      %eq3A_999 = arith.cmpi eq, %squeeze3A_938, %eq3A_998 : i32
      %select_n3A_1000 = arith.select %eq3A_999, %get3A_997, %select_n3A_988 : vector<16xi32>
      %mul3A_1001 = arith.constant 16 : i32
      %mul3A_1002 = arith.muli %and3A_581, %mul3A_1001 : i32
      %add3A_1003 = arith.constant 3 : i32
      %add3A_1004 = arith.addi %mul3A_1002, %add3A_1003 : i32
      %get3A_1005 = arith.index_cast %shift_right_logical3A_580 : i32 to index
      %get3A_1006 = arith.index_cast %add3A_1004 : i32 to index
      %get3A_1007 = arith.constant 80 : index
      %get3A_1008 = tpu.vector_load %arg7[%get3A_1005, %get3A_1006, %get3A_1007] {strides = array<i32>} : memref<4x128x128xi32, #tpu.memory_space<vmem>>, vector<1x1x16xi32>,
      %get3A_1009 = vector.shape_cast %get3A_1008 : vector<1x1x16xi32> to vector<16xi32>
      %eq3A_1010 = arith.constant 5 : i32
      %eq3A_1011 = arith.cmpi eq, %squeeze3A_938, %eq3A_1010 : i32
      %select_n3A_1012 = arith.select %eq3A_1011, %get3A_1009, %select_n3A_1000 : vector<16xi32>
      %mul3A_1013 = arith.constant 16 : i32
      %mul3A_1014 = arith.muli %and3A_581, %mul3A_1013 : i32
      %add3A_1015 = arith.constant 3 : i32
      %add3A_1016 = arith.addi %mul3A_1014, %add3A_1015 : i32
      %get3A_1017 = arith.index_cast %shift_right_logical3A_580 : i32 to index
      %get3A_1018 = arith.index_cast %add3A_1016 : i32 to index
      %get3A_1019 = arith.constant 96 : index
      %get3A_1020 = tpu.vector_load %arg7[%get3A_1017, %get3A_1018, %get3A_1019] {strides = array<i32>} : memref<4x128x128xi32, #tpu.memory_space<vmem>>, vector<1x1x16xi32>,
      %get3A_1021 = vector.shape_cast %get3A_1020 : vector<1x1x16xi32> to vector<16xi32>
      %eq3A_1022 = arith.constant 6 : i32
      %eq3A_1023 = arith.cmpi eq, %squeeze3A_938, %eq3A_1022 : i32
      %select_n3A_1024 = arith.select %eq3A_1023, %get3A_1021, %select_n3A_1012 : vector<16xi32>
      %mul3A_1025 = arith.constant 16 : i32
      %mul3A_1026 = arith.muli %and3A_581, %mul3A_1025 : i32
      %add3A_1027 = arith.constant 3 : i32
      %add3A_1028 = arith.addi %mul3A_1026, %add3A_1027 : i32
      %get3A_1029 = arith.index_cast %shift_right_logical3A_580 : i32 to index
      %get3A_1030 = arith.index_cast %add3A_1028 : i32 to index
      %get3A_1031 = arith.constant 112 : index
      %get3A_1032 = tpu.vector_load %arg7[%get3A_1029, %get3A_1030, %get3A_1031] {strides = array<i32>} : memref<4x128x128xi32, #tpu.memory_space<vmem>>, vector<1x1x16xi32>,
      %get3A_1033 = vector.shape_cast %get3A_1032 : vector<1x1x16xi32> to vector<16xi32>
      %eq3A_1034 = arith.constant 7 : i32
      %eq3A_1035 = arith.cmpi eq, %squeeze3A_938, %eq3A_1034 : i32
      %select_n3A_1036 = arith.select %eq3A_1035, %get3A_1033, %select_n3A_1024 : vector<16xi32>
      %eq3A_1037 = arith.constant 3 : i32
      %eq3A_1038 = vector.broadcast %eq3A_1037 : i32 to vector<16xi32>
      %eq3A_1039 = arith.cmpi eq, %iota3A, %eq3A_1038 : vector<16xi32>
      %lt3A_1040 = arith.constant 0 : i32
      %lt3A_1041 = vector.broadcast %lt3A_1040 : i32 to vector<16xi32>
      %lt3A_1042 = arith.cmpi slt, %and3A_599, %lt3A_1041 : vector<16xi32>
      %add3A_1043 = arith.constant 16 : i32
      %add3A_1044 = vector.broadcast %add3A_1043 : i32 to vector<16xi32>
      %add3A_1045 = arith.addi %and3A_599, %add3A_1044 : vector<16xi32>
      %select_n3A_1046 = arith.select %lt3A_1042, %add3A_1045, %and3A_599 : vector<16xi1>, vector<16xi32>
      %broadcast_in_dim3A_1047 = vector.shape_cast %select_n3A_1046 : vector<16xi32> to vector<16x1xi32>
      %gather3A_1048 = vector.shape_cast %broadcast_in_dim3A_1047 : vector<16x1xi32> to vector<16xi32>
      %gather3A_1049 = tpu.dynamic_gather %select_n3A_1036[%gather3A_1048] in [0] : vector<16xi32>, vector<16xi32> -> vector<16xi32>
      %select_n3A_1050 = arith.select %eq3A_1039, %gather3A_1049, %select_n3A_936 : vector<16xi1>, vector<16xi32>
      %slice3A_1051 = vector.extract_strided_slice %shift_right_logical3A_596 {offsets = [4], sizes = [1], strides = [1]} : vector<16xi32> to vector<1xi32>
      %squeeze3A_1052 = vector.extract %slice3A_1051[0] : i32 from vector<1xi32>
      %broadcast_in_dim3A_1053 = arith.constant 0 : i32
      %broadcast_in_dim3A_1054 = vector.broadcast %broadcast_in_dim3A_1053 : i32 to vector<16xi32>
      %mul3A_1055 = arith.constant 16 : i32
      %mul3A_1056 = arith.muli %and3A_581, %mul3A_1055 : i32
      %add3A_1057 = arith.constant 4 : i32
      %add3A_1058 = arith.addi %mul3A_1056, %add3A_1057 : i32
      %get3A_1059 = arith.index_cast %shift_right_logical3A_580 : i32 to index
      %get3A_1060 = arith.index_cast %add3A_1058 : i32 to index
      %get3A_1061 = arith.constant 0 : index
      %get3A_1062 = tpu.vector_load %arg7[%get3A_1059, %get3A_1060, %get3A_1061] {strides = array<i32>} : memref<4x128x128xi32, #tpu.memory_space<vmem>>, vector<1x1x16xi32>,
      %get3A_1063 = vector.shape_cast %get3A_1062 : vector<1x1x16xi32> to vector<16xi32>
      %eq3A_1064 = arith.constant 0 : i32
      %eq3A_1065 = arith.cmpi eq, %squeeze3A_1052, %eq3A_1064 : i32
      %select_n3A_1066 = arith.select %eq3A_1065, %get3A_1063, %broadcast_in_dim3A_1054 : vector<16xi32>
      %mul3A_1067 = arith.constant 16 : i32
      %mul3A_1068 = arith.muli %and3A_581, %mul3A_1067 : i32
      %add3A_1069 = arith.constant 4 : i32
      %add3A_1070 = arith.addi %mul3A_1068, %add3A_1069 : i32
      %get3A_1071 = arith.index_cast %shift_right_logical3A_580 : i32 to index
      %get3A_1072 = arith.index_cast %add3A_1070 : i32 to index
      %get3A_1073 = arith.constant 16 : index
      %get3A_1074 = tpu.vector_load %arg7[%get3A_1071, %get3A_1072, %get3A_1073] {strides = array<i32>} : memref<4x128x128xi32, #tpu.memory_space<vmem>>, vector<1x1x16xi32>,
      %get3A_1075 = vector.shape_cast %get3A_1074 : vector<1x1x16xi32> to vector<16xi32>
      %eq3A_1076 = arith.constant 1 : i32
      %eq3A_1077 = arith.cmpi eq, %squeeze3A_1052, %eq3A_1076 : i32
      %select_n3A_1078 = arith.select %eq3A_1077, %get3A_1075, %select_n3A_1066 : vector<16xi32>
      %mul3A_1079 = arith.constant 16 : i32
      %mul3A_1080 = arith.muli %and3A_581, %mul3A_1079 : i32
      %add3A_1081 = arith.constant 4 : i32
      %add3A_1082 = arith.addi %mul3A_1080, %add3A_1081 : i32
      %get3A_1083 = arith.index_cast %shift_right_logical3A_580 : i32 to index
      %get3A_1084 = arith.index_cast %add3A_1082 : i32 to index
      %get3A_1085 = arith.constant 32 : index
      %get3A_1086 = tpu.vector_load %arg7[%get3A_1083, %get3A_1084, %get3A_1085] {strides = array<i32>} : memref<4x128x128xi32, #tpu.memory_space<vmem>>, vector<1x1x16xi32>,
      %get3A_1087 = vector.shape_cast %get3A_1086 : vector<1x1x16xi32> to vector<16xi32>
      %eq3A_1088 = arith.constant 2 : i32
      %eq3A_1089 = arith.cmpi eq, %squeeze3A_1052, %eq3A_1088 : i32
      %select_n3A_1090 = arith.select %eq3A_1089, %get3A_1087, %select_n3A_1078 : vector<16xi32>
      %mul3A_1091 = arith.constant 16 : i32
      %mul3A_1092 = arith.muli %and3A_581, %mul3A_1091 : i32
      %add3A_1093 = arith.constant 4 : i32
      %add3A_1094 = arith.addi %mul3A_1092, %add3A_1093 : i32
      %get3A_1095 = arith.index_cast %shift_right_logical3A_580 : i32 to index
      %get3A_1096 = arith.index_cast %add3A_1094 : i32 to index
      %get3A_1097 = arith.constant 48 : index
      %get3A_1098 = tpu.vector_load %arg7[%get3A_1095, %get3A_1096, %get3A_1097] {strides = array<i32>} : memref<4x128x128xi32, #tpu.memory_space<vmem>>, vector<1x1x16xi32>,
      %get3A_1099 = vector.shape_cast %get3A_1098 : vector<1x1x16xi32> to vector<16xi32>
      %eq3A_1100 = arith.constant 3 : i32
      %eq3A_1101 = arith.cmpi eq, %squeeze3A_1052, %eq3A_1100 : i32
      %select_n3A_1102 = arith.select %eq3A_1101, %get3A_1099, %select_n3A_1090 : vector<16xi32>
      %mul3A_1103 = arith.constant 16 : i32
      %mul3A_1104 = arith.muli %and3A_581, %mul3A_1103 : i32
      %add3A_1105 = arith.constant 4 : i32
      %add3A_1106 = arith.addi %mul3A_1104, %add3A_1105 : i32
      %get3A_1107 = arith.index_cast %shift_right_logical3A_580 : i32 to index
      %get3A_1108 = arith.index_cast %add3A_1106 : i32 to index
      %get3A_1109 = arith.constant 64 : index
      %get3A_1110 = tpu.vector_load %arg7[%get3A_1107, %get3A_1108, %get3A_1109] {strides = array<i32>} : memref<4x128x128xi32, #tpu.memory_space<vmem>>, vector<1x1x16xi32>,
      %get3A_1111 = vector.shape_cast %get3A_1110 : vector<1x1x16xi32> to vector<16xi32>
      %eq3A_1112 = arith.constant 4 : i32
      %eq3A_1113 = arith.cmpi eq, %squeeze3A_1052, %eq3A_1112 : i32
      %select_n3A_1114 = arith.select %eq3A_1113, %get3A_1111, %select_n3A_1102 : vector<16xi32>
      %mul3A_1115 = arith.constant 16 : i32
      %mul3A_1116 = arith.muli %and3A_581, %mul3A_1115 : i32
      %add3A_1117 = arith.constant 4 : i32
      %add3A_1118 = arith.addi %mul3A_1116, %add3A_1117 : i32
      %get3A_1119 = arith.index_cast %shift_right_logical3A_580 : i32 to index
      %get3A_1120 = arith.index_cast %add3A_1118 : i32 to index
      %get3A_1121 = arith.constant 80 : index
      %get3A_1122 = tpu.vector_load %arg7[%get3A_1119, %get3A_1120, %get3A_1121] {strides = array<i32>} : memref<4x128x128xi32, #tpu.memory_space<vmem>>, vector<1x1x16xi32>,
      %get3A_1123 = vector.shape_cast %get3A_1122 : vector<1x1x16xi32> to vector<16xi32>
      %eq3A_1124 = arith.constant 5 : i32
      %eq3A_1125 = arith.cmpi eq, %squeeze3A_1052, %eq3A_1124 : i32
      %select_n3A_1126 = arith.select %eq3A_1125, %get3A_1123, %select_n3A_1114 : vector<16xi32>
      %mul3A_1127 = arith.constant 16 : i32
      %mul3A_1128 = arith.muli %and3A_581, %mul3A_1127 : i32
      %add3A_1129 = arith.constant 4 : i32
      %add3A_1130 = arith.addi %mul3A_1128, %add3A_1129 : i32
      %get3A_1131 = arith.index_cast %shift_right_logical3A_580 : i32 to index
      %get3A_1132 = arith.index_cast %add3A_1130 : i32 to index
      %get3A_1133 = arith.constant 96 : index
      %get3A_1134 = tpu.vector_load %arg7[%get3A_1131, %get3A_1132, %get3A_1133] {strides = array<i32>} : memref<4x128x128xi32, #tpu.memory_space<vmem>>, vector<1x1x16xi32>,
      %get3A_1135 = vector.shape_cast %get3A_1134 : vector<1x1x16xi32> to vector<16xi32>
      %eq3A_1136 = arith.constant 6 : i32
      %eq3A_1137 = arith.cmpi eq, %squeeze3A_1052, %eq3A_1136 : i32
      %select_n3A_1138 = arith.select %eq3A_1137, %get3A_1135, %select_n3A_1126 : vector<16xi32>
      %mul3A_1139 = arith.constant 16 : i32
      %mul3A_1140 = arith.muli %and3A_581, %mul3A_1139 : i32
      %add3A_1141 = arith.constant 4 : i32
      %add3A_1142 = arith.addi %mul3A_1140, %add3A_1141 : i32
      %get3A_1143 = arith.index_cast %shift_right_logical3A_580 : i32 to index
      %get3A_1144 = arith.index_cast %add3A_1142 : i32 to index
      %get3A_1145 = arith.constant 112 : index
      %get3A_1146 = tpu.vector_load %arg7[%get3A_1143, %get3A_1144, %get3A_1145] {strides = array<i32>} : memref<4x128x128xi32, #tpu.memory_space<vmem>>, vector<1x1x16xi32>,
      %get3A_1147 = vector.shape_cast %get3A_1146 : vector<1x1x16xi32> to vector<16xi32>
      %eq3A_1148 = arith.constant 7 : i32
      %eq3A_1149 = arith.cmpi eq, %squeeze3A_1052, %eq3A_1148 : i32
      %select_n3A_1150 = arith.select %eq3A_1149, %get3A_1147, %select_n3A_1138 : vector<16xi32>
      %eq3A_1151 = arith.constant 4 : i32
      %eq3A_1152 = vector.broadcast %eq3A_1151 : i32 to vector<16xi32>
      %eq3A_1153 = arith.cmpi eq, %iota3A, %eq3A_1152 : vector<16xi32>
      %lt3A_1154 = arith.constant 0 : i32
      %lt3A_1155 = vector.broadcast %lt3A_1154 : i32 to vector<16xi32>
      %lt3A_1156 = arith.cmpi slt, %and3A_599, %lt3A_1155 : vector<16xi32>
      %add3A_1157 = arith.constant 16 : i32
      %add3A_1158 = vector.broadcast %add3A_1157 : i32 to vector<16xi32>
      %add3A_1159 = arith.addi %and3A_599, %add3A_1158 : vector<16xi32>
      %select_n3A_1160 = arith.select %lt3A_1156, %add3A_1159, %and3A_599 : vector<16xi1>, vector<16xi32>
      %broadcast_in_dim3A_1161 = vector.shape_cast %select_n3A_1160 : vector<16xi32> to vector<16x1xi32>
      %gather3A_1162 = vector.shape_cast %broadcast_in_dim3A_1161 : vector<16x1xi32> to vector<16xi32>
      %gather3A_1163 = tpu.dynamic_gather %select_n3A_1150[%gather3A_1162] in [0] : vector<16xi32>, vector<16xi32> -> vector<16xi32>
      %select_n3A_1164 = arith.select %eq3A_1153, %gather3A_1163, %select_n3A_1050 : vector<16xi1>, vector<16xi32>
      %slice3A_1165 = vector.extract_strided_slice %shift_right_logical3A_596 {offsets = [5], sizes = [1], strides = [1]} : vector<16xi32> to vector<1xi32>
      %squeeze3A_1166 = vector.extract %slice3A_1165[0] : i32 from vector<1xi32>
      %broadcast_in_dim3A_1167 = arith.constant 0 : i32
      %broadcast_in_dim3A_1168 = vector.broadcast %broadcast_in_dim3A_1167 : i32 to vector<16xi32>
      %mul3A_1169 = arith.constant 16 : i32
      %mul3A_1170 = arith.muli %and3A_581, %mul3A_1169 : i32
      %add3A_1171 = arith.constant 5 : i32
      %add3A_1172 = arith.addi %mul3A_1170, %add3A_1171 : i32
      %get3A_1173 = arith.index_cast %shift_right_logical3A_580 : i32 to index
      %get3A_1174 = arith.index_cast %add3A_1172 : i32 to index
      %get3A_1175 = arith.constant 0 : index
      %get3A_1176 = tpu.vector_load %arg7[%get3A_1173, %get3A_1174, %get3A_1175] {strides = array<i32>} : memref<4x128x128xi32, #tpu.memory_space<vmem>>, vector<1x1x16xi32>,
      %get3A_1177 = vector.shape_cast %get3A_1176 : vector<1x1x16xi32> to vector<16xi32>
      %eq3A_1178 = arith.constant 0 : i32
      %eq3A_1179 = arith.cmpi eq, %squeeze3A_1166, %eq3A_1178 : i32
      %select_n3A_1180 = arith.select %eq3A_1179, %get3A_1177, %broadcast_in_dim3A_1168 : vector<16xi32>
      %mul3A_1181 = arith.constant 16 : i32
      %mul3A_1182 = arith.muli %and3A_581, %mul3A_1181 : i32
      %add3A_1183 = arith.constant 5 : i32
      %add3A_1184 = arith.addi %mul3A_1182, %add3A_1183 : i32
      %get3A_1185 = arith.index_cast %shift_right_logical3A_580 : i32 to index
      %get3A_1186 = arith.index_cast %add3A_1184 : i32 to index
      %get3A_1187 = arith.constant 16 : index
      %get3A_1188 = tpu.vector_load %arg7[%get3A_1185, %get3A_1186, %get3A_1187] {strides = array<i32>} : memref<4x128x128xi32, #tpu.memory_space<vmem>>, vector<1x1x16xi32>,
      %get3A_1189 = vector.shape_cast %get3A_1188 : vector<1x1x16xi32> to vector<16xi32>
      %eq3A_1190 = arith.constant 1 : i32
      %eq3A_1191 = arith.cmpi eq, %squeeze3A_1166, %eq3A_1190 : i32
      %select_n3A_1192 = arith.select %eq3A_1191, %get3A_1189, %select_n3A_1180 : vector<16xi32>
      %mul3A_1193 = arith.constant 16 : i32
      %mul3A_1194 = arith.muli %and3A_581, %mul3A_1193 : i32
      %add3A_1195 = arith.constant 5 : i32
      %add3A_1196 = arith.addi %mul3A_1194, %add3A_1195 : i32
      %get3A_1197 = arith.index_cast %shift_right_logical3A_580 : i32 to index
      %get3A_1198 = arith.index_cast %add3A_1196 : i32 to index
      %get3A_1199 = arith.constant 32 : index
      %get3A_1200 = tpu.vector_load %arg7[%get3A_1197, %get3A_1198, %get3A_1199] {strides = array<i32>} : memref<4x128x128xi32, #tpu.memory_space<vmem>>, vector<1x1x16xi32>,
      %get3A_1201 = vector.shape_cast %get3A_1200 : vector<1x1x16xi32> to vector<16xi32>
      %eq3A_1202 = arith.constant 2 : i32
      %eq3A_1203 = arith.cmpi eq, %squeeze3A_1166, %eq3A_1202 : i32
      %select_n3A_1204 = arith.select %eq3A_1203, %get3A_1201, %select_n3A_1192 : vector<16xi32>
      %mul3A_1205 = arith.constant 16 : i32
      %mul3A_1206 = arith.muli %and3A_581, %mul3A_1205 : i32
      %add3A_1207 = arith.constant 5 : i32
      %add3A_1208 = arith.addi %mul3A_1206, %add3A_1207 : i32
      %get3A_1209 = arith.index_cast %shift_right_logical3A_580 : i32 to index
      %get3A_1210 = arith.index_cast %add3A_1208 : i32 to index
      %get3A_1211 = arith.constant 48 : index
      %get3A_1212 = tpu.vector_load %arg7[%get3A_1209, %get3A_1210, %get3A_1211] {strides = array<i32>} : memref<4x128x128xi32, #tpu.memory_space<vmem>>, vector<1x1x16xi32>,
      %get3A_1213 = vector.shape_cast %get3A_1212 : vector<1x1x16xi32> to vector<16xi32>
      %eq3A_1214 = arith.constant 3 : i32
      %eq3A_1215 = arith.cmpi eq, %squeeze3A_1166, %eq3A_1214 : i32
      %select_n3A_1216 = arith.select %eq3A_1215, %get3A_1213, %select_n3A_1204 : vector<16xi32>
      %mul3A_1217 = arith.constant 16 : i32
      %mul3A_1218 = arith.muli %and3A_581, %mul3A_1217 : i32
      %add3A_1219 = arith.constant 5 : i32
      %add3A_1220 = arith.addi %mul3A_1218, %add3A_1219 : i32
      %get3A_1221 = arith.index_cast %shift_right_logical3A_580 : i32 to index
      %get3A_1222 = arith.index_cast %add3A_1220 : i32 to index
      %get3A_1223 = arith.constant 64 : index
      %get3A_1224 = tpu.vector_load %arg7[%get3A_1221, %get3A_1222, %get3A_1223] {strides = array<i32>} : memref<4x128x128xi32, #tpu.memory_space<vmem>>, vector<1x1x16xi32>,
      %get3A_1225 = vector.shape_cast %get3A_1224 : vector<1x1x16xi32> to vector<16xi32>
      %eq3A_1226 = arith.constant 4 : i32
      %eq3A_1227 = arith.cmpi eq, %squeeze3A_1166, %eq3A_1226 : i32
      %select_n3A_1228 = arith.select %eq3A_1227, %get3A_1225, %select_n3A_1216 : vector<16xi32>
      %mul3A_1229 = arith.constant 16 : i32
      %mul3A_1230 = arith.muli %and3A_581, %mul3A_1229 : i32
      %add3A_1231 = arith.constant 5 : i32
      %add3A_1232 = arith.addi %mul3A_1230, %add3A_1231 : i32
      %get3A_1233 = arith.index_cast %shift_right_logical3A_580 : i32 to index
      %get3A_1234 = arith.index_cast %add3A_1232 : i32 to index
      %get3A_1235 = arith.constant 80 : index
      %get3A_1236 = tpu.vector_load %arg7[%get3A_1233, %get3A_1234, %get3A_1235] {strides = array<i32>} : memref<4x128x128xi32, #tpu.memory_space<vmem>>, vector<1x1x16xi32>,
      %get3A_1237 = vector.shape_cast %get3A_1236 : vector<1x1x16xi32> to vector<16xi32>
      %eq3A_1238 = arith.constant 5 : i32
      %eq3A_1239 = arith.cmpi eq, %squeeze3A_1166, %eq3A_1238 : i32
      %select_n3A_1240 = arith.select %eq3A_1239, %get3A_1237, %select_n3A_1228 : vector<16xi32>
      %mul3A_1241 = arith.constant 16 : i32
      %mul3A_1242 = arith.muli %and3A_581, %mul3A_1241 : i32
      %add3A_1243 = arith.constant 5 : i32
      %add3A_1244 = arith.addi %mul3A_1242, %add3A_1243 : i32
      %get3A_1245 = arith.index_cast %shift_right_logical3A_580 : i32 to index
      %get3A_1246 = arith.index_cast %add3A_1244 : i32 to index
      %get3A_1247 = arith.constant 96 : index
      %get3A_1248 = tpu.vector_load %arg7[%get3A_1245, %get3A_1246, %get3A_1247] {strides = array<i32>} : memref<4x128x128xi32, #tpu.memory_space<vmem>>, vector<1x1x16xi32>,
      %get3A_1249 = vector.shape_cast %get3A_1248 : vector<1x1x16xi32> to vector<16xi32>
      %eq3A_1250 = arith.constant 6 : i32
      %eq3A_1251 = arith.cmpi eq, %squeeze3A_1166, %eq3A_1250 : i32
      %select_n3A_1252 = arith.select %eq3A_1251, %get3A_1249, %select_n3A_1240 : vector<16xi32>
      %mul3A_1253 = arith.constant 16 : i32
      %mul3A_1254 = arith.muli %and3A_581, %mul3A_1253 : i32
      %add3A_1255 = arith.constant 5 : i32
      %add3A_1256 = arith.addi %mul3A_1254, %add3A_1255 : i32
      %get3A_1257 = arith.index_cast %shift_right_logical3A_580 : i32 to index
      %get3A_1258 = arith.index_cast %add3A_1256 : i32 to index
      %get3A_1259 = arith.constant 112 : index
      %get3A_1260 = tpu.vector_load %arg7[%get3A_1257, %get3A_1258, %get3A_1259] {strides = array<i32>} : memref<4x128x128xi32, #tpu.memory_space<vmem>>, vector<1x1x16xi32>,
      %get3A_1261 = vector.shape_cast %get3A_1260 : vector<1x1x16xi32> to vector<16xi32>
      %eq3A_1262 = arith.constant 7 : i32
      %eq3A_1263 = arith.cmpi eq, %squeeze3A_1166, %eq3A_1262 : i32
      %select_n3A_1264 = arith.select %eq3A_1263, %get3A_1261, %select_n3A_1252 : vector<16xi32>
      %eq3A_1265 = arith.constant 5 : i32
      %eq3A_1266 = vector.broadcast %eq3A_1265 : i32 to vector<16xi32>
      %eq3A_1267 = arith.cmpi eq, %iota3A, %eq3A_1266 : vector<16xi32>
      %lt3A_1268 = arith.constant 0 : i32
      %lt3A_1269 = vector.broadcast %lt3A_1268 : i32 to vector<16xi32>
      %lt3A_1270 = arith.cmpi slt, %and3A_599, %lt3A_1269 : vector<16xi32>
      %add3A_1271 = arith.constant 16 : i32
      %add3A_1272 = vector.broadcast %add3A_1271 : i32 to vector<16xi32>
      %add3A_1273 = arith.addi %and3A_599, %add3A_1272 : vector<16xi32>
      %select_n3A_1274 = arith.select %lt3A_1270, %add3A_1273, %and3A_599 : vector<16xi1>, vector<16xi32>
      %broadcast_in_dim3A_1275 = vector.shape_cast %select_n3A_1274 : vector<16xi32> to vector<16x1xi32>
      %gather3A_1276 = vector.shape_cast %broadcast_in_dim3A_1275 : vector<16x1xi32> to vector<16xi32>
      %gather3A_1277 = tpu.dynamic_gather %select_n3A_1264[%gather3A_1276] in [0] : vector<16xi32>, vector<16xi32> -> vector<16xi32>
      %select_n3A_1278 = arith.select %eq3A_1267, %gather3A_1277, %select_n3A_1164 : vector<16xi1>, vector<16xi32>
      %slice3A_1279 = vector.extract_strided_slice %shift_right_logical3A_596 {offsets = [6], sizes = [1], strides = [1]} : vector<16xi32> to vector<1xi32>
      %squeeze3A_1280 = vector.extract %slice3A_1279[0] : i32 from vector<1xi32>
      %broadcast_in_dim3A_1281 = arith.constant 0 : i32
      %broadcast_in_dim3A_1282 = vector.broadcast %broadcast_in_dim3A_1281 : i32 to vector<16xi32>
      %mul3A_1283 = arith.constant 16 : i32
      %mul3A_1284 = arith.muli %and3A_581, %mul3A_1283 : i32
      %add3A_1285 = arith.constant 6 : i32
      %add3A_1286 = arith.addi %mul3A_1284, %add3A_1285 : i32
      %get3A_1287 = arith.index_cast %shift_right_logical3A_580 : i32 to index
      %get3A_1288 = arith.index_cast %add3A_1286 : i32 to index
      %get3A_1289 = arith.constant 0 : index
      %get3A_1290 = tpu.vector_load %arg7[%get3A_1287, %get3A_1288, %get3A_1289] {strides = array<i32>} : memref<4x128x128xi32, #tpu.memory_space<vmem>>, vector<1x1x16xi32>,
      %get3A_1291 = vector.shape_cast %get3A_1290 : vector<1x1x16xi32> to vector<16xi32>
      %eq3A_1292 = arith.constant 0 : i32
      %eq3A_1293 = arith.cmpi eq, %squeeze3A_1280, %eq3A_1292 : i32
      %select_n3A_1294 = arith.select %eq3A_1293, %get3A_1291, %broadcast_in_dim3A_1282 : vector<16xi32>
      %mul3A_1295 = arith.constant 16 : i32
      %mul3A_1296 = arith.muli %and3A_581, %mul3A_1295 : i32
      %add3A_1297 = arith.constant 6 : i32
      %add3A_1298 = arith.addi %mul3A_1296, %add3A_1297 : i32
      %get3A_1299 = arith.index_cast %shift_right_logical3A_580 : i32 to index
      %get3A_1300 = arith.index_cast %add3A_1298 : i32 to index
      %get3A_1301 = arith.constant 16 : index
      %get3A_1302 = tpu.vector_load %arg7[%get3A_1299, %get3A_1300, %get3A_1301] {strides = array<i32>} : memref<4x128x128xi32, #tpu.memory_space<vmem>>, vector<1x1x16xi32>,
      %get3A_1303 = vector.shape_cast %get3A_1302 : vector<1x1x16xi32> to vector<16xi32>
      %eq3A_1304 = arith.constant 1 : i32
      %eq3A_1305 = arith.cmpi eq, %squeeze3A_1280, %eq3A_1304 : i32
      %select_n3A_1306 = arith.select %eq3A_1305, %get3A_1303, %select_n3A_1294 : vector<16xi32>
      %mul3A_1307 = arith.constant 16 : i32
      %mul3A_1308 = arith.muli %and3A_581, %mul3A_1307 : i32
      %add3A_1309 = arith.constant 6 : i32
      %add3A_1310 = arith.addi %mul3A_1308, %add3A_1309 : i32
      %get3A_1311 = arith.index_cast %shift_right_logical3A_580 : i32 to index
      %get3A_1312 = arith.index_cast %add3A_1310 : i32 to index
      %get3A_1313 = arith.constant 32 : index
      %get3A_1314 = tpu.vector_load %arg7[%get3A_1311, %get3A_1312, %get3A_1313] {strides = array<i32>} : memref<4x128x128xi32, #tpu.memory_space<vmem>>, vector<1x1x16xi32>,
      %get3A_1315 = vector.shape_cast %get3A_1314 : vector<1x1x16xi32> to vector<16xi32>
      %eq3A_1316 = arith.constant 2 : i32
      %eq3A_1317 = arith.cmpi eq, %squeeze3A_1280, %eq3A_1316 : i32
      %select_n3A_1318 = arith.select %eq3A_1317, %get3A_1315, %select_n3A_1306 : vector<16xi32>
      %mul3A_1319 = arith.constant 16 : i32
      %mul3A_1320 = arith.muli %and3A_581, %mul3A_1319 : i32
      %add3A_1321 = arith.constant 6 : i32
      %add3A_1322 = arith.addi %mul3A_1320, %add3A_1321 : i32
      %get3A_1323 = arith.index_cast %shift_right_logical3A_580 : i32 to index
      %get3A_1324 = arith.index_cast %add3A_1322 : i32 to index
      %get3A_1325 = arith.constant 48 : index
      %get3A_1326 = tpu.vector_load %arg7[%get3A_1323, %get3A_1324, %get3A_1325] {strides = array<i32>} : memref<4x128x128xi32, #tpu.memory_space<vmem>>, vector<1x1x16xi32>,
      %get3A_1327 = vector.shape_cast %get3A_1326 : vector<1x1x16xi32> to vector<16xi32>
      %eq3A_1328 = arith.constant 3 : i32
      %eq3A_1329 = arith.cmpi eq, %squeeze3A_1280, %eq3A_1328 : i32
      %select_n3A_1330 = arith.select %eq3A_1329, %get3A_1327, %select_n3A_1318 : vector<16xi32>
      %mul3A_1331 = arith.constant 16 : i32
      %mul3A_1332 = arith.muli %and3A_581, %mul3A_1331 : i32
      %add3A_1333 = arith.constant 6 : i32
      %add3A_1334 = arith.addi %mul3A_1332, %add3A_1333 : i32
      %get3A_1335 = arith.index_cast %shift_right_logical3A_580 : i32 to index
      %get3A_1336 = arith.index_cast %add3A_1334 : i32 to index
      %get3A_1337 = arith.constant 64 : index
      %get3A_1338 = tpu.vector_load %arg7[%get3A_1335, %get3A_1336, %get3A_1337] {strides = array<i32>} : memref<4x128x128xi32, #tpu.memory_space<vmem>>, vector<1x1x16xi32>,
      %get3A_1339 = vector.shape_cast %get3A_1338 : vector<1x1x16xi32> to vector<16xi32>
      %eq3A_1340 = arith.constant 4 : i32
      %eq3A_1341 = arith.cmpi eq, %squeeze3A_1280, %eq3A_1340 : i32
      %select_n3A_1342 = arith.select %eq3A_1341, %get3A_1339, %select_n3A_1330 : vector<16xi32>
      %mul3A_1343 = arith.constant 16 : i32
      %mul3A_1344 = arith.muli %and3A_581, %mul3A_1343 : i32
      %add3A_1345 = arith.constant 6 : i32
      %add3A_1346 = arith.addi %mul3A_1344, %add3A_1345 : i32
      %get3A_1347 = arith.index_cast %shift_right_logical3A_580 : i32 to index
      %get3A_1348 = arith.index_cast %add3A_1346 : i32 to index
      %get3A_1349 = arith.constant 80 : index
      %get3A_1350 = tpu.vector_load %arg7[%get3A_1347, %get3A_1348, %get3A_1349] {strides = array<i32>} : memref<4x128x128xi32, #tpu.memory_space<vmem>>, vector<1x1x16xi32>,
      %get3A_1351 = vector.shape_cast %get3A_1350 : vector<1x1x16xi32> to vector<16xi32>
      %eq3A_1352 = arith.constant 5 : i32
      %eq3A_1353 = arith.cmpi eq, %squeeze3A_1280, %eq3A_1352 : i32
      %select_n3A_1354 = arith.select %eq3A_1353, %get3A_1351, %select_n3A_1342 : vector<16xi32>
      %mul3A_1355 = arith.constant 16 : i32
      %mul3A_1356 = arith.muli %and3A_581, %mul3A_1355 : i32
      %add3A_1357 = arith.constant 6 : i32
      %add3A_1358 = arith.addi %mul3A_1356, %add3A_1357 : i32
      %get3A_1359 = arith.index_cast %shift_right_logical3A_580 : i32 to index
      %get3A_1360 = arith.index_cast %add3A_1358 : i32 to index
      %get3A_1361 = arith.constant 96 : index
      %get3A_1362 = tpu.vector_load %arg7[%get3A_1359, %get3A_1360, %get3A_1361] {strides = array<i32>} : memref<4x128x128xi32, #tpu.memory_space<vmem>>, vector<1x1x16xi32>,
      %get3A_1363 = vector.shape_cast %get3A_1362 : vector<1x1x16xi32> to vector<16xi32>
      %eq3A_1364 = arith.constant 6 : i32
      %eq3A_1365 = arith.cmpi eq, %squeeze3A_1280, %eq3A_1364 : i32
      %select_n3A_1366 = arith.select %eq3A_1365, %get3A_1363, %select_n3A_1354 : vector<16xi32>
      %mul3A_1367 = arith.constant 16 : i32
      %mul3A_1368 = arith.muli %and3A_581, %mul3A_1367 : i32
      %add3A_1369 = arith.constant 6 : i32
      %add3A_1370 = arith.addi %mul3A_1368, %add3A_1369 : i32
      %get3A_1371 = arith.index_cast %shift_right_logical3A_580 : i32 to index
      %get3A_1372 = arith.index_cast %add3A_1370 : i32 to index
      %get3A_1373 = arith.constant 112 : index
      %get3A_1374 = tpu.vector_load %arg7[%get3A_1371, %get3A_1372, %get3A_1373] {strides = array<i32>} : memref<4x128x128xi32, #tpu.memory_space<vmem>>, vector<1x1x16xi32>,
      %get3A_1375 = vector.shape_cast %get3A_1374 : vector<1x1x16xi32> to vector<16xi32>
      %eq3A_1376 = arith.constant 7 : i32
      %eq3A_1377 = arith.cmpi eq, %squeeze3A_1280, %eq3A_1376 : i32
      %select_n3A_1378 = arith.select %eq3A_1377, %get3A_1375, %select_n3A_1366 : vector<16xi32>
      %eq3A_1379 = arith.constant 6 : i32
      %eq3A_1380 = vector.broadcast %eq3A_1379 : i32 to vector<16xi32>
      %eq3A_1381 = arith.cmpi eq, %iota3A, %eq3A_1380 : vector<16xi32>
      %lt3A_1382 = arith.constant 0 : i32
      %lt3A_1383 = vector.broadcast %lt3A_1382 : i32 to vector<16xi32>
      %lt3A_1384 = arith.cmpi slt, %and3A_599, %lt3A_1383 : vector<16xi32>
      %add3A_1385 = arith.constant 16 : i32
      %add3A_1386 = vector.broadcast %add3A_1385 : i32 to vector<16xi32>
      %add3A_1387 = arith.addi %and3A_599, %add3A_1386 : vector<16xi32>
      %select_n3A_1388 = arith.select %lt3A_1384, %add3A_1387, %and3A_599 : vector<16xi1>, vector<16xi32>
      %broadcast_in_dim3A_1389 = vector.shape_cast %select_n3A_1388 : vector<16xi32> to vector<16x1xi32>
      %gather3A_1390 = vector.shape_cast %broadcast_in_dim3A_1389 : vector<16x1xi32> to vector<16xi32>
      %gather3A_1391 = tpu.dynamic_gather %select_n3A_1378[%gather3A_1390] in [0] : vector<16xi32>, vector<16xi32> -> vector<16xi32>
      %select_n3A_1392 = arith.select %eq3A_1381, %gather3A_1391, %select_n3A_1278 : vector<16xi1>, vector<16xi32>
      %slice3A_1393 = vector.extract_strided_slice %shift_right_logical3A_596 {offsets = [7], sizes = [1], strides = [1]} : vector<16xi32> to vector<1xi32>
      %squeeze3A_1394 = vector.extract %slice3A_1393[0] : i32 from vector<1xi32>
      %broadcast_in_dim3A_1395 = arith.constant 0 : i32
      %broadcast_in_dim3A_1396 = vector.broadcast %broadcast_in_dim3A_1395 : i32 to vector<16xi32>
      %mul3A_1397 = arith.constant 16 : i32
      %mul3A_1398 = arith.muli %and3A_581, %mul3A_1397 : i32
      %add3A_1399 = arith.constant 7 : i32
      %add3A_1400 = arith.addi %mul3A_1398, %add3A_1399 : i32
      %get3A_1401 = arith.index_cast %shift_right_logical3A_580 : i32 to index
      %get3A_1402 = arith.index_cast %add3A_1400 : i32 to index
      %get3A_1403 = arith.constant 0 : index
      %get3A_1404 = tpu.vector_load %arg7[%get3A_1401, %get3A_1402, %get3A_1403] {strides = array<i32>} : memref<4x128x128xi32, #tpu.memory_space<vmem>>, vector<1x1x16xi32>,
      %get3A_1405 = vector.shape_cast %get3A_1404 : vector<1x1x16xi32> to vector<16xi32>
      %eq3A_1406 = arith.constant 0 : i32
      %eq3A_1407 = arith.cmpi eq, %squeeze3A_1394, %eq3A_1406 : i32
      %select_n3A_1408 = arith.select %eq3A_1407, %get3A_1405, %broadcast_in_dim3A_1396 : vector<16xi32>
      %mul3A_1409 = arith.constant 16 : i32
      %mul3A_1410 = arith.muli %and3A_581, %mul3A_1409 : i32
      %add3A_1411 = arith.constant 7 : i32
      %add3A_1412 = arith.addi %mul3A_1410, %add3A_1411 : i32
      %get3A_1413 = arith.index_cast %shift_right_logical3A_580 : i32 to index
      %get3A_1414 = arith.index_cast %add3A_1412 : i32 to index
      %get3A_1415 = arith.constant 16 : index
      %get3A_1416 = tpu.vector_load %arg7[%get3A_1413, %get3A_1414, %get3A_1415] {strides = array<i32>} : memref<4x128x128xi32, #tpu.memory_space<vmem>>, vector<1x1x16xi32>,
      %get3A_1417 = vector.shape_cast %get3A_1416 : vector<1x1x16xi32> to vector<16xi32>
      %eq3A_1418 = arith.constant 1 : i32
      %eq3A_1419 = arith.cmpi eq, %squeeze3A_1394, %eq3A_1418 : i32
      %select_n3A_1420 = arith.select %eq3A_1419, %get3A_1417, %select_n3A_1408 : vector<16xi32>
      %mul3A_1421 = arith.constant 16 : i32
      %mul3A_1422 = arith.muli %and3A_581, %mul3A_1421 : i32
      %add3A_1423 = arith.constant 7 : i32
      %add3A_1424 = arith.addi %mul3A_1422, %add3A_1423 : i32
      %get3A_1425 = arith.index_cast %shift_right_logical3A_580 : i32 to index
      %get3A_1426 = arith.index_cast %add3A_1424 : i32 to index
      %get3A_1427 = arith.constant 32 : index
      %get3A_1428 = tpu.vector_load %arg7[%get3A_1425, %get3A_1426, %get3A_1427] {strides = array<i32>} : memref<4x128x128xi32, #tpu.memory_space<vmem>>, vector<1x1x16xi32>,
      %get3A_1429 = vector.shape_cast %get3A_1428 : vector<1x1x16xi32> to vector<16xi32>
      %eq3A_1430 = arith.constant 2 : i32
      %eq3A_1431 = arith.cmpi eq, %squeeze3A_1394, %eq3A_1430 : i32
      %select_n3A_1432 = arith.select %eq3A_1431, %get3A_1429, %select_n3A_1420 : vector<16xi32>
      %mul3A_1433 = arith.constant 16 : i32
      %mul3A_1434 = arith.muli %and3A_581, %mul3A_1433 : i32
      %add3A_1435 = arith.constant 7 : i32
      %add3A_1436 = arith.addi %mul3A_1434, %add3A_1435 : i32
      %get3A_1437 = arith.index_cast %shift_right_logical3A_580 : i32 to index
      %get3A_1438 = arith.index_cast %add3A_1436 : i32 to index
      %get3A_1439 = arith.constant 48 : index
      %get3A_1440 = tpu.vector_load %arg7[%get3A_1437, %get3A_1438, %get3A_1439] {strides = array<i32>} : memref<4x128x128xi32, #tpu.memory_space<vmem>>, vector<1x1x16xi32>,
      %get3A_1441 = vector.shape_cast %get3A_1440 : vector<1x1x16xi32> to vector<16xi32>
      %eq3A_1442 = arith.constant 3 : i32
      %eq3A_1443 = arith.cmpi eq, %squeeze3A_1394, %eq3A_1442 : i32
      %select_n3A_1444 = arith.select %eq3A_1443, %get3A_1441, %select_n3A_1432 : vector<16xi32>
      %mul3A_1445 = arith.constant 16 : i32
      %mul3A_1446 = arith.muli %and3A_581, %mul3A_1445 : i32
      %add3A_1447 = arith.constant 7 : i32
      %add3A_1448 = arith.addi %mul3A_1446, %add3A_1447 : i32
      %get3A_1449 = arith.index_cast %shift_right_logical3A_580 : i32 to index
      %get3A_1450 = arith.index_cast %add3A_1448 : i32 to index
      %get3A_1451 = arith.constant 64 : index
      %get3A_1452 = tpu.vector_load %arg7[%get3A_1449, %get3A_1450, %get3A_1451] {strides = array<i32>} : memref<4x128x128xi32, #tpu.memory_space<vmem>>, vector<1x1x16xi32>,
      %get3A_1453 = vector.shape_cast %get3A_1452 : vector<1x1x16xi32> to vector<16xi32>
      %eq3A_1454 = arith.constant 4 : i32
      %eq3A_1455 = arith.cmpi eq, %squeeze3A_1394, %eq3A_1454 : i32
      %select_n3A_1456 = arith.select %eq3A_1455, %get3A_1453, %select_n3A_1444 : vector<16xi32>
      %mul3A_1457 = arith.constant 16 : i32
      %mul3A_1458 = arith.muli %and3A_581, %mul3A_1457 : i32
      %add3A_1459 = arith.constant 7 : i32
      %add3A_1460 = arith.addi %mul3A_1458, %add3A_1459 : i32
      %get3A_1461 = arith.index_cast %shift_right_logical3A_580 : i32 to index
      %get3A_1462 = arith.index_cast %add3A_1460 : i32 to index
      %get3A_1463 = arith.constant 80 : index
      %get3A_1464 = tpu.vector_load %arg7[%get3A_1461, %get3A_1462, %get3A_1463] {strides = array<i32>} : memref<4x128x128xi32, #tpu.memory_space<vmem>>, vector<1x1x16xi32>,
      %get3A_1465 = vector.shape_cast %get3A_1464 : vector<1x1x16xi32> to vector<16xi32>
      %eq3A_1466 = arith.constant 5 : i32
      %eq3A_1467 = arith.cmpi eq, %squeeze3A_1394, %eq3A_1466 : i32
      %select_n3A_1468 = arith.select %eq3A_1467, %get3A_1465, %select_n3A_1456 : vector<16xi32>
      %mul3A_1469 = arith.constant 16 : i32
      %mul3A_1470 = arith.muli %and3A_581, %mul3A_1469 : i32
      %add3A_1471 = arith.constant 7 : i32
      %add3A_1472 = arith.addi %mul3A_1470, %add3A_1471 : i32
      %get3A_1473 = arith.index_cast %shift_right_logical3A_580 : i32 to index
      %get3A_1474 = arith.index_cast %add3A_1472 : i32 to index
      %get3A_1475 = arith.constant 96 : index
      %get3A_1476 = tpu.vector_load %arg7[%get3A_1473, %get3A_1474, %get3A_1475] {strides = array<i32>} : memref<4x128x128xi32, #tpu.memory_space<vmem>>, vector<1x1x16xi32>,
      %get3A_1477 = vector.shape_cast %get3A_1476 : vector<1x1x16xi32> to vector<16xi32>
      %eq3A_1478 = arith.constant 6 : i32
      %eq3A_1479 = arith.cmpi eq, %squeeze3A_1394, %eq3A_1478 : i32
      %select_n3A_1480 = arith.select %eq3A_1479, %get3A_1477, %select_n3A_1468 : vector<16xi32>
      %mul3A_1481 = arith.constant 16 : i32
      %mul3A_1482 = arith.muli %and3A_581, %mul3A_1481 : i32
      %add3A_1483 = arith.constant 7 : i32
      %add3A_1484 = arith.addi %mul3A_1482, %add3A_1483 : i32
      %get3A_1485 = arith.index_cast %shift_right_logical3A_580 : i32 to index
      %get3A_1486 = arith.index_cast %add3A_1484 : i32 to index
      %get3A_1487 = arith.constant 112 : index
      %get3A_1488 = tpu.vector_load %arg7[%get3A_1485, %get3A_1486, %get3A_1487] {strides = array<i32>} : memref<4x128x128xi32, #tpu.memory_space<vmem>>, vector<1x1x16xi32>,
      %get3A_1489 = vector.shape_cast %get3A_1488 : vector<1x1x16xi32> to vector<16xi32>
      %eq3A_1490 = arith.constant 7 : i32
      %eq3A_1491 = arith.cmpi eq, %squeeze3A_1394, %eq3A_1490 : i32
      %select_n3A_1492 = arith.select %eq3A_1491, %get3A_1489, %select_n3A_1480 : vector<16xi32>
      %eq3A_1493 = arith.constant 7 : i32
      %eq3A_1494 = vector.broadcast %eq3A_1493 : i32 to vector<16xi32>
      %eq3A_1495 = arith.cmpi eq, %iota3A, %eq3A_1494 : vector<16xi32>
      %lt3A_1496 = arith.constant 0 : i32
      %lt3A_1497 = vector.broadcast %lt3A_1496 : i32 to vector<16xi32>
      %lt3A_1498 = arith.cmpi slt, %and3A_599, %lt3A_1497 : vector<16xi32>
      %add3A_1499 = arith.constant 16 : i32
      %add3A_1500 = vector.broadcast %add3A_1499 : i32 to vector<16xi32>
      %add3A_1501 = arith.addi %and3A_599, %add3A_1500 : vector<16xi32>
      %select_n3A_1502 = arith.select %lt3A_1498, %add3A_1501, %and3A_599 : vector<16xi1>, vector<16xi32>
      %broadcast_in_dim3A_1503 = vector.shape_cast %select_n3A_1502 : vector<16xi32> to vector<16x1xi32>
      %gather3A_1504 = vector.shape_cast %broadcast_in_dim3A_1503 : vector<16x1xi32> to vector<16xi32>
      %gather3A_1505 = tpu.dynamic_gather %select_n3A_1492[%gather3A_1504] in [0] : vector<16xi32>, vector<16xi32> -> vector<16xi32>
      %select_n3A_1506 = arith.select %eq3A_1495, %gather3A_1505, %select_n3A_1392 : vector<16xi1>, vector<16xi32>
      %slice3A_1507 = vector.extract_strided_slice %shift_right_logical3A_596 {offsets = [8], sizes = [1], strides = [1]} : vector<16xi32> to vector<1xi32>
      %squeeze3A_1508 = vector.extract %slice3A_1507[0] : i32 from vector<1xi32>
      %broadcast_in_dim3A_1509 = arith.constant 0 : i32
      %broadcast_in_dim3A_1510 = vector.broadcast %broadcast_in_dim3A_1509 : i32 to vector<16xi32>
      %mul3A_1511 = arith.constant 16 : i32
      %mul3A_1512 = arith.muli %and3A_581, %mul3A_1511 : i32
      %add3A_1513 = arith.constant 8 : i32
      %add3A_1514 = arith.addi %mul3A_1512, %add3A_1513 : i32
      %get3A_1515 = arith.index_cast %shift_right_logical3A_580 : i32 to index
      %get3A_1516 = arith.index_cast %add3A_1514 : i32 to index
      %get3A_1517 = arith.constant 0 : index
      %get3A_1518 = tpu.vector_load %arg7[%get3A_1515, %get3A_1516, %get3A_1517] {strides = array<i32>} : memref<4x128x128xi32, #tpu.memory_space<vmem>>, vector<1x1x16xi32>,
      %get3A_1519 = vector.shape_cast %get3A_1518 : vector<1x1x16xi32> to vector<16xi32>
      %eq3A_1520 = arith.constant 0 : i32
      %eq3A_1521 = arith.cmpi eq, %squeeze3A_1508, %eq3A_1520 : i32
      %select_n3A_1522 = arith.select %eq3A_1521, %get3A_1519, %broadcast_in_dim3A_1510 : vector<16xi32>
      %mul3A_1523 = arith.constant 16 : i32
      %mul3A_1524 = arith.muli %and3A_581, %mul3A_1523 : i32
      %add3A_1525 = arith.constant 8 : i32
      %add3A_1526 = arith.addi %mul3A_1524, %add3A_1525 : i32
      %get3A_1527 = arith.index_cast %shift_right_logical3A_580 : i32 to index
      %get3A_1528 = arith.index_cast %add3A_1526 : i32 to index
      %get3A_1529 = arith.constant 16 : index
      %get3A_1530 = tpu.vector_load %arg7[%get3A_1527, %get3A_1528, %get3A_1529] {strides = array<i32>} : memref<4x128x128xi32, #tpu.memory_space<vmem>>, vector<1x1x16xi32>,
      %get3A_1531 = vector.shape_cast %get3A_1530 : vector<1x1x16xi32> to vector<16xi32>
      %eq3A_1532 = arith.constant 1 : i32
      %eq3A_1533 = arith.cmpi eq, %squeeze3A_1508, %eq3A_1532 : i32
      %select_n3A_1534 = arith.select %eq3A_1533, %get3A_1531, %select_n3A_1522 : vector<16xi32>
      %mul3A_1535 = arith.constant 16 : i32
      %mul3A_1536 = arith.muli %and3A_581, %mul3A_1535 : i32
      %add3A_1537 = arith.constant 8 : i32
      %add3A_1538 = arith.addi %mul3A_1536, %add3A_1537 : i32
      %get3A_1539 = arith.index_cast %shift_right_logical3A_580 : i32 to index
      %get3A_1540 = arith.index_cast %add3A_1538 : i32 to index
      %get3A_1541 = arith.constant 32 : index
      %get3A_1542 = tpu.vector_load %arg7[%get3A_1539, %get3A_1540, %get3A_1541] {strides = array<i32>} : memref<4x128x128xi32, #tpu.memory_space<vmem>>, vector<1x1x16xi32>,
      %get3A_1543 = vector.shape_cast %get3A_1542 : vector<1x1x16xi32> to vector<16xi32>
      %eq3A_1544 = arith.constant 2 : i32
      %eq3A_1545 = arith.cmpi eq, %squeeze3A_1508, %eq3A_1544 : i32
      %select_n3A_1546 = arith.select %eq3A_1545, %get3A_1543, %select_n3A_1534 : vector<16xi32>
      %mul3A_1547 = arith.constant 16 : i32
      %mul3A_1548 = arith.muli %and3A_581, %mul3A_1547 : i32
      %add3A_1549 = arith.constant 8 : i32
      %add3A_1550 = arith.addi %mul3A_1548, %add3A_1549 : i32
      %get3A_1551 = arith.index_cast %shift_right_logical3A_580 : i32 to index
      %get3A_1552 = arith.index_cast %add3A_1550 : i32 to index
      %get3A_1553 = arith.constant 48 : index
      %get3A_1554 = tpu.vector_load %arg7[%get3A_1551, %get3A_1552, %get3A_1553] {strides = array<i32>} : memref<4x128x128xi32, #tpu.memory_space<vmem>>, vector<1x1x16xi32>,
      %get3A_1555 = vector.shape_cast %get3A_1554 : vector<1x1x16xi32> to vector<16xi32>
      %eq3A_1556 = arith.constant 3 : i32
      %eq3A_1557 = arith.cmpi eq, %squeeze3A_1508, %eq3A_1556 : i32
      %select_n3A_1558 = arith.select %eq3A_1557, %get3A_1555, %select_n3A_1546 : vector<16xi32>
      %mul3A_1559 = arith.constant 16 : i32
      %mul3A_1560 = arith.muli %and3A_581, %mul3A_1559 : i32
      %add3A_1561 = arith.constant 8 : i32
      %add3A_1562 = arith.addi %mul3A_1560, %add3A_1561 : i32
      %get3A_1563 = arith.index_cast %shift_right_logical3A_580 : i32 to index
      %get3A_1564 = arith.index_cast %add3A_1562 : i32 to index
      %get3A_1565 = arith.constant 64 : index
      %get3A_1566 = tpu.vector_load %arg7[%get3A_1563, %get3A_1564, %get3A_1565] {strides = array<i32>} : memref<4x128x128xi32, #tpu.memory_space<vmem>>, vector<1x1x16xi32>,
      %get3A_1567 = vector.shape_cast %get3A_1566 : vector<1x1x16xi32> to vector<16xi32>
      %eq3A_1568 = arith.constant 4 : i32
      %eq3A_1569 = arith.cmpi eq, %squeeze3A_1508, %eq3A_1568 : i32
      %select_n3A_1570 = arith.select %eq3A_1569, %get3A_1567, %select_n3A_1558 : vector<16xi32>
      %mul3A_1571 = arith.constant 16 : i32
      %mul3A_1572 = arith.muli %and3A_581, %mul3A_1571 : i32
      %add3A_1573 = arith.constant 8 : i32
      %add3A_1574 = arith.addi %mul3A_1572, %add3A_1573 : i32
      %get3A_1575 = arith.index_cast %shift_right_logical3A_580 : i32 to index
      %get3A_1576 = arith.index_cast %add3A_1574 : i32 to index
      %get3A_1577 = arith.constant 80 : index
      %get3A_1578 = tpu.vector_load %arg7[%get3A_1575, %get3A_1576, %get3A_1577] {strides = array<i32>} : memref<4x128x128xi32, #tpu.memory_space<vmem>>, vector<1x1x16xi32>,
      %get3A_1579 = vector.shape_cast %get3A_1578 : vector<1x1x16xi32> to vector<16xi32>
      %eq3A_1580 = arith.constant 5 : i32
      %eq3A_1581 = arith.cmpi eq, %squeeze3A_1508, %eq3A_1580 : i32
      %select_n3A_1582 = arith.select %eq3A_1581, %get3A_1579, %select_n3A_1570 : vector<16xi32>
      %mul3A_1583 = arith.constant 16 : i32
      %mul3A_1584 = arith.muli %and3A_581, %mul3A_1583 : i32
      %add3A_1585 = arith.constant 8 : i32
      %add3A_1586 = arith.addi %mul3A_1584, %add3A_1585 : i32
      %get3A_1587 = arith.index_cast %shift_right_logical3A_580 : i32 to index
      %get3A_1588 = arith.index_cast %add3A_1586 : i32 to index
      %get3A_1589 = arith.constant 96 : index
      %get3A_1590 = tpu.vector_load %arg7[%get3A_1587, %get3A_1588, %get3A_1589] {strides = array<i32>} : memref<4x128x128xi32, #tpu.memory_space<vmem>>, vector<1x1x16xi32>,
      %get3A_1591 = vector.shape_cast %get3A_1590 : vector<1x1x16xi32> to vector<16xi32>
      %eq3A_1592 = arith.constant 6 : i32
      %eq3A_1593 = arith.cmpi eq, %squeeze3A_1508, %eq3A_1592 : i32
      %select_n3A_1594 = arith.select %eq3A_1593, %get3A_1591, %select_n3A_1582 : vector<16xi32>
      %mul3A_1595 = arith.constant 16 : i32
      %mul3A_1596 = arith.muli %and3A_581, %mul3A_1595 : i32
      %add3A_1597 = arith.constant 8 : i32
      %add3A_1598 = arith.addi %mul3A_1596, %add3A_1597 : i32
      %get3A_1599 = arith.index_cast %shift_right_logical3A_580 : i32 to index
      %get3A_1600 = arith.index_cast %add3A_1598 : i32 to index
      %get3A_1601 = arith.constant 112 : index
      %get3A_1602 = tpu.vector_load %arg7[%get3A_1599, %get3A_1600, %get3A_1601] {strides = array<i32>} : memref<4x128x128xi32, #tpu.memory_space<vmem>>, vector<1x1x16xi32>,
      %get3A_1603 = vector.shape_cast %get3A_1602 : vector<1x1x16xi32> to vector<16xi32>
      %eq3A_1604 = arith.constant 7 : i32
      %eq3A_1605 = arith.cmpi eq, %squeeze3A_1508, %eq3A_1604 : i32
      %select_n3A_1606 = arith.select %eq3A_1605, %get3A_1603, %select_n3A_1594 : vector<16xi32>
      %eq3A_1607 = arith.constant 8 : i32
      %eq3A_1608 = vector.broadcast %eq3A_1607 : i32 to vector<16xi32>
      %eq3A_1609 = arith.cmpi eq, %iota3A, %eq3A_1608 : vector<16xi32>
      %lt3A_1610 = arith.constant 0 : i32
      %lt3A_1611 = vector.broadcast %lt3A_1610 : i32 to vector<16xi32>
      %lt3A_1612 = arith.cmpi slt, %and3A_599, %lt3A_1611 : vector<16xi32>
      %add3A_1613 = arith.constant 16 : i32
      %add3A_1614 = vector.broadcast %add3A_1613 : i32 to vector<16xi32>
      %add3A_1615 = arith.addi %and3A_599, %add3A_1614 : vector<16xi32>
      %select_n3A_1616 = arith.select %lt3A_1612, %add3A_1615, %and3A_599 : vector<16xi1>, vector<16xi32>
      %broadcast_in_dim3A_1617 = vector.shape_cast %select_n3A_1616 : vector<16xi32> to vector<16x1xi32>
      %gather3A_1618 = vector.shape_cast %broadcast_in_dim3A_1617 : vector<16x1xi32> to vector<16xi32>
      %gather3A_1619 = tpu.dynamic_gather %select_n3A_1606[%gather3A_1618] in [0] : vector<16xi32>, vector<16xi32> -> vector<16xi32>
      %select_n3A_1620 = arith.select %eq3A_1609, %gather3A_1619, %select_n3A_1506 : vector<16xi1>, vector<16xi32>
      %slice3A_1621 = vector.extract_strided_slice %shift_right_logical3A_596 {offsets = [9], sizes = [1], strides = [1]} : vector<16xi32> to vector<1xi32>
      %squeeze3A_1622 = vector.extract %slice3A_1621[0] : i32 from vector<1xi32>
      %broadcast_in_dim3A_1623 = arith.constant 0 : i32
      %broadcast_in_dim3A_1624 = vector.broadcast %broadcast_in_dim3A_1623 : i32 to vector<16xi32>
      %mul3A_1625 = arith.constant 16 : i32
      %mul3A_1626 = arith.muli %and3A_581, %mul3A_1625 : i32
      %add3A_1627 = arith.constant 9 : i32
      %add3A_1628 = arith.addi %mul3A_1626, %add3A_1627 : i32
      %get3A_1629 = arith.index_cast %shift_right_logical3A_580 : i32 to index
      %get3A_1630 = arith.index_cast %add3A_1628 : i32 to index
      %get3A_1631 = arith.constant 0 : index
      %get3A_1632 = tpu.vector_load %arg7[%get3A_1629, %get3A_1630, %get3A_1631] {strides = array<i32>} : memref<4x128x128xi32, #tpu.memory_space<vmem>>, vector<1x1x16xi32>,
      %get3A_1633 = vector.shape_cast %get3A_1632 : vector<1x1x16xi32> to vector<16xi32>
      %eq3A_1634 = arith.constant 0 : i32
      %eq3A_1635 = arith.cmpi eq, %squeeze3A_1622, %eq3A_1634 : i32
      %select_n3A_1636 = arith.select %eq3A_1635, %get3A_1633, %broadcast_in_dim3A_1624 : vector<16xi32>
      %mul3A_1637 = arith.constant 16 : i32
      %mul3A_1638 = arith.muli %and3A_581, %mul3A_1637 : i32
      %add3A_1639 = arith.constant 9 : i32
      %add3A_1640 = arith.addi %mul3A_1638, %add3A_1639 : i32
      %get3A_1641 = arith.index_cast %shift_right_logical3A_580 : i32 to index
      %get3A_1642 = arith.index_cast %add3A_1640 : i32 to index
      %get3A_1643 = arith.constant 16 : index
      %get3A_1644 = tpu.vector_load %arg7[%get3A_1641, %get3A_1642, %get3A_1643] {strides = array<i32>} : memref<4x128x128xi32, #tpu.memory_space<vmem>>, vector<1x1x16xi32>,
      %get3A_1645 = vector.shape_cast %get3A_1644 : vector<1x1x16xi32> to vector<16xi32>
      %eq3A_1646 = arith.constant 1 : i32
      %eq3A_1647 = arith.cmpi eq, %squeeze3A_1622, %eq3A_1646 : i32
      %select_n3A_1648 = arith.select %eq3A_1647, %get3A_1645, %select_n3A_1636 : vector<16xi32>
      %mul3A_1649 = arith.constant 16 : i32
      %mul3A_1650 = arith.muli %and3A_581, %mul3A_1649 : i32
      %add3A_1651 = arith.constant 9 : i32
      %add3A_1652 = arith.addi %mul3A_1650, %add3A_1651 : i32
      %get3A_1653 = arith.index_cast %shift_right_logical3A_580 : i32 to index
      %get3A_1654 = arith.index_cast %add3A_1652 : i32 to index
      %get3A_1655 = arith.constant 32 : index
      %get3A_1656 = tpu.vector_load %arg7[%get3A_1653, %get3A_1654, %get3A_1655] {strides = array<i32>} : memref<4x128x128xi32, #tpu.memory_space<vmem>>, vector<1x1x16xi32>,
      %get3A_1657 = vector.shape_cast %get3A_1656 : vector<1x1x16xi32> to vector<16xi32>
      %eq3A_1658 = arith.constant 2 : i32
      %eq3A_1659 = arith.cmpi eq, %squeeze3A_1622, %eq3A_1658 : i32
      %select_n3A_1660 = arith.select %eq3A_1659, %get3A_1657, %select_n3A_1648 : vector<16xi32>
      %mul3A_1661 = arith.constant 16 : i32
      %mul3A_1662 = arith.muli %and3A_581, %mul3A_1661 : i32
      %add3A_1663 = arith.constant 9 : i32
      %add3A_1664 = arith.addi %mul3A_1662, %add3A_1663 : i32
      %get3A_1665 = arith.index_cast %shift_right_logical3A_580 : i32 to index
      %get3A_1666 = arith.index_cast %add3A_1664 : i32 to index
      %get3A_1667 = arith.constant 48 : index
      %get3A_1668 = tpu.vector_load %arg7[%get3A_1665, %get3A_1666, %get3A_1667] {strides = array<i32>} : memref<4x128x128xi32, #tpu.memory_space<vmem>>, vector<1x1x16xi32>,
      %get3A_1669 = vector.shape_cast %get3A_1668 : vector<1x1x16xi32> to vector<16xi32>
      %eq3A_1670 = arith.constant 3 : i32
      %eq3A_1671 = arith.cmpi eq, %squeeze3A_1622, %eq3A_1670 : i32
      %select_n3A_1672 = arith.select %eq3A_1671, %get3A_1669, %select_n3A_1660 : vector<16xi32>
      %mul3A_1673 = arith.constant 16 : i32
      %mul3A_1674 = arith.muli %and3A_581, %mul3A_1673 : i32
      %add3A_1675 = arith.constant 9 : i32
      %add3A_1676 = arith.addi %mul3A_1674, %add3A_1675 : i32
      %get3A_1677 = arith.index_cast %shift_right_logical3A_580 : i32 to index
      %get3A_1678 = arith.index_cast %add3A_1676 : i32 to index
      %get3A_1679 = arith.constant 64 : index
      %get3A_1680 = tpu.vector_load %arg7[%get3A_1677, %get3A_1678, %get3A_1679] {strides = array<i32>} : memref<4x128x128xi32, #tpu.memory_space<vmem>>, vector<1x1x16xi32>,
      %get3A_1681 = vector.shape_cast %get3A_1680 : vector<1x1x16xi32> to vector<16xi32>
      %eq3A_1682 = arith.constant 4 : i32
      %eq3A_1683 = arith.cmpi eq, %squeeze3A_1622, %eq3A_1682 : i32
      %select_n3A_1684 = arith.select %eq3A_1683, %get3A_1681, %select_n3A_1672 : vector<16xi32>
      %mul3A_1685 = arith.constant 16 : i32
      %mul3A_1686 = arith.muli %and3A_581, %mul3A_1685 : i32
      %add3A_1687 = arith.constant 9 : i32
      %add3A_1688 = arith.addi %mul3A_1686, %add3A_1687 : i32
      %get3A_1689 = arith.index_cast %shift_right_logical3A_580 : i32 to index
      %get3A_1690 = arith.index_cast %add3A_1688 : i32 to index
      %get3A_1691 = arith.constant 80 : index
      %get3A_1692 = tpu.vector_load %arg7[%get3A_1689, %get3A_1690, %get3A_1691] {strides = array<i32>} : memref<4x128x128xi32, #tpu.memory_space<vmem>>, vector<1x1x16xi32>,
      %get3A_1693 = vector.shape_cast %get3A_1692 : vector<1x1x16xi32> to vector<16xi32>
      %eq3A_1694 = arith.constant 5 : i32
      %eq3A_1695 = arith.cmpi eq, %squeeze3A_1622, %eq3A_1694 : i32
      %select_n3A_1696 = arith.select %eq3A_1695, %get3A_1693, %select_n3A_1684 : vector<16xi32>
      %mul3A_1697 = arith.constant 16 : i32
      %mul3A_1698 = arith.muli %and3A_581, %mul3A_1697 : i32
      %add3A_1699 = arith.constant 9 : i32
      %add3A_1700 = arith.addi %mul3A_1698, %add3A_1699 : i32
      %get3A_1701 = arith.index_cast %shift_right_logical3A_580 : i32 to index
      %get3A_1702 = arith.index_cast %add3A_1700 : i32 to index
      %get3A_1703 = arith.constant 96 : index
      %get3A_1704 = tpu.vector_load %arg7[%get3A_1701, %get3A_1702, %get3A_1703] {strides = array<i32>} : memref<4x128x128xi32, #tpu.memory_space<vmem>>, vector<1x1x16xi32>,
      %get3A_1705 = vector.shape_cast %get3A_1704 : vector<1x1x16xi32> to vector<16xi32>
      %eq3A_1706 = arith.constant 6 : i32
      %eq3A_1707 = arith.cmpi eq, %squeeze3A_1622, %eq3A_1706 : i32
      %select_n3A_1708 = arith.select %eq3A_1707, %get3A_1705, %select_n3A_1696 : vector<16xi32>
      %mul3A_1709 = arith.constant 16 : i32
      %mul3A_1710 = arith.muli %and3A_581, %mul3A_1709 : i32
      %add3A_1711 = arith.constant 9 : i32
      %add3A_1712 = arith.addi %mul3A_1710, %add3A_1711 : i32
      %get3A_1713 = arith.index_cast %shift_right_logical3A_580 : i32 to index
      %get3A_1714 = arith.index_cast %add3A_1712 : i32 to index
      %get3A_1715 = arith.constant 112 : index
      %get3A_1716 = tpu.vector_load %arg7[%get3A_1713, %get3A_1714, %get3A_1715] {strides = array<i32>} : memref<4x128x128xi32, #tpu.memory_space<vmem>>, vector<1x1x16xi32>,
      %get3A_1717 = vector.shape_cast %get3A_1716 : vector<1x1x16xi32> to vector<16xi32>
      %eq3A_1718 = arith.constant 7 : i32
      %eq3A_1719 = arith.cmpi eq, %squeeze3A_1622, %eq3A_1718 : i32
      %select_n3A_1720 = arith.select %eq3A_1719, %get3A_1717, %select_n3A_1708 : vector<16xi32>
      %eq3A_1721 = arith.constant 9 : i32
      %eq3A_1722 = vector.broadcast %eq3A_1721 : i32 to vector<16xi32>
      %eq3A_1723 = arith.cmpi eq, %iota3A, %eq3A_1722 : vector<16xi32>
      %lt3A_1724 = arith.constant 0 : i32
      %lt3A_1725 = vector.broadcast %lt3A_1724 : i32 to vector<16xi32>
      %lt3A_1726 = arith.cmpi slt, %and3A_599, %lt3A_1725 : vector<16xi32>
      %add3A_1727 = arith.constant 16 : i32
      %add3A_1728 = vector.broadcast %add3A_1727 : i32 to vector<16xi32>
      %add3A_1729 = arith.addi %and3A_599, %add3A_1728 : vector<16xi32>
      %select_n3A_1730 = arith.select %lt3A_1726, %add3A_1729, %and3A_599 : vector<16xi1>, vector<16xi32>
      %broadcast_in_dim3A_1731 = vector.shape_cast %select_n3A_1730 : vector<16xi32> to vector<16x1xi32>
      %gather3A_1732 = vector.shape_cast %broadcast_in_dim3A_1731 : vector<16x1xi32> to vector<16xi32>
      %gather3A_1733 = tpu.dynamic_gather %select_n3A_1720[%gather3A_1732] in [0] : vector<16xi32>, vector<16xi32> -> vector<16xi32>
      %select_n3A_1734 = arith.select %eq3A_1723, %gather3A_1733, %select_n3A_1620 : vector<16xi1>, vector<16xi32>
      %slice3A_1735 = vector.extract_strided_slice %shift_right_logical3A_596 {offsets = [10], sizes = [1], strides = [1]} : vector<16xi32> to vector<1xi32>
      %squeeze3A_1736 = vector.extract %slice3A_1735[0] : i32 from vector<1xi32>
      %broadcast_in_dim3A_1737 = arith.constant 0 : i32
      %broadcast_in_dim3A_1738 = vector.broadcast %broadcast_in_dim3A_1737 : i32 to vector<16xi32>
      %mul3A_1739 = arith.constant 16 : i32
      %mul3A_1740 = arith.muli %and3A_581, %mul3A_1739 : i32
      %add3A_1741 = arith.constant 10 : i32
      %add3A_1742 = arith.addi %mul3A_1740, %add3A_1741 : i32
      %get3A_1743 = arith.index_cast %shift_right_logical3A_580 : i32 to index
      %get3A_1744 = arith.index_cast %add3A_1742 : i32 to index
      %get3A_1745 = arith.constant 0 : index
      %get3A_1746 = tpu.vector_load %arg7[%get3A_1743, %get3A_1744, %get3A_1745] {strides = array<i32>} : memref<4x128x128xi32, #tpu.memory_space<vmem>>, vector<1x1x16xi32>,
      %get3A_1747 = vector.shape_cast %get3A_1746 : vector<1x1x16xi32> to vector<16xi32>
      %eq3A_1748 = arith.constant 0 : i32
      %eq3A_1749 = arith.cmpi eq, %squeeze3A_1736, %eq3A_1748 : i32
      %select_n3A_1750 = arith.select %eq3A_1749, %get3A_1747, %broadcast_in_dim3A_1738 : vector<16xi32>
      %mul3A_1751 = arith.constant 16 : i32
      %mul3A_1752 = arith.muli %and3A_581, %mul3A_1751 : i32
      %add3A_1753 = arith.constant 10 : i32
      %add3A_1754 = arith.addi %mul3A_1752, %add3A_1753 : i32
      %get3A_1755 = arith.index_cast %shift_right_logical3A_580 : i32 to index
      %get3A_1756 = arith.index_cast %add3A_1754 : i32 to index
      %get3A_1757 = arith.constant 16 : index
      %get3A_1758 = tpu.vector_load %arg7[%get3A_1755, %get3A_1756, %get3A_1757] {strides = array<i32>} : memref<4x128x128xi32, #tpu.memory_space<vmem>>, vector<1x1x16xi32>,
      %get3A_1759 = vector.shape_cast %get3A_1758 : vector<1x1x16xi32> to vector<16xi32>
      %eq3A_1760 = arith.constant 1 : i32
      %eq3A_1761 = arith.cmpi eq, %squeeze3A_1736, %eq3A_1760 : i32
      %select_n3A_1762 = arith.select %eq3A_1761, %get3A_1759, %select_n3A_1750 : vector<16xi32>
      %mul3A_1763 = arith.constant 16 : i32
      %mul3A_1764 = arith.muli %and3A_581, %mul3A_1763 : i32
      %add3A_1765 = arith.constant 10 : i32
      %add3A_1766 = arith.addi %mul3A_1764, %add3A_1765 : i32
      %get3A_1767 = arith.index_cast %shift_right_logical3A_580 : i32 to index
      %get3A_1768 = arith.index_cast %add3A_1766 : i32 to index
      %get3A_1769 = arith.constant 32 : index
      %get3A_1770 = tpu.vector_load %arg7[%get3A_1767, %get3A_1768, %get3A_1769] {strides = array<i32>} : memref<4x128x128xi32, #tpu.memory_space<vmem>>, vector<1x1x16xi32>,
      %get3A_1771 = vector.shape_cast %get3A_1770 : vector<1x1x16xi32> to vector<16xi32>
      %eq3A_1772 = arith.constant 2 : i32
      %eq3A_1773 = arith.cmpi eq, %squeeze3A_1736, %eq3A_1772 : i32
      %select_n3A_1774 = arith.select %eq3A_1773, %get3A_1771, %select_n3A_1762 : vector<16xi32>
      %mul3A_1775 = arith.constant 16 : i32
      %mul3A_1776 = arith.muli %and3A_581, %mul3A_1775 : i32
      %add3A_1777 = arith.constant 10 : i32
      %add3A_1778 = arith.addi %mul3A_1776, %add3A_1777 : i32
      %get3A_1779 = arith.index_cast %shift_right_logical3A_580 : i32 to index
      %get3A_1780 = arith.index_cast %add3A_1778 : i32 to index
      %get3A_1781 = arith.constant 48 : index
      %get3A_1782 = tpu.vector_load %arg7[%get3A_1779, %get3A_1780, %get3A_1781] {strides = array<i32>} : memref<4x128x128xi32, #tpu.memory_space<vmem>>, vector<1x1x16xi32>,
      %get3A_1783 = vector.shape_cast %get3A_1782 : vector<1x1x16xi32> to vector<16xi32>
      %eq3A_1784 = arith.constant 3 : i32
      %eq3A_1785 = arith.cmpi eq, %squeeze3A_1736, %eq3A_1784 : i32
      %select_n3A_1786 = arith.select %eq3A_1785, %get3A_1783, %select_n3A_1774 : vector<16xi32>
      %mul3A_1787 = arith.constant 16 : i32
      %mul3A_1788 = arith.muli %and3A_581, %mul3A_1787 : i32
      %add3A_1789 = arith.constant 10 : i32
      %add3A_1790 = arith.addi %mul3A_1788, %add3A_1789 : i32
      %get3A_1791 = arith.index_cast %shift_right_logical3A_580 : i32 to index
      %get3A_1792 = arith.index_cast %add3A_1790 : i32 to index
      %get3A_1793 = arith.constant 64 : index
      %get3A_1794 = tpu.vector_load %arg7[%get3A_1791, %get3A_1792, %get3A_1793] {strides = array<i32>} : memref<4x128x128xi32, #tpu.memory_space<vmem>>, vector<1x1x16xi32>,
      %get3A_1795 = vector.shape_cast %get3A_1794 : vector<1x1x16xi32> to vector<16xi32>
      %eq3A_1796 = arith.constant 4 : i32
      %eq3A_1797 = arith.cmpi eq, %squeeze3A_1736, %eq3A_1796 : i32
      %select_n3A_1798 = arith.select %eq3A_1797, %get3A_1795, %select_n3A_1786 : vector<16xi32>
      %mul3A_1799 = arith.constant 16 : i32
      %mul3A_1800 = arith.muli %and3A_581, %mul3A_1799 : i32
      %add3A_1801 = arith.constant 10 : i32
      %add3A_1802 = arith.addi %mul3A_1800, %add3A_1801 : i32
      %get3A_1803 = arith.index_cast %shift_right_logical3A_580 : i32 to index
      %get3A_1804 = arith.index_cast %add3A_1802 : i32 to index
      %get3A_1805 = arith.constant 80 : index
      %get3A_1806 = tpu.vector_load %arg7[%get3A_1803, %get3A_1804, %get3A_1805] {strides = array<i32>} : memref<4x128x128xi32, #tpu.memory_space<vmem>>, vector<1x1x16xi32>,
      %get3A_1807 = vector.shape_cast %get3A_1806 : vector<1x1x16xi32> to vector<16xi32>
      %eq3A_1808 = arith.constant 5 : i32
      %eq3A_1809 = arith.cmpi eq, %squeeze3A_1736, %eq3A_1808 : i32
      %select_n3A_1810 = arith.select %eq3A_1809, %get3A_1807, %select_n3A_1798 : vector<16xi32>
      %mul3A_1811 = arith.constant 16 : i32
      %mul3A_1812 = arith.muli %and3A_581, %mul3A_1811 : i32
      %add3A_1813 = arith.constant 10 : i32
      %add3A_1814 = arith.addi %mul3A_1812, %add3A_1813 : i32
      %get3A_1815 = arith.index_cast %shift_right_logical3A_580 : i32 to index
      %get3A_1816 = arith.index_cast %add3A_1814 : i32 to index
      %get3A_1817 = arith.constant 96 : index
      %get3A_1818 = tpu.vector_load %arg7[%get3A_1815, %get3A_1816, %get3A_1817] {strides = array<i32>} : memref<4x128x128xi32, #tpu.memory_space<vmem>>, vector<1x1x16xi32>,
      %get3A_1819 = vector.shape_cast %get3A_1818 : vector<1x1x16xi32> to vector<16xi32>
      %eq3A_1820 = arith.constant 6 : i32
      %eq3A_1821 = arith.cmpi eq, %squeeze3A_1736, %eq3A_1820 : i32
      %select_n3A_1822 = arith.select %eq3A_1821, %get3A_1819, %select_n3A_1810 : vector<16xi32>
      %mul3A_1823 = arith.constant 16 : i32
      %mul3A_1824 = arith.muli %and3A_581, %mul3A_1823 : i32
      %add3A_1825 = arith.constant 10 : i32
      %add3A_1826 = arith.addi %mul3A_1824, %add3A_1825 : i32
      %get3A_1827 = arith.index_cast %shift_right_logical3A_580 : i32 to index
      %get3A_1828 = arith.index_cast %add3A_1826 : i32 to index
      %get3A_1829 = arith.constant 112 : index
      %get3A_1830 = tpu.vector_load %arg7[%get3A_1827, %get3A_1828, %get3A_1829] {strides = array<i32>} : memref<4x128x128xi32, #tpu.memory_space<vmem>>, vector<1x1x16xi32>,
      %get3A_1831 = vector.shape_cast %get3A_1830 : vector<1x1x16xi32> to vector<16xi32>
      %eq3A_1832 = arith.constant 7 : i32
      %eq3A_1833 = arith.cmpi eq, %squeeze3A_1736, %eq3A_1832 : i32
      %select_n3A_1834 = arith.select %eq3A_1833, %get3A_1831, %select_n3A_1822 : vector<16xi32>
      %eq3A_1835 = arith.constant 10 : i32
      %eq3A_1836 = vector.broadcast %eq3A_1835 : i32 to vector<16xi32>
      %eq3A_1837 = arith.cmpi eq, %iota3A, %eq3A_1836 : vector<16xi32>
      %lt3A_1838 = arith.constant 0 : i32
      %lt3A_1839 = vector.broadcast %lt3A_1838 : i32 to vector<16xi32>
      %lt3A_1840 = arith.cmpi slt, %and3A_599, %lt3A_1839 : vector<16xi32>
      %add3A_1841 = arith.constant 16 : i32
      %add3A_1842 = vector.broadcast %add3A_1841 : i32 to vector<16xi32>
      %add3A_1843 = arith.addi %and3A_599, %add3A_1842 : vector<16xi32>
      %select_n3A_1844 = arith.select %lt3A_1840, %add3A_1843, %and3A_599 : vector<16xi1>, vector<16xi32>
      %broadcast_in_dim3A_1845 = vector.shape_cast %select_n3A_1844 : vector<16xi32> to vector<16x1xi32>
      %gather3A_1846 = vector.shape_cast %broadcast_in_dim3A_1845 : vector<16x1xi32> to vector<16xi32>
      %gather3A_1847 = tpu.dynamic_gather %select_n3A_1834[%gather3A_1846] in [0] : vector<16xi32>, vector<16xi32> -> vector<16xi32>
      %select_n3A_1848 = arith.select %eq3A_1837, %gather3A_1847, %select_n3A_1734 : vector<16xi1>, vector<16xi32>
      %slice3A_1849 = vector.extract_strided_slice %shift_right_logical3A_596 {offsets = [11], sizes = [1], strides = [1]} : vector<16xi32> to vector<1xi32>
      %squeeze3A_1850 = vector.extract %slice3A_1849[0] : i32 from vector<1xi32>
      %broadcast_in_dim3A_1851 = arith.constant 0 : i32
      %broadcast_in_dim3A_1852 = vector.broadcast %broadcast_in_dim3A_1851 : i32 to vector<16xi32>
      %mul3A_1853 = arith.constant 16 : i32
      %mul3A_1854 = arith.muli %and3A_581, %mul3A_1853 : i32
      %add3A_1855 = arith.constant 11 : i32
      %add3A_1856 = arith.addi %mul3A_1854, %add3A_1855 : i32
      %get3A_1857 = arith.index_cast %shift_right_logical3A_580 : i32 to index
      %get3A_1858 = arith.index_cast %add3A_1856 : i32 to index
      %get3A_1859 = arith.constant 0 : index
      %get3A_1860 = tpu.vector_load %arg7[%get3A_1857, %get3A_1858, %get3A_1859] {strides = array<i32>} : memref<4x128x128xi32, #tpu.memory_space<vmem>>, vector<1x1x16xi32>,
      %get3A_1861 = vector.shape_cast %get3A_1860 : vector<1x1x16xi32> to vector<16xi32>
      %eq3A_1862 = arith.constant 0 : i32
      %eq3A_1863 = arith.cmpi eq, %squeeze3A_1850, %eq3A_1862 : i32
      %select_n3A_1864 = arith.select %eq3A_1863, %get3A_1861, %broadcast_in_dim3A_1852 : vector<16xi32>
      %mul3A_1865 = arith.constant 16 : i32
      %mul3A_1866 = arith.muli %and3A_581, %mul3A_1865 : i32
      %add3A_1867 = arith.constant 11 : i32
      %add3A_1868 = arith.addi %mul3A_1866, %add3A_1867 : i32
      %get3A_1869 = arith.index_cast %shift_right_logical3A_580 : i32 to index
      %get3A_1870 = arith.index_cast %add3A_1868 : i32 to index
      %get3A_1871 = arith.constant 16 : index
      %get3A_1872 = tpu.vector_load %arg7[%get3A_1869, %get3A_1870, %get3A_1871] {strides = array<i32>} : memref<4x128x128xi32, #tpu.memory_space<vmem>>, vector<1x1x16xi32>,
      %get3A_1873 = vector.shape_cast %get3A_1872 : vector<1x1x16xi32> to vector<16xi32>
      %eq3A_1874 = arith.constant 1 : i32
      %eq3A_1875 = arith.cmpi eq, %squeeze3A_1850, %eq3A_1874 : i32
      %select_n3A_1876 = arith.select %eq3A_1875, %get3A_1873, %select_n3A_1864 : vector<16xi32>
      %mul3A_1877 = arith.constant 16 : i32
      %mul3A_1878 = arith.muli %and3A_581, %mul3A_1877 : i32
      %add3A_1879 = arith.constant 11 : i32
      %add3A_1880 = arith.addi %mul3A_1878, %add3A_1879 : i32
      %get3A_1881 = arith.index_cast %shift_right_logical3A_580 : i32 to index
      %get3A_1882 = arith.index_cast %add3A_1880 : i32 to index
      %get3A_1883 = arith.constant 32 : index
      %get3A_1884 = tpu.vector_load %arg7[%get3A_1881, %get3A_1882, %get3A_1883] {strides = array<i32>} : memref<4x128x128xi32, #tpu.memory_space<vmem>>, vector<1x1x16xi32>,
      %get3A_1885 = vector.shape_cast %get3A_1884 : vector<1x1x16xi32> to vector<16xi32>
      %eq3A_1886 = arith.constant 2 : i32
      %eq3A_1887 = arith.cmpi eq, %squeeze3A_1850, %eq3A_1886 : i32
      %select_n3A_1888 = arith.select %eq3A_1887, %get3A_1885, %select_n3A_1876 : vector<16xi32>
      %mul3A_1889 = arith.constant 16 : i32
      %mul3A_1890 = arith.muli %and3A_581, %mul3A_1889 : i32
      %add3A_1891 = arith.constant 11 : i32
      %add3A_1892 = arith.addi %mul3A_1890, %add3A_1891 : i32
      %get3A_1893 = arith.index_cast %shift_right_logical3A_580 : i32 to index
      %get3A_1894 = arith.index_cast %add3A_1892 : i32 to index
      %get3A_1895 = arith.constant 48 : index
      %get3A_1896 = tpu.vector_load %arg7[%get3A_1893, %get3A_1894, %get3A_1895] {strides = array<i32>} : memref<4x128x128xi32, #tpu.memory_space<vmem>>, vector<1x1x16xi32>,
      %get3A_1897 = vector.shape_cast %get3A_1896 : vector<1x1x16xi32> to vector<16xi32>
      %eq3A_1898 = arith.constant 3 : i32
      %eq3A_1899 = arith.cmpi eq, %squeeze3A_1850, %eq3A_1898 : i32
      %select_n3A_1900 = arith.select %eq3A_1899, %get3A_1897, %select_n3A_1888 : vector<16xi32>
      %mul3A_1901 = arith.constant 16 : i32
      %mul3A_1902 = arith.muli %and3A_581, %mul3A_1901 : i32
      %add3A_1903 = arith.constant 11 : i32
      %add3A_1904 = arith.addi %mul3A_1902, %add3A_1903 : i32
      %get3A_1905 = arith.index_cast %shift_right_logical3A_580 : i32 to index
      %get3A_1906 = arith.index_cast %add3A_1904 : i32 to index
      %get3A_1907 = arith.constant 64 : index
      %get3A_1908 = tpu.vector_load %arg7[%get3A_1905, %get3A_1906, %get3A_1907] {strides = array<i32>} : memref<4x128x128xi32, #tpu.memory_space<vmem>>, vector<1x1x16xi32>,
      %get3A_1909 = vector.shape_cast %get3A_1908 : vector<1x1x16xi32> to vector<16xi32>
      %eq3A_1910 = arith.constant 4 : i32
      %eq3A_1911 = arith.cmpi eq, %squeeze3A_1850, %eq3A_1910 : i32
      %select_n3A_1912 = arith.select %eq3A_1911, %get3A_1909, %select_n3A_1900 : vector<16xi32>
      %mul3A_1913 = arith.constant 16 : i32
      %mul3A_1914 = arith.muli %and3A_581, %mul3A_1913 : i32
      %add3A_1915 = arith.constant 11 : i32
      %add3A_1916 = arith.addi %mul3A_1914, %add3A_1915 : i32
      %get3A_1917 = arith.index_cast %shift_right_logical3A_580 : i32 to index
      %get3A_1918 = arith.index_cast %add3A_1916 : i32 to index
      %get3A_1919 = arith.constant 80 : index
      %get3A_1920 = tpu.vector_load %arg7[%get3A_1917, %get3A_1918, %get3A_1919] {strides = array<i32>} : memref<4x128x128xi32, #tpu.memory_space<vmem>>, vector<1x1x16xi32>,
      %get3A_1921 = vector.shape_cast %get3A_1920 : vector<1x1x16xi32> to vector<16xi32>
      %eq3A_1922 = arith.constant 5 : i32
      %eq3A_1923 = arith.cmpi eq, %squeeze3A_1850, %eq3A_1922 : i32
      %select_n3A_1924 = arith.select %eq3A_1923, %get3A_1921, %select_n3A_1912 : vector<16xi32>
      %mul3A_1925 = arith.constant 16 : i32
      %mul3A_1926 = arith.muli %and3A_581, %mul3A_1925 : i32
      %add3A_1927 = arith.constant 11 : i32
      %add3A_1928 = arith.addi %mul3A_1926, %add3A_1927 : i32
      %get3A_1929 = arith.index_cast %shift_right_logical3A_580 : i32 to index
      %get3A_1930 = arith.index_cast %add3A_1928 : i32 to index
      %get3A_1931 = arith.constant 96 : index
      %get3A_1932 = tpu.vector_load %arg7[%get3A_1929, %get3A_1930, %get3A_1931] {strides = array<i32>} : memref<4x128x128xi32, #tpu.memory_space<vmem>>, vector<1x1x16xi32>,
      %get3A_1933 = vector.shape_cast %get3A_1932 : vector<1x1x16xi32> to vector<16xi32>
      %eq3A_1934 = arith.constant 6 : i32
      %eq3A_1935 = arith.cmpi eq, %squeeze3A_1850, %eq3A_1934 : i32
      %select_n3A_1936 = arith.select %eq3A_1935, %get3A_1933, %select_n3A_1924 : vector<16xi32>
      %mul3A_1937 = arith.constant 16 : i32
      %mul3A_1938 = arith.muli %and3A_581, %mul3A_1937 : i32
      %add3A_1939 = arith.constant 11 : i32
      %add3A_1940 = arith.addi %mul3A_1938, %add3A_1939 : i32
      %get3A_1941 = arith.index_cast %shift_right_logical3A_580 : i32 to index
      %get3A_1942 = arith.index_cast %add3A_1940 : i32 to index
      %get3A_1943 = arith.constant 112 : index
      %get3A_1944 = tpu.vector_load %arg7[%get3A_1941, %get3A_1942, %get3A_1943] {strides = array<i32>} : memref<4x128x128xi32, #tpu.memory_space<vmem>>, vector<1x1x16xi32>,
      %get3A_1945 = vector.shape_cast %get3A_1944 : vector<1x1x16xi32> to vector<16xi32>
      %eq3A_1946 = arith.constant 7 : i32
      %eq3A_1947 = arith.cmpi eq, %squeeze3A_1850, %eq3A_1946 : i32
      %select_n3A_1948 = arith.select %eq3A_1947, %get3A_1945, %select_n3A_1936 : vector<16xi32>
      %eq3A_1949 = arith.constant 11 : i32
      %eq3A_1950 = vector.broadcast %eq3A_1949 : i32 to vector<16xi32>
      %eq3A_1951 = arith.cmpi eq, %iota3A, %eq3A_1950 : vector<16xi32>
      %lt3A_1952 = arith.constant 0 : i32
      %lt3A_1953 = vector.broadcast %lt3A_1952 : i32 to vector<16xi32>
      %lt3A_1954 = arith.cmpi slt, %and3A_599, %lt3A_1953 : vector<16xi32>
      %add3A_1955 = arith.constant 16 : i32
      %add3A_1956 = vector.broadcast %add3A_1955 : i32 to vector<16xi32>
      %add3A_1957 = arith.addi %and3A_599, %add3A_1956 : vector<16xi32>
      %select_n3A_1958 = arith.select %lt3A_1954, %add3A_1957, %and3A_599 : vector<16xi1>, vector<16xi32>
      %broadcast_in_dim3A_1959 = vector.shape_cast %select_n3A_1958 : vector<16xi32> to vector<16x1xi32>
      %gather3A_1960 = vector.shape_cast %broadcast_in_dim3A_1959 : vector<16x1xi32> to vector<16xi32>
      %gather3A_1961 = tpu.dynamic_gather %select_n3A_1948[%gather3A_1960] in [0] : vector<16xi32>, vector<16xi32> -> vector<16xi32>
      %select_n3A_1962 = arith.select %eq3A_1951, %gather3A_1961, %select_n3A_1848 : vector<16xi1>, vector<16xi32>
      %slice3A_1963 = vector.extract_strided_slice %shift_right_logical3A_596 {offsets = [12], sizes = [1], strides = [1]} : vector<16xi32> to vector<1xi32>
      %squeeze3A_1964 = vector.extract %slice3A_1963[0] : i32 from vector<1xi32>
      %broadcast_in_dim3A_1965 = arith.constant 0 : i32
      %broadcast_in_dim3A_1966 = vector.broadcast %broadcast_in_dim3A_1965 : i32 to vector<16xi32>
      %mul3A_1967 = arith.constant 16 : i32
      %mul3A_1968 = arith.muli %and3A_581, %mul3A_1967 : i32
      %add3A_1969 = arith.constant 12 : i32
      %add3A_1970 = arith.addi %mul3A_1968, %add3A_1969 : i32
      %get3A_1971 = arith.index_cast %shift_right_logical3A_580 : i32 to index
      %get3A_1972 = arith.index_cast %add3A_1970 : i32 to index
      %get3A_1973 = arith.constant 0 : index
      %get3A_1974 = tpu.vector_load %arg7[%get3A_1971, %get3A_1972, %get3A_1973] {strides = array<i32>} : memref<4x128x128xi32, #tpu.memory_space<vmem>>, vector<1x1x16xi32>,
      %get3A_1975 = vector.shape_cast %get3A_1974 : vector<1x1x16xi32> to vector<16xi32>
      %eq3A_1976 = arith.constant 0 : i32
      %eq3A_1977 = arith.cmpi eq, %squeeze3A_1964, %eq3A_1976 : i32
      %select_n3A_1978 = arith.select %eq3A_1977, %get3A_1975, %broadcast_in_dim3A_1966 : vector<16xi32>
      %mul3A_1979 = arith.constant 16 : i32
      %mul3A_1980 = arith.muli %and3A_581, %mul3A_1979 : i32
      %add3A_1981 = arith.constant 12 : i32
      %add3A_1982 = arith.addi %mul3A_1980, %add3A_1981 : i32
      %get3A_1983 = arith.index_cast %shift_right_logical3A_580 : i32 to index
      %get3A_1984 = arith.index_cast %add3A_1982 : i32 to index
      %get3A_1985 = arith.constant 16 : index
      %get3A_1986 = tpu.vector_load %arg7[%get3A_1983, %get3A_1984, %get3A_1985] {strides = array<i32>} : memref<4x128x128xi32, #tpu.memory_space<vmem>>, vector<1x1x16xi32>,
      %get3A_1987 = vector.shape_cast %get3A_1986 : vector<1x1x16xi32> to vector<16xi32>
      %eq3A_1988 = arith.constant 1 : i32
      %eq3A_1989 = arith.cmpi eq, %squeeze3A_1964, %eq3A_1988 : i32
      %select_n3A_1990 = arith.select %eq3A_1989, %get3A_1987, %select_n3A_1978 : vector<16xi32>
      %mul3A_1991 = arith.constant 16 : i32
      %mul3A_1992 = arith.muli %and3A_581, %mul3A_1991 : i32
      %add3A_1993 = arith.constant 12 : i32
      %add3A_1994 = arith.addi %mul3A_1992, %add3A_1993 : i32
      %get3A_1995 = arith.index_cast %shift_right_logical3A_580 : i32 to index
      %get3A_1996 = arith.index_cast %add3A_1994 : i32 to index
      %get3A_1997 = arith.constant 32 : index
      %get3A_1998 = tpu.vector_load %arg7[%get3A_1995, %get3A_1996, %get3A_1997] {strides = array<i32>} : memref<4x128x128xi32, #tpu.memory_space<vmem>>, vector<1x1x16xi32>,
      %get3A_1999 = vector.shape_cast %get3A_1998 : vector<1x1x16xi32> to vector<16xi32>
      %eq3A_2000 = arith.constant 2 : i32
      %eq3A_2001 = arith.cmpi eq, %squeeze3A_1964, %eq3A_2000 : i32
      %select_n3A_2002 = arith.select %eq3A_2001, %get3A_1999, %select_n3A_1990 : vector<16xi32>
      %mul3A_2003 = arith.constant 16 : i32
      %mul3A_2004 = arith.muli %and3A_581, %mul3A_2003 : i32
      %add3A_2005 = arith.constant 12 : i32
      %add3A_2006 = arith.addi %mul3A_2004, %add3A_2005 : i32
      %get3A_2007 = arith.index_cast %shift_right_logical3A_580 : i32 to index
      %get3A_2008 = arith.index_cast %add3A_2006 : i32 to index
      %get3A_2009 = arith.constant 48 : index
      %get3A_2010 = tpu.vector_load %arg7[%get3A_2007, %get3A_2008, %get3A_2009] {strides = array<i32>} : memref<4x128x128xi32, #tpu.memory_space<vmem>>, vector<1x1x16xi32>,
      %get3A_2011 = vector.shape_cast %get3A_2010 : vector<1x1x16xi32> to vector<16xi32>
      %eq3A_2012 = arith.constant 3 : i32
      %eq3A_2013 = arith.cmpi eq, %squeeze3A_1964, %eq3A_2012 : i32
      %select_n3A_2014 = arith.select %eq3A_2013, %get3A_2011, %select_n3A_2002 : vector<16xi32>
      %mul3A_2015 = arith.constant 16 : i32
      %mul3A_2016 = arith.muli %and3A_581, %mul3A_2015 : i32
      %add3A_2017 = arith.constant 12 : i32
      %add3A_2018 = arith.addi %mul3A_2016, %add3A_2017 : i32
      %get3A_2019 = arith.index_cast %shift_right_logical3A_580 : i32 to index
      %get3A_2020 = arith.index_cast %add3A_2018 : i32 to index
      %get3A_2021 = arith.constant 64 : index
      %get3A_2022 = tpu.vector_load %arg7[%get3A_2019, %get3A_2020, %get3A_2021] {strides = array<i32>} : memref<4x128x128xi32, #tpu.memory_space<vmem>>, vector<1x1x16xi32>,
      %get3A_2023 = vector.shape_cast %get3A_2022 : vector<1x1x16xi32> to vector<16xi32>
      %eq3A_2024 = arith.constant 4 : i32
      %eq3A_2025 = arith.cmpi eq, %squeeze3A_1964, %eq3A_2024 : i32
      %select_n3A_2026 = arith.select %eq3A_2025, %get3A_2023, %select_n3A_2014 : vector<16xi32>
      %mul3A_2027 = arith.constant 16 : i32
      %mul3A_2028 = arith.muli %and3A_581, %mul3A_2027 : i32
      %add3A_2029 = arith.constant 12 : i32
      %add3A_2030 = arith.addi %mul3A_2028, %add3A_2029 : i32
      %get3A_2031 = arith.index_cast %shift_right_logical3A_580 : i32 to index
      %get3A_2032 = arith.index_cast %add3A_2030 : i32 to index
      %get3A_2033 = arith.constant 80 : index
      %get3A_2034 = tpu.vector_load %arg7[%get3A_2031, %get3A_2032, %get3A_2033] {strides = array<i32>} : memref<4x128x128xi32, #tpu.memory_space<vmem>>, vector<1x1x16xi32>,
      %get3A_2035 = vector.shape_cast %get3A_2034 : vector<1x1x16xi32> to vector<16xi32>
      %eq3A_2036 = arith.constant 5 : i32
      %eq3A_2037 = arith.cmpi eq, %squeeze3A_1964, %eq3A_2036 : i32
      %select_n3A_2038 = arith.select %eq3A_2037, %get3A_2035, %select_n3A_2026 : vector<16xi32>
      %mul3A_2039 = arith.constant 16 : i32
      %mul3A_2040 = arith.muli %and3A_581, %mul3A_2039 : i32
      %add3A_2041 = arith.constant 12 : i32
      %add3A_2042 = arith.addi %mul3A_2040, %add3A_2041 : i32
      %get3A_2043 = arith.index_cast %shift_right_logical3A_580 : i32 to index
      %get3A_2044 = arith.index_cast %add3A_2042 : i32 to index
      %get3A_2045 = arith.constant 96 : index
      %get3A_2046 = tpu.vector_load %arg7[%get3A_2043, %get3A_2044, %get3A_2045] {strides = array<i32>} : memref<4x128x128xi32, #tpu.memory_space<vmem>>, vector<1x1x16xi32>,
      %get3A_2047 = vector.shape_cast %get3A_2046 : vector<1x1x16xi32> to vector<16xi32>
      %eq3A_2048 = arith.constant 6 : i32
      %eq3A_2049 = arith.cmpi eq, %squeeze3A_1964, %eq3A_2048 : i32
      %select_n3A_2050 = arith.select %eq3A_2049, %get3A_2047, %select_n3A_2038 : vector<16xi32>
      %mul3A_2051 = arith.constant 16 : i32
      %mul3A_2052 = arith.muli %and3A_581, %mul3A_2051 : i32
      %add3A_2053 = arith.constant 12 : i32
      %add3A_2054 = arith.addi %mul3A_2052, %add3A_2053 : i32
      %get3A_2055 = arith.index_cast %shift_right_logical3A_580 : i32 to index
      %get3A_2056 = arith.index_cast %add3A_2054 : i32 to index
      %get3A_2057 = arith.constant 112 : index
      %get3A_2058 = tpu.vector_load %arg7[%get3A_2055, %get3A_2056, %get3A_2057] {strides = array<i32>} : memref<4x128x128xi32, #tpu.memory_space<vmem>>, vector<1x1x16xi32>,
      %get3A_2059 = vector.shape_cast %get3A_2058 : vector<1x1x16xi32> to vector<16xi32>
      %eq3A_2060 = arith.constant 7 : i32
      %eq3A_2061 = arith.cmpi eq, %squeeze3A_1964, %eq3A_2060 : i32
      %select_n3A_2062 = arith.select %eq3A_2061, %get3A_2059, %select_n3A_2050 : vector<16xi32>
      %eq3A_2063 = arith.constant 12 : i32
      %eq3A_2064 = vector.broadcast %eq3A_2063 : i32 to vector<16xi32>
      %eq3A_2065 = arith.cmpi eq, %iota3A, %eq3A_2064 : vector<16xi32>
      %lt3A_2066 = arith.constant 0 : i32
      %lt3A_2067 = vector.broadcast %lt3A_2066 : i32 to vector<16xi32>
      %lt3A_2068 = arith.cmpi slt, %and3A_599, %lt3A_2067 : vector<16xi32>
      %add3A_2069 = arith.constant 16 : i32
      %add3A_2070 = vector.broadcast %add3A_2069 : i32 to vector<16xi32>
      %add3A_2071 = arith.addi %and3A_599, %add3A_2070 : vector<16xi32>
      %select_n3A_2072 = arith.select %lt3A_2068, %add3A_2071, %and3A_599 : vector<16xi1>, vector<16xi32>
      %broadcast_in_dim3A_2073 = vector.shape_cast %select_n3A_2072 : vector<16xi32> to vector<16x1xi32>
      %gather3A_2074 = vector.shape_cast %broadcast_in_dim3A_2073 : vector<16x1xi32> to vector<16xi32>
      %gather3A_2075 = tpu.dynamic_gather %select_n3A_2062[%gather3A_2074] in [0] : vector<16xi32>, vector<16xi32> -> vector<16xi32>
      %select_n3A_2076 = arith.select %eq3A_2065, %gather3A_2075, %select_n3A_1962 : vector<16xi1>, vector<16xi32>
      %slice3A_2077 = vector.extract_strided_slice %shift_right_logical3A_596 {offsets = [13], sizes = [1], strides = [1]} : vector<16xi32> to vector<1xi32>
      %squeeze3A_2078 = vector.extract %slice3A_2077[0] : i32 from vector<1xi32>
      %broadcast_in_dim3A_2079 = arith.constant 0 : i32
      %broadcast_in_dim3A_2080 = vector.broadcast %broadcast_in_dim3A_2079 : i32 to vector<16xi32>
      %mul3A_2081 = arith.constant 16 : i32
      %mul3A_2082 = arith.muli %and3A_581, %mul3A_2081 : i32
      %add3A_2083 = arith.constant 13 : i32
      %add3A_2084 = arith.addi %mul3A_2082, %add3A_2083 : i32
      %get3A_2085 = arith.index_cast %shift_right_logical3A_580 : i32 to index
      %get3A_2086 = arith.index_cast %add3A_2084 : i32 to index
      %get3A_2087 = arith.constant 0 : index
      %get3A_2088 = tpu.vector_load %arg7[%get3A_2085, %get3A_2086, %get3A_2087] {strides = array<i32>} : memref<4x128x128xi32, #tpu.memory_space<vmem>>, vector<1x1x16xi32>,
      %get3A_2089 = vector.shape_cast %get3A_2088 : vector<1x1x16xi32> to vector<16xi32>
      %eq3A_2090 = arith.constant 0 : i32
      %eq3A_2091 = arith.cmpi eq, %squeeze3A_2078, %eq3A_2090 : i32
      %select_n3A_2092 = arith.select %eq3A_2091, %get3A_2089, %broadcast_in_dim3A_2080 : vector<16xi32>
      %mul3A_2093 = arith.constant 16 : i32
      %mul3A_2094 = arith.muli %and3A_581, %mul3A_2093 : i32
      %add3A_2095 = arith.constant 13 : i32
      %add3A_2096 = arith.addi %mul3A_2094, %add3A_2095 : i32
      %get3A_2097 = arith.index_cast %shift_right_logical3A_580 : i32 to index
      %get3A_2098 = arith.index_cast %add3A_2096 : i32 to index
      %get3A_2099 = arith.constant 16 : index
      %get3A_2100 = tpu.vector_load %arg7[%get3A_2097, %get3A_2098, %get3A_2099] {strides = array<i32>} : memref<4x128x128xi32, #tpu.memory_space<vmem>>, vector<1x1x16xi32>,
      %get3A_2101 = vector.shape_cast %get3A_2100 : vector<1x1x16xi32> to vector<16xi32>
      %eq3A_2102 = arith.constant 1 : i32
      %eq3A_2103 = arith.cmpi eq, %squeeze3A_2078, %eq3A_2102 : i32
      %select_n3A_2104 = arith.select %eq3A_2103, %get3A_2101, %select_n3A_2092 : vector<16xi32>
      %mul3A_2105 = arith.constant 16 : i32
      %mul3A_2106 = arith.muli %and3A_581, %mul3A_2105 : i32
      %add3A_2107 = arith.constant 13 : i32
      %add3A_2108 = arith.addi %mul3A_2106, %add3A_2107 : i32
      %get3A_2109 = arith.index_cast %shift_right_logical3A_580 : i32 to index
      %get3A_2110 = arith.index_cast %add3A_2108 : i32 to index
      %get3A_2111 = arith.constant 32 : index
      %get3A_2112 = tpu.vector_load %arg7[%get3A_2109, %get3A_2110, %get3A_2111] {strides = array<i32>} : memref<4x128x128xi32, #tpu.memory_space<vmem>>, vector<1x1x16xi32>,
      %get3A_2113 = vector.shape_cast %get3A_2112 : vector<1x1x16xi32> to vector<16xi32>
      %eq3A_2114 = arith.constant 2 : i32
      %eq3A_2115 = arith.cmpi eq, %squeeze3A_2078, %eq3A_2114 : i32
      %select_n3A_2116 = arith.select %eq3A_2115, %get3A_2113, %select_n3A_2104 : vector<16xi32>
      %mul3A_2117 = arith.constant 16 : i32
      %mul3A_2118 = arith.muli %and3A_581, %mul3A_2117 : i32
      %add3A_2119 = arith.constant 13 : i32
      %add3A_2120 = arith.addi %mul3A_2118, %add3A_2119 : i32
      %get3A_2121 = arith.index_cast %shift_right_logical3A_580 : i32 to index
      %get3A_2122 = arith.index_cast %add3A_2120 : i32 to index
      %get3A_2123 = arith.constant 48 : index
      %get3A_2124 = tpu.vector_load %arg7[%get3A_2121, %get3A_2122, %get3A_2123] {strides = array<i32>} : memref<4x128x128xi32, #tpu.memory_space<vmem>>, vector<1x1x16xi32>,
      %get3A_2125 = vector.shape_cast %get3A_2124 : vector<1x1x16xi32> to vector<16xi32>
      %eq3A_2126 = arith.constant 3 : i32
      %eq3A_2127 = arith.cmpi eq, %squeeze3A_2078, %eq3A_2126 : i32
      %select_n3A_2128 = arith.select %eq3A_2127, %get3A_2125, %select_n3A_2116 : vector<16xi32>
      %mul3A_2129 = arith.constant 16 : i32
      %mul3A_2130 = arith.muli %and3A_581, %mul3A_2129 : i32
      %add3A_2131 = arith.constant 13 : i32
      %add3A_2132 = arith.addi %mul3A_2130, %add3A_2131 : i32
      %get3A_2133 = arith.index_cast %shift_right_logical3A_580 : i32 to index
      %get3A_2134 = arith.index_cast %add3A_2132 : i32 to index
      %get3A_2135 = arith.constant 64 : index
      %get3A_2136 = tpu.vector_load %arg7[%get3A_2133, %get3A_2134, %get3A_2135] {strides = array<i32>} : memref<4x128x128xi32, #tpu.memory_space<vmem>>, vector<1x1x16xi32>,
      %get3A_2137 = vector.shape_cast %get3A_2136 : vector<1x1x16xi32> to vector<16xi32>
      %eq3A_2138 = arith.constant 4 : i32
      %eq3A_2139 = arith.cmpi eq, %squeeze3A_2078, %eq3A_2138 : i32
      %select_n3A_2140 = arith.select %eq3A_2139, %get3A_2137, %select_n3A_2128 : vector<16xi32>
      %mul3A_2141 = arith.constant 16 : i32
      %mul3A_2142 = arith.muli %and3A_581, %mul3A_2141 : i32
      %add3A_2143 = arith.constant 13 : i32
      %add3A_2144 = arith.addi %mul3A_2142, %add3A_2143 : i32
      %get3A_2145 = arith.index_cast %shift_right_logical3A_580 : i32 to index
      %get3A_2146 = arith.index_cast %add3A_2144 : i32 to index
      %get3A_2147 = arith.constant 80 : index
      %get3A_2148 = tpu.vector_load %arg7[%get3A_2145, %get3A_2146, %get3A_2147] {strides = array<i32>} : memref<4x128x128xi32, #tpu.memory_space<vmem>>, vector<1x1x16xi32>,
      %get3A_2149 = vector.shape_cast %get3A_2148 : vector<1x1x16xi32> to vector<16xi32>
      %eq3A_2150 = arith.constant 5 : i32
      %eq3A_2151 = arith.cmpi eq, %squeeze3A_2078, %eq3A_2150 : i32
      %select_n3A_2152 = arith.select %eq3A_2151, %get3A_2149, %select_n3A_2140 : vector<16xi32>
      %mul3A_2153 = arith.constant 16 : i32
      %mul3A_2154 = arith.muli %and3A_581, %mul3A_2153 : i32
      %add3A_2155 = arith.constant 13 : i32
      %add3A_2156 = arith.addi %mul3A_2154, %add3A_2155 : i32
      %get3A_2157 = arith.index_cast %shift_right_logical3A_580 : i32 to index
      %get3A_2158 = arith.index_cast %add3A_2156 : i32 to index
      %get3A_2159 = arith.constant 96 : index
      %get3A_2160 = tpu.vector_load %arg7[%get3A_2157, %get3A_2158, %get3A_2159] {strides = array<i32>} : memref<4x128x128xi32, #tpu.memory_space<vmem>>, vector<1x1x16xi32>,
      %get3A_2161 = vector.shape_cast %get3A_2160 : vector<1x1x16xi32> to vector<16xi32>
      %eq3A_2162 = arith.constant 6 : i32
      %eq3A_2163 = arith.cmpi eq, %squeeze3A_2078, %eq3A_2162 : i32
      %select_n3A_2164 = arith.select %eq3A_2163, %get3A_2161, %select_n3A_2152 : vector<16xi32>
      %mul3A_2165 = arith.constant 16 : i32
      %mul3A_2166 = arith.muli %and3A_581, %mul3A_2165 : i32
      %add3A_2167 = arith.constant 13 : i32
      %add3A_2168 = arith.addi %mul3A_2166, %add3A_2167 : i32
      %get3A_2169 = arith.index_cast %shift_right_logical3A_580 : i32 to index
      %get3A_2170 = arith.index_cast %add3A_2168 : i32 to index
      %get3A_2171 = arith.constant 112 : index
      %get3A_2172 = tpu.vector_load %arg7[%get3A_2169, %get3A_2170, %get3A_2171] {strides = array<i32>} : memref<4x128x128xi32, #tpu.memory_space<vmem>>, vector<1x1x16xi32>,
      %get3A_2173 = vector.shape_cast %get3A_2172 : vector<1x1x16xi32> to vector<16xi32>
      %eq3A_2174 = arith.constant 7 : i32
      %eq3A_2175 = arith.cmpi eq, %squeeze3A_2078, %eq3A_2174 : i32
      %select_n3A_2176 = arith.select %eq3A_2175, %get3A_2173, %select_n3A_2164 : vector<16xi32>
      %eq3A_2177 = arith.constant 13 : i32
      %eq3A_2178 = vector.broadcast %eq3A_2177 : i32 to vector<16xi32>
      %eq3A_2179 = arith.cmpi eq, %iota3A, %eq3A_2178 : vector<16xi32>
      %lt3A_2180 = arith.constant 0 : i32
      %lt3A_2181 = vector.broadcast %lt3A_2180 : i32 to vector<16xi32>
      %lt3A_2182 = arith.cmpi slt, %and3A_599, %lt3A_2181 : vector<16xi32>
      %add3A_2183 = arith.constant 16 : i32
      %add3A_2184 = vector.broadcast %add3A_2183 : i32 to vector<16xi32>
      %add3A_2185 = arith.addi %and3A_599, %add3A_2184 : vector<16xi32>
      %select_n3A_2186 = arith.select %lt3A_2182, %add3A_2185, %and3A_599 : vector<16xi1>, vector<16xi32>
      %broadcast_in_dim3A_2187 = vector.shape_cast %select_n3A_2186 : vector<16xi32> to vector<16x1xi32>
      %gather3A_2188 = vector.shape_cast %broadcast_in_dim3A_2187 : vector<16x1xi32> to vector<16xi32>
      %gather3A_2189 = tpu.dynamic_gather %select_n3A_2176[%gather3A_2188] in [0] : vector<16xi32>, vector<16xi32> -> vector<16xi32>
      %select_n3A_2190 = arith.select %eq3A_2179, %gather3A_2189, %select_n3A_2076 : vector<16xi1>, vector<16xi32>
      %slice3A_2191 = vector.extract_strided_slice %shift_right_logical3A_596 {offsets = [14], sizes = [1], strides = [1]} : vector<16xi32> to vector<1xi32>
      %squeeze3A_2192 = vector.extract %slice3A_2191[0] : i32 from vector<1xi32>
      %broadcast_in_dim3A_2193 = arith.constant 0 : i32
      %broadcast_in_dim3A_2194 = vector.broadcast %broadcast_in_dim3A_2193 : i32 to vector<16xi32>
      %mul3A_2195 = arith.constant 16 : i32
      %mul3A_2196 = arith.muli %and3A_581, %mul3A_2195 : i32
      %add3A_2197 = arith.constant 14 : i32
      %add3A_2198 = arith.addi %mul3A_2196, %add3A_2197 : i32
      %get3A_2199 = arith.index_cast %shift_right_logical3A_580 : i32 to index
      %get3A_2200 = arith.index_cast %add3A_2198 : i32 to index
      %get3A_2201 = arith.constant 0 : index
      %get3A_2202 = tpu.vector_load %arg7[%get3A_2199, %get3A_2200, %get3A_2201] {strides = array<i32>} : memref<4x128x128xi32, #tpu.memory_space<vmem>>, vector<1x1x16xi32>,
      %get3A_2203 = vector.shape_cast %get3A_2202 : vector<1x1x16xi32> to vector<16xi32>
      %eq3A_2204 = arith.constant 0 : i32
      %eq3A_2205 = arith.cmpi eq, %squeeze3A_2192, %eq3A_2204 : i32
      %select_n3A_2206 = arith.select %eq3A_2205, %get3A_2203, %broadcast_in_dim3A_2194 : vector<16xi32>
      %mul3A_2207 = arith.constant 16 : i32
      %mul3A_2208 = arith.muli %and3A_581, %mul3A_2207 : i32
      %add3A_2209 = arith.constant 14 : i32
      %add3A_2210 = arith.addi %mul3A_2208, %add3A_2209 : i32
      %get3A_2211 = arith.index_cast %shift_right_logical3A_580 : i32 to index
      %get3A_2212 = arith.index_cast %add3A_2210 : i32 to index
      %get3A_2213 = arith.constant 16 : index
      %get3A_2214 = tpu.vector_load %arg7[%get3A_2211, %get3A_2212, %get3A_2213] {strides = array<i32>} : memref<4x128x128xi32, #tpu.memory_space<vmem>>, vector<1x1x16xi32>,
      %get3A_2215 = vector.shape_cast %get3A_2214 : vector<1x1x16xi32> to vector<16xi32>
      %eq3A_2216 = arith.constant 1 : i32
      %eq3A_2217 = arith.cmpi eq, %squeeze3A_2192, %eq3A_2216 : i32
      %select_n3A_2218 = arith.select %eq3A_2217, %get3A_2215, %select_n3A_2206 : vector<16xi32>
      %mul3A_2219 = arith.constant 16 : i32
      %mul3A_2220 = arith.muli %and3A_581, %mul3A_2219 : i32
      %add3A_2221 = arith.constant 14 : i32
      %add3A_2222 = arith.addi %mul3A_2220, %add3A_2221 : i32
      %get3A_2223 = arith.index_cast %shift_right_logical3A_580 : i32 to index
      %get3A_2224 = arith.index_cast %add3A_2222 : i32 to index
      %get3A_2225 = arith.constant 32 : index
      %get3A_2226 = tpu.vector_load %arg7[%get3A_2223, %get3A_2224, %get3A_2225] {strides = array<i32>} : memref<4x128x128xi32, #tpu.memory_space<vmem>>, vector<1x1x16xi32>,
      %get3A_2227 = vector.shape_cast %get3A_2226 : vector<1x1x16xi32> to vector<16xi32>
      %eq3A_2228 = arith.constant 2 : i32
      %eq3A_2229 = arith.cmpi eq, %squeeze3A_2192, %eq3A_2228 : i32
      %select_n3A_2230 = arith.select %eq3A_2229, %get3A_2227, %select_n3A_2218 : vector<16xi32>
      %mul3A_2231 = arith.constant 16 : i32
      %mul3A_2232 = arith.muli %and3A_581, %mul3A_2231 : i32
      %add3A_2233 = arith.constant 14 : i32
      %add3A_2234 = arith.addi %mul3A_2232, %add3A_2233 : i32
      %get3A_2235 = arith.index_cast %shift_right_logical3A_580 : i32 to index
      %get3A_2236 = arith.index_cast %add3A_2234 : i32 to index
      %get3A_2237 = arith.constant 48 : index
      %get3A_2238 = tpu.vector_load %arg7[%get3A_2235, %get3A_2236, %get3A_2237] {strides = array<i32>} : memref<4x128x128xi32, #tpu.memory_space<vmem>>, vector<1x1x16xi32>,
      %get3A_2239 = vector.shape_cast %get3A_2238 : vector<1x1x16xi32> to vector<16xi32>
      %eq3A_2240 = arith.constant 3 : i32
      %eq3A_2241 = arith.cmpi eq, %squeeze3A_2192, %eq3A_2240 : i32
      %select_n3A_2242 = arith.select %eq3A_2241, %get3A_2239, %select_n3A_2230 : vector<16xi32>
      %mul3A_2243 = arith.constant 16 : i32
      %mul3A_2244 = arith.muli %and3A_581, %mul3A_2243 : i32
      %add3A_2245 = arith.constant 14 : i32
      %add3A_2246 = arith.addi %mul3A_2244, %add3A_2245 : i32
      %get3A_2247 = arith.index_cast %shift_right_logical3A_580 : i32 to index
      %get3A_2248 = arith.index_cast %add3A_2246 : i32 to index
      %get3A_2249 = arith.constant 64 : index
      %get3A_2250 = tpu.vector_load %arg7[%get3A_2247, %get3A_2248, %get3A_2249] {strides = array<i32>} : memref<4x128x128xi32, #tpu.memory_space<vmem>>, vector<1x1x16xi32>,
      %get3A_2251 = vector.shape_cast %get3A_2250 : vector<1x1x16xi32> to vector<16xi32>
      %eq3A_2252 = arith.constant 4 : i32
      %eq3A_2253 = arith.cmpi eq, %squeeze3A_2192, %eq3A_2252 : i32
      %select_n3A_2254 = arith.select %eq3A_2253, %get3A_2251, %select_n3A_2242 : vector<16xi32>
      %mul3A_2255 = arith.constant 16 : i32
      %mul3A_2256 = arith.muli %and3A_581, %mul3A_2255 : i32
      %add3A_2257 = arith.constant 14 : i32
      %add3A_2258 = arith.addi %mul3A_2256, %add3A_2257 : i32
      %get3A_2259 = arith.index_cast %shift_right_logical3A_580 : i32 to index
      %get3A_2260 = arith.index_cast %add3A_2258 : i32 to index
      %get3A_2261 = arith.constant 80 : index
      %get3A_2262 = tpu.vector_load %arg7[%get3A_2259, %get3A_2260, %get3A_2261] {strides = array<i32>} : memref<4x128x128xi32, #tpu.memory_space<vmem>>, vector<1x1x16xi32>,
      %get3A_2263 = vector.shape_cast %get3A_2262 : vector<1x1x16xi32> to vector<16xi32>
      %eq3A_2264 = arith.constant 5 : i32
      %eq3A_2265 = arith.cmpi eq, %squeeze3A_2192, %eq3A_2264 : i32
      %select_n3A_2266 = arith.select %eq3A_2265, %get3A_2263, %select_n3A_2254 : vector<16xi32>
      %mul3A_2267 = arith.constant 16 : i32
      %mul3A_2268 = arith.muli %and3A_581, %mul3A_2267 : i32
      %add3A_2269 = arith.constant 14 : i32
      %add3A_2270 = arith.addi %mul3A_2268, %add3A_2269 : i32
      %get3A_2271 = arith.index_cast %shift_right_logical3A_580 : i32 to index
      %get3A_2272 = arith.index_cast %add3A_2270 : i32 to index
      %get3A_2273 = arith.constant 96 : index
      %get3A_2274 = tpu.vector_load %arg7[%get3A_2271, %get3A_2272, %get3A_2273] {strides = array<i32>} : memref<4x128x128xi32, #tpu.memory_space<vmem>>, vector<1x1x16xi32>,
      %get3A_2275 = vector.shape_cast %get3A_2274 : vector<1x1x16xi32> to vector<16xi32>
      %eq3A_2276 = arith.constant 6 : i32
      %eq3A_2277 = arith.cmpi eq, %squeeze3A_2192, %eq3A_2276 : i32
      %select_n3A_2278 = arith.select %eq3A_2277, %get3A_2275, %select_n3A_2266 : vector<16xi32>
      %mul3A_2279 = arith.constant 16 : i32
      %mul3A_2280 = arith.muli %and3A_581, %mul3A_2279 : i32
      %add3A_2281 = arith.constant 14 : i32
      %add3A_2282 = arith.addi %mul3A_2280, %add3A_2281 : i32
      %get3A_2283 = arith.index_cast %shift_right_logical3A_580 : i32 to index
      %get3A_2284 = arith.index_cast %add3A_2282 : i32 to index
      %get3A_2285 = arith.constant 112 : index
      %get3A_2286 = tpu.vector_load %arg7[%get3A_2283, %get3A_2284, %get3A_2285] {strides = array<i32>} : memref<4x128x128xi32, #tpu.memory_space<vmem>>, vector<1x1x16xi32>,
      %get3A_2287 = vector.shape_cast %get3A_2286 : vector<1x1x16xi32> to vector<16xi32>
      %eq3A_2288 = arith.constant 7 : i32
      %eq3A_2289 = arith.cmpi eq, %squeeze3A_2192, %eq3A_2288 : i32
      %select_n3A_2290 = arith.select %eq3A_2289, %get3A_2287, %select_n3A_2278 : vector<16xi32>
      %eq3A_2291 = arith.constant 14 : i32
      %eq3A_2292 = vector.broadcast %eq3A_2291 : i32 to vector<16xi32>
      %eq3A_2293 = arith.cmpi eq, %iota3A, %eq3A_2292 : vector<16xi32>
      %lt3A_2294 = arith.constant 0 : i32
      %lt3A_2295 = vector.broadcast %lt3A_2294 : i32 to vector<16xi32>
      %lt3A_2296 = arith.cmpi slt, %and3A_599, %lt3A_2295 : vector<16xi32>
      %add3A_2297 = arith.constant 16 : i32
      %add3A_2298 = vector.broadcast %add3A_2297 : i32 to vector<16xi32>
      %add3A_2299 = arith.addi %and3A_599, %add3A_2298 : vector<16xi32>
      %select_n3A_2300 = arith.select %lt3A_2296, %add3A_2299, %and3A_599 : vector<16xi1>, vector<16xi32>
      %broadcast_in_dim3A_2301 = vector.shape_cast %select_n3A_2300 : vector<16xi32> to vector<16x1xi32>
      %gather3A_2302 = vector.shape_cast %broadcast_in_dim3A_2301 : vector<16x1xi32> to vector<16xi32>
      %gather3A_2303 = tpu.dynamic_gather %select_n3A_2290[%gather3A_2302] in [0] : vector<16xi32>, vector<16xi32> -> vector<16xi32>
      %select_n3A_2304 = arith.select %eq3A_2293, %gather3A_2303, %select_n3A_2190 : vector<16xi1>, vector<16xi32>
      %slice3A_2305 = vector.extract_strided_slice %shift_right_logical3A_596 {offsets = [15], sizes = [1], strides = [1]} : vector<16xi32> to vector<1xi32>
      %squeeze3A_2306 = vector.extract %slice3A_2305[0] : i32 from vector<1xi32>
      %broadcast_in_dim3A_2307 = arith.constant 0 : i32
      %broadcast_in_dim3A_2308 = vector.broadcast %broadcast_in_dim3A_2307 : i32 to vector<16xi32>
      %mul3A_2309 = arith.constant 16 : i32
      %mul3A_2310 = arith.muli %and3A_581, %mul3A_2309 : i32
      %add3A_2311 = arith.constant 15 : i32
      %add3A_2312 = arith.addi %mul3A_2310, %add3A_2311 : i32
      %get3A_2313 = arith.index_cast %shift_right_logical3A_580 : i32 to index
      %get3A_2314 = arith.index_cast %add3A_2312 : i32 to index
      %get3A_2315 = arith.constant 0 : index
      %get3A_2316 = tpu.vector_load %arg7[%get3A_2313, %get3A_2314, %get3A_2315] {strides = array<i32>} : memref<4x128x128xi32, #tpu.memory_space<vmem>>, vector<1x1x16xi32>,
      %get3A_2317 = vector.shape_cast %get3A_2316 : vector<1x1x16xi32> to vector<16xi32>
      %eq3A_2318 = arith.constant 0 : i32
      %eq3A_2319 = arith.cmpi eq, %squeeze3A_2306, %eq3A_2318 : i32
      %select_n3A_2320 = arith.select %eq3A_2319, %get3A_2317, %broadcast_in_dim3A_2308 : vector<16xi32>
      %mul3A_2321 = arith.constant 16 : i32
      %mul3A_2322 = arith.muli %and3A_581, %mul3A_2321 : i32
      %add3A_2323 = arith.constant 15 : i32
      %add3A_2324 = arith.addi %mul3A_2322, %add3A_2323 : i32
      %get3A_2325 = arith.index_cast %shift_right_logical3A_580 : i32 to index
      %get3A_2326 = arith.index_cast %add3A_2324 : i32 to index
      %get3A_2327 = arith.constant 16 : index
      %get3A_2328 = tpu.vector_load %arg7[%get3A_2325, %get3A_2326, %get3A_2327] {strides = array<i32>} : memref<4x128x128xi32, #tpu.memory_space<vmem>>, vector<1x1x16xi32>,
      %get3A_2329 = vector.shape_cast %get3A_2328 : vector<1x1x16xi32> to vector<16xi32>
      %eq3A_2330 = arith.constant 1 : i32
      %eq3A_2331 = arith.cmpi eq, %squeeze3A_2306, %eq3A_2330 : i32
      %select_n3A_2332 = arith.select %eq3A_2331, %get3A_2329, %select_n3A_2320 : vector<16xi32>
      %mul3A_2333 = arith.constant 16 : i32
      %mul3A_2334 = arith.muli %and3A_581, %mul3A_2333 : i32
      %add3A_2335 = arith.constant 15 : i32
      %add3A_2336 = arith.addi %mul3A_2334, %add3A_2335 : i32
      %get3A_2337 = arith.index_cast %shift_right_logical3A_580 : i32 to index
      %get3A_2338 = arith.index_cast %add3A_2336 : i32 to index
      %get3A_2339 = arith.constant 32 : index
      %get3A_2340 = tpu.vector_load %arg7[%get3A_2337, %get3A_2338, %get3A_2339] {strides = array<i32>} : memref<4x128x128xi32, #tpu.memory_space<vmem>>, vector<1x1x16xi32>,
      %get3A_2341 = vector.shape_cast %get3A_2340 : vector<1x1x16xi32> to vector<16xi32>
      %eq3A_2342 = arith.constant 2 : i32
      %eq3A_2343 = arith.cmpi eq, %squeeze3A_2306, %eq3A_2342 : i32
      %select_n3A_2344 = arith.select %eq3A_2343, %get3A_2341, %select_n3A_2332 : vector<16xi32>
      %mul3A_2345 = arith.constant 16 : i32
      %mul3A_2346 = arith.muli %and3A_581, %mul3A_2345 : i32
      %add3A_2347 = arith.constant 15 : i32
      %add3A_2348 = arith.addi %mul3A_2346, %add3A_2347 : i32
      %get3A_2349 = arith.index_cast %shift_right_logical3A_580 : i32 to index
      %get3A_2350 = arith.index_cast %add3A_2348 : i32 to index
      %get3A_2351 = arith.constant 48 : index
      %get3A_2352 = tpu.vector_load %arg7[%get3A_2349, %get3A_2350, %get3A_2351] {strides = array<i32>} : memref<4x128x128xi32, #tpu.memory_space<vmem>>, vector<1x1x16xi32>,
      %get3A_2353 = vector.shape_cast %get3A_2352 : vector<1x1x16xi32> to vector<16xi32>
      %eq3A_2354 = arith.constant 3 : i32
      %eq3A_2355 = arith.cmpi eq, %squeeze3A_2306, %eq3A_2354 : i32
      %select_n3A_2356 = arith.select %eq3A_2355, %get3A_2353, %select_n3A_2344 : vector<16xi32>
      %mul3A_2357 = arith.constant 16 : i32
      %mul3A_2358 = arith.muli %and3A_581, %mul3A_2357 : i32
      %add3A_2359 = arith.constant 15 : i32
      %add3A_2360 = arith.addi %mul3A_2358, %add3A_2359 : i32
      %get3A_2361 = arith.index_cast %shift_right_logical3A_580 : i32 to index
      %get3A_2362 = arith.index_cast %add3A_2360 : i32 to index
      %get3A_2363 = arith.constant 64 : index
      %get3A_2364 = tpu.vector_load %arg7[%get3A_2361, %get3A_2362, %get3A_2363] {strides = array<i32>} : memref<4x128x128xi32, #tpu.memory_space<vmem>>, vector<1x1x16xi32>,
      %get3A_2365 = vector.shape_cast %get3A_2364 : vector<1x1x16xi32> to vector<16xi32>
      %eq3A_2366 = arith.constant 4 : i32
      %eq3A_2367 = arith.cmpi eq, %squeeze3A_2306, %eq3A_2366 : i32
      %select_n3A_2368 = arith.select %eq3A_2367, %get3A_2365, %select_n3A_2356 : vector<16xi32>
      %mul3A_2369 = arith.constant 16 : i32
      %mul3A_2370 = arith.muli %and3A_581, %mul3A_2369 : i32
      %add3A_2371 = arith.constant 15 : i32
      %add3A_2372 = arith.addi %mul3A_2370, %add3A_2371 : i32
      %get3A_2373 = arith.index_cast %shift_right_logical3A_580 : i32 to index
      %get3A_2374 = arith.index_cast %add3A_2372 : i32 to index
      %get3A_2375 = arith.constant 80 : index
      %get3A_2376 = tpu.vector_load %arg7[%get3A_2373, %get3A_2374, %get3A_2375] {strides = array<i32>} : memref<4x128x128xi32, #tpu.memory_space<vmem>>, vector<1x1x16xi32>,
      %get3A_2377 = vector.shape_cast %get3A_2376 : vector<1x1x16xi32> to vector<16xi32>
      %eq3A_2378 = arith.constant 5 : i32
      %eq3A_2379 = arith.cmpi eq, %squeeze3A_2306, %eq3A_2378 : i32
      %select_n3A_2380 = arith.select %eq3A_2379, %get3A_2377, %select_n3A_2368 : vector<16xi32>
      %mul3A_2381 = arith.constant 16 : i32
      %mul3A_2382 = arith.muli %and3A_581, %mul3A_2381 : i32
      %add3A_2383 = arith.constant 15 : i32
      %add3A_2384 = arith.addi %mul3A_2382, %add3A_2383 : i32
      %get3A_2385 = arith.index_cast %shift_right_logical3A_580 : i32 to index
      %get3A_2386 = arith.index_cast %add3A_2384 : i32 to index
      %get3A_2387 = arith.constant 96 : index
      %get3A_2388 = tpu.vector_load %arg7[%get3A_2385, %get3A_2386, %get3A_2387] {strides = array<i32>} : memref<4x128x128xi32, #tpu.memory_space<vmem>>, vector<1x1x16xi32>,
      %get3A_2389 = vector.shape_cast %get3A_2388 : vector<1x1x16xi32> to vector<16xi32>
      %eq3A_2390 = arith.constant 6 : i32
      %eq3A_2391 = arith.cmpi eq, %squeeze3A_2306, %eq3A_2390 : i32
      %select_n3A_2392 = arith.select %eq3A_2391, %get3A_2389, %select_n3A_2380 : vector<16xi32>
      %mul3A_2393 = arith.constant 16 : i32
      %mul3A_2394 = arith.muli %and3A_581, %mul3A_2393 : i32
      %add3A_2395 = arith.constant 15 : i32
      %add3A_2396 = arith.addi %mul3A_2394, %add3A_2395 : i32
      %get3A_2397 = arith.index_cast %shift_right_logical3A_580 : i32 to index
      %get3A_2398 = arith.index_cast %add3A_2396 : i32 to index
      %get3A_2399 = arith.constant 112 : index
      %get3A_2400 = tpu.vector_load %arg7[%get3A_2397, %get3A_2398, %get3A_2399] {strides = array<i32>} : memref<4x128x128xi32, #tpu.memory_space<vmem>>, vector<1x1x16xi32>,
      %get3A_2401 = vector.shape_cast %get3A_2400 : vector<1x1x16xi32> to vector<16xi32>
      %eq3A_2402 = arith.constant 7 : i32
      %eq3A_2403 = arith.cmpi eq, %squeeze3A_2306, %eq3A_2402 : i32
      %select_n3A_2404 = arith.select %eq3A_2403, %get3A_2401, %select_n3A_2392 : vector<16xi32>
      %eq3A_2405 = arith.constant 15 : i32
      %eq3A_2406 = vector.broadcast %eq3A_2405 : i32 to vector<16xi32>
      %eq3A_2407 = arith.cmpi eq, %iota3A, %eq3A_2406 : vector<16xi32>
      %lt3A_2408 = arith.constant 0 : i32
      %lt3A_2409 = vector.broadcast %lt3A_2408 : i32 to vector<16xi32>
      %lt3A_2410 = arith.cmpi slt, %and3A_599, %lt3A_2409 : vector<16xi32>
      %add3A_2411 = arith.constant 16 : i32
      %add3A_2412 = vector.broadcast %add3A_2411 : i32 to vector<16xi32>
      %add3A_2413 = arith.addi %and3A_599, %add3A_2412 : vector<16xi32>
      %select_n3A_2414 = arith.select %lt3A_2410, %add3A_2413, %and3A_599 : vector<16xi1>, vector<16xi32>
      %broadcast_in_dim3A_2415 = vector.shape_cast %select_n3A_2414 : vector<16xi32> to vector<16x1xi32>
      %gather3A_2416 = vector.shape_cast %broadcast_in_dim3A_2415 : vector<16x1xi32> to vector<16xi32>
      %gather3A_2417 = tpu.dynamic_gather %select_n3A_2404[%gather3A_2416] in [0] : vector<16xi32>, vector<16xi32> -> vector<16xi32>
      %select_n3A_2418 = arith.select %eq3A_2407, %gather3A_2417, %select_n3A_2304 : vector<16xi1>, vector<16xi32>
      %shift_right_logical3A_2419 = arith.constant 10 : i32
      %shift_right_logical3A_2420 = vector.broadcast %shift_right_logical3A_2419 : i32 to vector<16xi32>
      %shift_right_logical3A_2421 = arith.shrui %get3A_587, %shift_right_logical3A_2420 : vector<16xi32>
      %and3A_2422 = arith.constant 3 : i32
      %and3A_2423 = vector.broadcast %and3A_2422 : i32 to vector<16xi32>
      %and3A_2424 = arith.andi %shift_right_logical3A_2421, %and3A_2423 : vector<16xi32>
      %shift_left3A = arith.constant 3 : i32
      %shift_left3A_2425 = vector.broadcast %shift_left3A : i32 to vector<16xi32>
      %shift_left3A_2426 = arith.shli %and3A_2424, %shift_left3A_2425 : vector<16xi32>
      %and3A_2427 = arith.constant 7 : i32
      %and3A_2428 = vector.broadcast %and3A_2427 : i32 to vector<16xi32>
      %and3A_2429 = arith.andi %get3A_587, %and3A_2428 : vector<16xi32>
      %or3A = arith.ori %shift_left3A_2426, %and3A_2429 : vector<16xi32>
      %broadcast_in_dim3A_2430 = arith.constant 1 : i32
      %broadcast_in_dim3A_2431 = vector.broadcast %broadcast_in_dim3A_2430 : i32 to vector<16xi32>
      %shift_left3A_2432 = arith.shli %broadcast_in_dim3A_2431, %or3A : vector<16xi32>
      %and3A_2433 = arith.andi %select_n3A_2418, %shift_left3A_2432 : vector<16xi32>
      %ne3A = arith.constant 0 : i32
      %ne3A_2434 = vector.broadcast %ne3A : i32 to vector<16xi32>
      %ne3A_2435 = arith.cmpi ne, %and3A_2433, %ne3A_2434 : vector<16xi32>
      %jit3A = arith.constant 1 : i32
      %jit3A_2436 = arith.constant 0 : i32
      %broadcast_in_dim3A_2437 = vector.broadcast %jit3A : i32 to vector<16xi32>
      %broadcast_in_dim3A_2438 = vector.broadcast %jit3A_2436 : i32 to vector<16xi32>
      %select_n3A_2439 = arith.select %ne3A_2435, %broadcast_in_dim3A_2437, %broadcast_in_dim3A_2438 : vector<16xi1>, vector<16xi32>
      %mul3A_2440 = arith.constant 16 : i32
      %mul3A_2441 = arith.muli %and3A_581, %mul3A_2440 : i32
      %swap3A_2442 = arith.index_cast %shift_right_logical3A_580 : i32 to index
      %swap3A_2443 = arith.index_cast %mul3A_2441 : i32 to index
      %swap3A_2444 = tpu.vector_load %arg8[%swap3A_2442, %swap3A_2443] {strides = array<i32>} : memref<4x128xi32, #tpu.memory_space<vmem>>, vector<1x16xi32>,
      %swap3A_2445 = vector.shape_cast %swap3A_2444 : vector<1x16xi32> to vector<16xi32>
      %swap3A_2446 = vector.shape_cast %select_n3A_2439 : vector<16xi32> to vector<1x16xi32>
      tpu.vector_store %arg8[%swap3A_2442, %swap3A_2443], %swap3A_2446 {strides = array<i32>} : memref<4x128xi32, #tpu.memory_space<vmem>>, vector<1x16xi32>,
    }
    %scan3A_565 = arith.constant 32 : i32
    %add3A_566 = arith.constant 0 : i32
    %add3A_567 = arith.addi %mul3A_2, %add3A_566 : i32
    %run_scoped3A_568 = arith.constant 0 : i32
    "tpu.region"() ({
      %run_scoped3A_578 = tpu.sem_alloc : memref<!tpu.dma_semaphore, #tpu.memory_space<semaphore_mem>>
      %dma_start3A_579 = arith.constant 0 : i32
      %dma_start3A_580 = tpu.memref_slice %arg8[%run_scoped3A_568, %dma_start3A_579] : memref<4x128xi32, #tpu.memory_space<vmem>> -> memref<1x128xi32, #tpu.memory_space<vmem>>
      %dma_start3A_581 = tpu.memref_squeeze %dma_start3A_580 : memref<1x128xi32, #tpu.memory_space<vmem>> -> memref<128xi32, #tpu.memory_space<vmem>>
      %dma_start3A_582 = tpu.memref_slice %arg4[%add3A_567] : memref<16384xi32, #tpu.memory_space<hbm>> -> memref<128xi32, #tpu.memory_space<hbm>>
      %dma_start3A_583 = tpu.memref_slice %arg4[%add3A_567] : memref<16384xi32, #tpu.memory_space<hbm>> -> memref<128xi32, #tpu.memory_space<hbm>>
      %dma_start3A_584 = arith.constant 0 : i32
      %dma_start3A_585 = tpu.memref_slice %arg8[%run_scoped3A_568, %dma_start3A_584] : memref<4x128xi32, #tpu.memory_space<vmem>> -> memref<1x128xi32, #tpu.memory_space<vmem>>
      %dma_start3A_586 = tpu.memref_squeeze %dma_start3A_585 : memref<1x128xi32, #tpu.memory_space<vmem>> -> memref<128xi32, #tpu.memory_space<vmem>>
      tpu.enqueue_dma source(%dma_start3A_586 : memref<128xi32, #tpu.memory_space<vmem>>) target(%dma_start3A_583 : memref<128xi32, #tpu.memory_space<hbm>>) target_semaphore(%run_scoped3A_578 : memref<!tpu.dma_semaphore, #tpu.memory_space<semaphore_mem>>)
      %dma_wait3A_587 = arith.constant 0 : i32
      %dma_wait3A_588 = tpu.memref_slice %arg8[%run_scoped3A_568, %dma_wait3A_587] : memref<4x128xi32, #tpu.memory_space<vmem>> -> memref<1x128xi32, #tpu.memory_space<vmem>>
      %dma_wait3A_589 = tpu.memref_squeeze %dma_wait3A_588 : memref<1x128xi32, #tpu.memory_space<vmem>> -> memref<128xi32, #tpu.memory_space<vmem>>
      %dma_wait3A_590 = tpu.memref_slice %arg4[%add3A_567] : memref<16384xi32, #tpu.memory_space<hbm>> -> memref<128xi32, #tpu.memory_space<hbm>>
      %dma_wait3A_591 = tpu.memref_slice %arg4[%add3A_567] : memref<16384xi32, #tpu.memory_space<hbm>> -> memref<128xi32, #tpu.memory_space<hbm>>
      %dma_wait3A_592 = arith.constant 0 : i32
      %dma_wait3A_593 = tpu.memref_slice %arg8[%run_scoped3A_568, %dma_wait3A_592] : memref<4x128xi32, #tpu.memory_space<vmem>> -> memref<1x128xi32, #tpu.memory_space<vmem>>
      %dma_wait3A_594 = tpu.memref_squeeze %dma_wait3A_593 : memref<1x128xi32, #tpu.memory_space<vmem>> -> memref<128xi32, #tpu.memory_space<vmem>>
      tpu.wait_dma2 semaphore(%run_scoped3A_578 : memref<!tpu.dma_semaphore, #tpu.memory_space<semaphore_mem>>) src(%dma_wait3A_594 : memref<128xi32, #tpu.memory_space<vmem>>) dst(%dma_wait3A_591 : memref<128xi32, #tpu.memory_space<hbm>>)
      tpu.yield
    }) : () -> ()
    %add3A_569 = arith.constant 128 : i32
    %add3A_570 = arith.addi %mul3A_2, %add3A_569 : i32
    %run_scoped3A_571 = arith.constant 1 : i32
    "tpu.region"() ({
      %run_scoped3A_578 = tpu.sem_alloc : memref<!tpu.dma_semaphore, #tpu.memory_space<semaphore_mem>>
      %dma_start3A_579 = arith.constant 0 : i32
      %dma_start3A_580 = tpu.memref_slice %arg8[%run_scoped3A_571, %dma_start3A_579] : memref<4x128xi32, #tpu.memory_space<vmem>> -> memref<1x128xi32, #tpu.memory_space<vmem>>
      %dma_start3A_581 = tpu.memref_squeeze %dma_start3A_580 : memref<1x128xi32, #tpu.memory_space<vmem>> -> memref<128xi32, #tpu.memory_space<vmem>>
      %dma_start3A_582 = tpu.memref_slice %arg4[%add3A_570] : memref<16384xi32, #tpu.memory_space<hbm>> -> memref<128xi32, #tpu.memory_space<hbm>>
      %dma_start3A_583 = tpu.memref_slice %arg4[%add3A_570] : memref<16384xi32, #tpu.memory_space<hbm>> -> memref<128xi32, #tpu.memory_space<hbm>>
      %dma_start3A_584 = arith.constant 0 : i32
      %dma_start3A_585 = tpu.memref_slice %arg8[%run_scoped3A_571, %dma_start3A_584] : memref<4x128xi32, #tpu.memory_space<vmem>> -> memref<1x128xi32, #tpu.memory_space<vmem>>
      %dma_start3A_586 = tpu.memref_squeeze %dma_start3A_585 : memref<1x128xi32, #tpu.memory_space<vmem>> -> memref<128xi32, #tpu.memory_space<vmem>>
      tpu.enqueue_dma source(%dma_start3A_586 : memref<128xi32, #tpu.memory_space<vmem>>) target(%dma_start3A_583 : memref<128xi32, #tpu.memory_space<hbm>>) target_semaphore(%run_scoped3A_578 : memref<!tpu.dma_semaphore, #tpu.memory_space<semaphore_mem>>)
      %dma_wait3A_587 = arith.constant 0 : i32
      %dma_wait3A_588 = tpu.memref_slice %arg8[%run_scoped3A_571, %dma_wait3A_587] : memref<4x128xi32, #tpu.memory_space<vmem>> -> memref<1x128xi32, #tpu.memory_space<vmem>>
      %dma_wait3A_589 = tpu.memref_squeeze %dma_wait3A_588 : memref<1x128xi32, #tpu.memory_space<vmem>> -> memref<128xi32, #tpu.memory_space<vmem>>
      %dma_wait3A_590 = tpu.memref_slice %arg4[%add3A_570] : memref<16384xi32, #tpu.memory_space<hbm>> -> memref<128xi32, #tpu.memory_space<hbm>>
      %dma_wait3A_591 = tpu.memref_slice %arg4[%add3A_570] : memref<16384xi32, #tpu.memory_space<hbm>> -> memref<128xi32, #tpu.memory_space<hbm>>
      %dma_wait3A_592 = arith.constant 0 : i32
      %dma_wait3A_593 = tpu.memref_slice %arg8[%run_scoped3A_571, %dma_wait3A_592] : memref<4x128xi32, #tpu.memory_space<vmem>> -> memref<1x128xi32, #tpu.memory_space<vmem>>
      %dma_wait3A_594 = tpu.memref_squeeze %dma_wait3A_593 : memref<1x128xi32, #tpu.memory_space<vmem>> -> memref<128xi32, #tpu.memory_space<vmem>>
      tpu.wait_dma2 semaphore(%run_scoped3A_578 : memref<!tpu.dma_semaphore, #tpu.memory_space<semaphore_mem>>) src(%dma_wait3A_594 : memref<128xi32, #tpu.memory_space<vmem>>) dst(%dma_wait3A_591 : memref<128xi32, #tpu.memory_space<hbm>>)
      tpu.yield
    }) : () -> ()
    %add3A_572 = arith.constant 256 : i32
    %add3A_573 = arith.addi %mul3A_2, %add3A_572 : i32
    %run_scoped3A_574 = arith.constant 2 : i32
    "tpu.region"() ({
      %run_scoped3A_578 = tpu.sem_alloc : memref<!tpu.dma_semaphore, #tpu.memory_space<semaphore_mem>>
      %dma_start3A_579 = arith.constant 0 : i32
      %dma_start3A_580 = tpu.memref_slice %arg8[%run_scoped3A_574, %dma_start3A_579] : memref<4x128xi32, #tpu.memory_space<vmem>> -> memref<1x128xi32, #tpu.memory_space<vmem>>
      %dma_start3A_581 = tpu.memref_squeeze %dma_start3A_580 : memref<1x128xi32, #tpu.memory_space<vmem>> -> memref<128xi32, #tpu.memory_space<vmem>>
      %dma_start3A_582 = tpu.memref_slice %arg4[%add3A_573] : memref<16384xi32, #tpu.memory_space<hbm>> -> memref<128xi32, #tpu.memory_space<hbm>>
      %dma_start3A_583 = tpu.memref_slice %arg4[%add3A_573] : memref<16384xi32, #tpu.memory_space<hbm>> -> memref<128xi32, #tpu.memory_space<hbm>>
      %dma_start3A_584 = arith.constant 0 : i32
      %dma_start3A_585 = tpu.memref_slice %arg8[%run_scoped3A_574, %dma_start3A_584] : memref<4x128xi32, #tpu.memory_space<vmem>> -> memref<1x128xi32, #tpu.memory_space<vmem>>
      %dma_start3A_586 = tpu.memref_squeeze %dma_start3A_585 : memref<1x128xi32, #tpu.memory_space<vmem>> -> memref<128xi32, #tpu.memory_space<vmem>>
      tpu.enqueue_dma source(%dma_start3A_586 : memref<128xi32, #tpu.memory_space<vmem>>) target(%dma_start3A_583 : memref<128xi32, #tpu.memory_space<hbm>>) target_semaphore(%run_scoped3A_578 : memref<!tpu.dma_semaphore, #tpu.memory_space<semaphore_mem>>)
      %dma_wait3A_587 = arith.constant 0 : i32
      %dma_wait3A_588 = tpu.memref_slice %arg8[%run_scoped3A_574, %dma_wait3A_587] : memref<4x128xi32, #tpu.memory_space<vmem>> -> memref<1x128xi32, #tpu.memory_space<vmem>>
      %dma_wait3A_589 = tpu.memref_squeeze %dma_wait3A_588 : memref<1x128xi32, #tpu.memory_space<vmem>> -> memref<128xi32, #tpu.memory_space<vmem>>
      %dma_wait3A_590 = tpu.memref_slice %arg4[%add3A_573] : memref<16384xi32, #tpu.memory_space<hbm>> -> memref<128xi32, #tpu.memory_space<hbm>>
      %dma_wait3A_591 = tpu.memref_slice %arg4[%add3A_573] : memref<16384xi32, #tpu.memory_space<hbm>> -> memref<128xi32, #tpu.memory_space<hbm>>
      %dma_wait3A_592 = arith.constant 0 : i32
      %dma_wait3A_593 = tpu.memref_slice %arg8[%run_scoped3A_574, %dma_wait3A_592] : memref<4x128xi32, #tpu.memory_space<vmem>> -> memref<1x128xi32, #tpu.memory_space<vmem>>
      %dma_wait3A_594 = tpu.memref_squeeze %dma_wait3A_593 : memref<1x128xi32, #tpu.memory_space<vmem>> -> memref<128xi32, #tpu.memory_space<vmem>>
      tpu.wait_dma2 semaphore(%run_scoped3A_578 : memref<!tpu.dma_semaphore, #tpu.memory_space<semaphore_mem>>) src(%dma_wait3A_594 : memref<128xi32, #tpu.memory_space<vmem>>) dst(%dma_wait3A_591 : memref<128xi32, #tpu.memory_space<hbm>>)
      tpu.yield
    }) : () -> ()
    %add3A_575 = arith.constant 384 : i32
    %add3A_576 = arith.addi %mul3A_2, %add3A_575 : i32
    %run_scoped3A_577 = arith.constant 3 : i32
    "tpu.region"() ({
      %run_scoped3A_578 = tpu.sem_alloc : memref<!tpu.dma_semaphore, #tpu.memory_space<semaphore_mem>>
      %dma_start3A_579 = arith.constant 0 : i32
      %dma_start3A_580 = tpu.memref_slice %arg8[%run_scoped3A_577, %dma_start3A_579] : memref<4x128xi32, #tpu.memory_space<vmem>> -> memref<1x128xi32, #tpu.memory_space<vmem>>
      %dma_start3A_581 = tpu.memref_squeeze %dma_start3A_580 : memref<1x128xi32, #tpu.memory_space<vmem>> -> memref<128xi32, #tpu.memory_space<vmem>>
      %dma_start3A_582 = tpu.memref_slice %arg4[%add3A_576] : memref<16384xi32, #tpu.memory_space<hbm>> -> memref<128xi32, #tpu.memory_space<hbm>>
      %dma_start3A_583 = tpu.memref_slice %arg4[%add3A_576] : memref<16384xi32, #tpu.memory_space<hbm>> -> memref<128xi32, #tpu.memory_space<hbm>>
      %dma_start3A_584 = arith.constant 0 : i32
      %dma_start3A_585 = tpu.memref_slice %arg8[%run_scoped3A_577, %dma_start3A_584] : memref<4x128xi32, #tpu.memory_space<vmem>> -> memref<1x128xi32, #tpu.memory_space<vmem>>
      %dma_start3A_586 = tpu.memref_squeeze %dma_start3A_585 : memref<1x128xi32, #tpu.memory_space<vmem>> -> memref<128xi32, #tpu.memory_space<vmem>>
      tpu.enqueue_dma source(%dma_start3A_586 : memref<128xi32, #tpu.memory_space<vmem>>) target(%dma_start3A_583 : memref<128xi32, #tpu.memory_space<hbm>>) target_semaphore(%run_scoped3A_578 : memref<!tpu.dma_semaphore, #tpu.memory_space<semaphore_mem>>)
      %dma_wait3A_587 = arith.constant 0 : i32
      %dma_wait3A_588 = tpu.memref_slice %arg8[%run_scoped3A_577, %dma_wait3A_587] : memref<4x128xi32, #tpu.memory_space<vmem>> -> memref<1x128xi32, #tpu.memory_space<vmem>>
      %dma_wait3A_589 = tpu.memref_squeeze %dma_wait3A_588 : memref<1x128xi32, #tpu.memory_space<vmem>> -> memref<128xi32, #tpu.memory_space<vmem>>
      %dma_wait3A_590 = tpu.memref_slice %arg4[%add3A_576] : memref<16384xi32, #tpu.memory_space<hbm>> -> memref<128xi32, #tpu.memory_space<hbm>>
      %dma_wait3A_591 = tpu.memref_slice %arg4[%add3A_576] : memref<16384xi32, #tpu.memory_space<hbm>> -> memref<128xi32, #tpu.memory_space<hbm>>
      %dma_wait3A_592 = arith.constant 0 : i32
      %dma_wait3A_593 = tpu.memref_slice %arg8[%run_scoped3A_577, %dma_wait3A_592] : memref<4x128xi32, #tpu.memory_space<vmem>> -> memref<1x128xi32, #tpu.memory_space<vmem>>
      %dma_wait3A_594 = tpu.memref_squeeze %dma_wait3A_593 : memref<1x128xi32, #tpu.memory_space<vmem>> -> memref<128xi32, #tpu.memory_space<vmem>>
      tpu.wait_dma2 semaphore(%run_scoped3A_578 : memref<!tpu.dma_semaphore, #tpu.memory_space<semaphore_mem>>) src(%dma_wait3A_594 : memref<128xi32, #tpu.memory_space<vmem>>) dst(%dma_wait3A_591 : memref<128xi32, #tpu.memory_space<hbm>>)
      tpu.yield
    }) : () -> ()
    return
  }
}

module attributes {stable_mosaic.version = 14 : i64} {
  func.func @_hash_tc(%arg0: i32, %arg1: memref<4096x512xf32, #tpu.memory_space<vmem>>, %arg2: memref<512x128xf32, #tpu.memory_space<vmem>>, %arg3: memref<128x1xi32, #tpu.memory_space<vmem>>, %arg4: memref<1x1x4096xi32, #tpu.memory_space<vmem>>) attributes {dimension_semantics = [#tpu.dimension_semantics<arbitrary>], iteration_bounds = array<i64: 4>, scalar_prefetch = 0 : i64, scratch_operands = 0 : i64, tpu.core_type = #tpu.core_type<tc>, window_params = [{transform_indices = @transform_0, window_bounds = array<i64: 4096, 512>}, {pipeline_mode = #tpu.pipeline_mode<synchronous>, transform_indices = @transform_1, window_bounds = array<i64: 512, 128>}, {pipeline_mode = #tpu.pipeline_mode<synchronous>, transform_indices = @transform_2, window_bounds = array<i64: 128, 1>}, {transform_indices = @transform_3, window_bounds = array<i64: 1, 1, 4096>}]} {
    %get3A = arith.constant 0 : index
    %get3A_0 = arith.constant 0 : index
    %get3A_1 = vector.load %arg2[%get3A, %get3A_0] : memref<512x128xf32, #tpu.memory_space<vmem>>, vector<512x128xf32>
    %get3A_2 = arith.constant 0 : index
    %get3A_3 = arith.constant 0 : index
    %get3A_4 = vector.load %arg1[%get3A_2, %get3A_3] : memref<4096x512xf32, #tpu.memory_space<vmem>>, vector<4096x512xf32>
    %dot_general3A = arith.constant dense<0.000000e+00> : vector<128x4096xf32>
    %dot_general3A_5 = tpu.matmul %get3A_1, %get3A_4, %dot_general3A {dimension_numbers = #tpu.dot_dimension_numbers<[0], [1], [1], [0], [0, 1, 1, 0], [], []>, transpose_lhs_hint = false} : vector<512x128xf32>, vector<4096x512xf32>, vector<128x4096xf32> -> vector<128x4096xf32>
    %lt3A = arith.constant 0.000000e+00 : f32
    %lt3A_6 = vector.broadcast %lt3A : f32 to vector<128x4096xf32>
    %lt3A_7 = arith.cmpf olt, %dot_general3A_5, %lt3A_6 : vector<128x4096xf32>
    %get3A_8 = arith.constant 0 : index
    %get3A_9 = arith.constant 0 : index
    %get3A_10 = vector.load %arg3[%get3A_8, %get3A_9] : memref<128x1xi32, #tpu.memory_space<vmem>>, vector<128x1xi32>
    %jit3A = arith.constant 0 : i32
    %broadcast_in_dim3A = vector.shape_cast %get3A_10 : vector<128x1xi32> to vector<128x1xi32>
    %broadcast_in_dim3A_11 = vector.broadcast %broadcast_in_dim3A : vector<128x1xi32> to vector<128x4096xi32>
    %broadcast_in_dim3A_12 = vector.broadcast %jit3A : i32 to vector<128x4096xi32>
    %select_n3A = arith.select %lt3A_7, %broadcast_in_dim3A_11, %broadcast_in_dim3A_12 : vector<128x4096xi1>, vector<128x4096xi32>
    %reduce_sum3A = arith.constant dense<0> : vector<4096xi32>
    %reduce_sum3A_13 = vector.multi_reduction <add>, %select_n3A, %reduce_sum3A [0] : vector<128x4096xi32> to vector<4096xi32>
    %broadcast_in_dim3A_14 = vector.shape_cast %reduce_sum3A_13 : vector<4096xi32> to vector<1x4096xi32>
    %broadcast_in_dim3A_15 = vector.shape_cast %broadcast_in_dim3A_14 : vector<1x4096xi32> to vector<1x1x4096xi32>
    %swap3A = arith.constant 0 : index
    %swap3A_16 = arith.constant 0 : index
    %swap3A_17 = arith.constant 0 : index
    %swap3A_18 = vector.load %arg4[%swap3A, %swap3A_16, %swap3A_17] : memref<1x1x4096xi32, #tpu.memory_space<vmem>>, vector<1x1x4096xi32>
    tpu.vector_store %arg4[%swap3A, %swap3A_16, %swap3A_17], %broadcast_in_dim3A_15 {strides = array<i32>} : memref<1x1x4096xi32, #tpu.memory_space<vmem>>, vector<1x1x4096xi32>,
    return
  }
  func.func @transform_0(%arg0: i32) -> (i32, i32) {
    %c0_i32 = arith.constant 0 : i32
    %c0_i32_0 = arith.constant 0 : i32
    return %arg0, %c0_i32 : i32, i32
  }
  func.func @transform_1(%arg0: i32) -> (i32, i32) {
    %c0_i32 = arith.constant 0 : i32
    %c0_i32_0 = arith.constant 0 : i32
    %c0_i32_1 = arith.constant 0 : i32
    return %c0_i32, %c0_i32_0 : i32, i32
  }
  func.func @transform_2(%arg0: i32) -> (i32, i32) {
    %c0_i32 = arith.constant 0 : i32
    %c0_i32_0 = arith.constant 0 : i32
    %c0_i32_1 = arith.constant 0 : i32
    return %c0_i32, %c0_i32_0 : i32, i32
  }
  func.func @transform_3(%arg0: i32) -> (i32, i32, i32) {
    %c0_i32 = arith.constant 0 : i32
    %c0_i32_0 = arith.constant 0 : i32
    %c0_i32_1 = arith.constant 0 : i32
    return %arg0, %c0_i32, %c0_i32_0 : i32, i32, i32
  }
}

</mosaic_0001>

<sc_bundles>
// kernel: kernel.4.cloned.1.call-start
scs
__scs_entry_jumppad:
0x0: {  	(pc) =	sbr.rel $0x88, $3  }
0x1: {  	(tag) =	ssettag $0x0;
	lr =	simm.s32 $0x1  }
0x2: {  	[smem:$0x3F9E] =	sst lr;
	_ =	strace $0xD0000000  }
0x3: {  	_ = 	snop  }
0x4: {  	_ = 	snop  }
0x5: {  	_ = 	snop  }
0x6: {  	_ = 	snop  }
0x7: {  	_ = 	snop  }
__scs_overlays_trampoline_lowered:
0x8: {  	[smem:$0x3FAD] =	sst s0  }
0x9: {  	[smem:$0x3FAE] =	sst s1  }
0xa: {  	[smem:$0x3FAF] =	sst s2  }
0xb: {  	[smem:$0x3FB0] =	sst s3  }
0xc: {  	[smem:$0x3FB1] =	sst s4  }
0xd: {  	[smem:$0x3FB2] =	sst s5  }
0xe: {  	[smem:$0x3FB3] =	sst s6  }
0xf: {  	[smem:$0x3FB4] =	sst s7  }
0x10: {  	[smem:$0x3FB5] =	sst s8  }
0x11: {  	[smem:$0x3FB6] =	sst s9;
	s0 =	simm.s32 @!p0 $0x0  }
0x12: {  	s1 =	sld [smem:$0x3F9C];
	s0 =	simm.s32 @p0 $0x1  }
0x13: {  	[smem:$0x3FB7] =	sst s0;
	s0 =	simm.s32 @!p1 $0x0  }
0x14: {  	s2 =	sld [smem:$0x3F9B];
	s0 =	simm.s32 @p1 $0x1  }
0x15: {  	[smem:$0x3FB8] =	sst s0;
	s0 =	simm.s32 @!p2 $0x0  }
0x16: {  	s3 =	sld [smem:$0x3FDB];
	s0 =	simm.s32 @p2 $0x1  }
0x17: {  	s4 =	simm.s32 $0x1BF5;
	[smem:$0x3FBA] =	sst s0  }
0x18: {  	s0 =	sld [smem:$0x3F9D];
	_ =	swait.ge [sflag:s4], $0x0  }
0x19: {  	s7 =	sld [smem:$0x3F9E]  }
0x1a: {  	s8 =	sadd.s32 $0xFFFFE003, lr  }
0x1b: {  	s9 =	sadd.s32 $0xFFFFFEF7, lr;
	s5 =	simm.s32 $0xFFFFFFFF;
	p2 =	slt.u32 s8, $0xFFFFF086  }
0x1c: {  	p1 =	slt.u32 s9, $0xF7A;
	s5 =	simm.s32 @!p2 $0x0  }
0x1d: {  	s5 =	simm.s32 @p1 $0x1;
	p0 =	seq.s32 s7, s2  }
0x1e: {  	s7 =	smul.u32 @!p0 $0xF7A, s2;
	p2 =	seq.s32 @!p0 s5, $0x0  }
0x1f: {  	s9 =	smul.u32 $0xF7A, s1;
	s8 =	simm.s32 @!p0 $0x1BF5;
	p2 =	por !p2, p0  }
0x20: {  	[sflag:s8] =	ssyncset.s32 @!p0 $0xFFFFF086;
	s6 =	sadd.s32 @!p0 s3, s7;
	s7 =	simm.s32 @!p0 $0x108  }
0x21: {  	s3 =	sadd.s32 s3, s9;
	s6 =	sadd.s32 @!p0 $0x88, s6;
	s7 =	simm.s32 @p2 $0x1082  }
0x22: {  	[simem:s7], [sflag:s8] =	dma.local @!p0 [hbm:s6], $0xF7A  }
0x23: {  	s9 =	sor.u32 $0xD0000000, s2;
	s6 =	simm.s32 $0x108;
	_ =	swait.ge @!p0 [sflag:s8], $0x0  }
0x24: {  	s3 =	sadd.s32 $0x88, s3;
	s6 =	simm.s32 @!p1 $0x1082;
	[sflag:s4] =	ssyncset.s32 $0xFFFFF086  }
0x25: {  	[simem:s6], [sflag:s4] =	dma.local [hbm:s3], $0xF7A  }
0x26: {  	[smem:$0x3F9E] =	sst s1;
	(tag) =	ssettag s2;
	_ =	strace s9  }
0x27: {  	s1 =	sld [smem:$0x3FAE]  }
0x28: {  	s2 =	sld [smem:$0x3FAF]  }
0x29: {  	s4 =	sld [smem:$0x3FB1]  }
0x2a: {  	p0 =	seq.s32 s5, $0x0;
	s5 =	sld [smem:$0x3FB2]  }
0x2b: {  	s6 =	sld [smem:$0x3FB3]  }
0x2c: {  	s7 =	sld [smem:$0x3FB4]  }
0x2d: {  	s3 =	simm.s32 $0x108;
	s8 =	sld [smem:$0x3FB5]  }
0x2e: {  	s3 =	simm.s32 @!p0 $0x1082;
	s9 =	sld [smem:$0x3FB6]  }
0x2f: {  	lr =	sadd.s32 s0, s3;
	s0 =	sld [smem:$0x3FAD]  }
0x30: {  	s3 =	sld [smem:$0x3FB0]  }
0x31: {  	[smem:$0x3FB9] =	sst s10  }
0x32: {  	s10 =	sld [smem:$0x3FB7];
	_ =	sdelay $0x3  }
0x33: {  	p0 =	seq.s32 s10, $0x1;
	s10 =	sld [smem:$0x3FB9];
	_ =	sdelay $0x3  }
0x34: {  	[smem:$0x3FB9] =	sst s10  }
0x35: {  	s10 =	sld [smem:$0x3FB8];
	_ =	sdelay $0x3  }
0x36: {  	p1 =	seq.s32 s10, $0x1;
	s10 =	sld [smem:$0x3FB9];
	_ =	sdelay $0x3  }
0x37: {  	[smem:$0x3FB9] =	sst s10  }
0x38: {  	s10 =	sld [smem:$0x3FBA]  }
0x39: {  	_ = 	snop;
	(pc) =	sbr.ind lr, $3  }
0x3a: {  	_ = 	snop  }
0x3b: {  	_ = 	snop  }
0x3c: {  	p2 =	seq.s32 s10, $0x1;
	s10 =	sld [smem:$0x3FB9]  }
0x3d: {  	_ =	shalt  }
0x3e: {  	_ =	shalt  }
0x3f: {  	_ =	shalt  }
0x40: {  	_ =	shalt  }
0x41: {  	_ =	shalt  }
0x42: {  	_ =	shalt  }
0x43: {  	_ =	shalt  }
0x44: {  	_ =	shalt  }
0x45: {  	_ =	shalt  }
0x46: {  	_ =	shalt  }
0x47: {  	_ =	shalt  }
0x48: {  	_ =	shalt  }
0x49: {  	_ =	shalt  }
0x4a: {  	_ =	shalt  }
0x4b: {  	_ =	shalt  }
0x4c: {  	_ =	shalt  }
0x4d: {  	_ =	shalt  }
0x4e: {  	_ =	shalt  }
0x4f: {  	_ =	shalt  }
0x50: {  	_ =	shalt  }
0x51: {  	_ =	shalt  }
0x52: {  	_ =	shalt  }
0x53: {  	_ =	shalt  }
0x54: {  	_ =	shalt  }
0x55: {  	_ =	shalt  }
0x56: {  	_ =	shalt  }
0x57: {  	_ =	shalt  }
0x58: {  	_ =	shalt  }
0x59: {  	_ =	shalt  }
0x5a: {  	_ =	shalt  }
0x5b: {  	_ =	shalt  }
0x5c: {  	_ =	shalt  }
0x5d: {  	_ =	shalt  }
0x5e: {  	_ =	shalt  }
0x5f: {  	_ =	shalt  }
0x60: {  	_ =	shalt  }
0x61: {  	_ =	shalt  }
0x62: {  	_ =	shalt  }
0x63: {  	_ =	shalt  }
0x64: {  	_ =	shalt  }
0x65: {  	_ =	shalt  }
0x66: {  	_ =	shalt  }
0x67: {  	_ =	shalt  }
0x68: {  	_ =	shalt  }
0x69: {  	_ =	shalt  }
0x6a: {  	_ =	shalt  }
0x6b: {  	_ =	shalt  }
0x6c: {  	_ =	shalt  }
0x6d: {  	_ =	shalt  }
0x6e: {  	_ =	shalt  }
0x6f: {  	_ =	shalt  }
0x70: {  	_ =	shalt  }
0x71: {  	_ =	shalt  }
0x72: {  	_ =	shalt  }
0x73: {  	_ =	shalt  }
0x74: {  	_ =	shalt  }
0x75: {  	_ =	shalt  }
0x76: {  	_ =	shalt  }
0x77: {  	_ =	shalt  }
0x78: {  	_ =	shalt  }
0x79: {  	_ =	shalt  }
0x7a: {  	_ =	shalt  }
0x7b: {  	_ =	shalt  }
0x7c: {  	_ =	shalt  }
0x7d: {  	_ =	shalt  }
0x7e: {  	_ =	shalt  }
0x7f: {  	_ =	shalt  }
0x80: {  	_ =	shalt  }
0x81: {  	_ =	shalt  }
0x82: {  	_ =	shalt  }
0x83: {  	_ =	shalt  }
0x84: {  	_ =	shalt  }
0x85: {  	_ =	shalt  }
0x86: {  	_ =	shalt  }
0x87: {  	_ =	shalt  }
.Lfunc_end0:
.L_simem_size_0:
called_computation_lowered:
.L_overlay_start_0:
0x88: {  	s2 =	sld [smem:$0x3FD9]  }
0x89: {  	s3 =	sld [smem:$0x3FFE];
	_ =	sdelay $0x1  }
0x8a: {  	s1 =	srdreg.scid  }
0x8b: {  	s0 =	sand.u32 $0x1, s1  }
0x8c: {  	s17 =	sshll.u32 s0, $0xA;
	s2 =	sadd.s32 s3, s2  }
0x8d: {  	s2 =	sadd.s32 s2, s17  }
0x8e: {  	[smem:$0x3FC5] =	sst s2  }
0x8f: {  	_ = 	snop  }
0x90: {  	s2 =	sld [smem:$0x3FC7];
	(tm) =	ssettm $0x1  }
0x91: {  	s18 =	sld [smem:$0x3FFB];
	_ =	sdelay $0x3  }
0x92: {  	_ =	strace s18  }
0x93: {  	s3 =	sld [smem:$0x3FFC];
	_ =	sdelay $0x3  }
0x94: {  	_ =	strace s3  }
0x95: {  	s3 =	sld [smem:$0x3FFD];
	_ =	sdelay $0x3  }
0x96: {  	_ =	strace s3  }
0x97: {  	_ =	strace $0x8FFFFFFF  }
0x98: {  	s19 =	sld [smem:$0x3FDB];
	_ =	sdelay $0x1  }
0x99: {  	s4 =	simm.s32 $_scs_section_size  }
0x9a: {  	s5 =	simm.s32 $_size__tile_overlayer_lowered;
	s6 =	simm.s32 $_tile_overlayer_lowered  }
0x9b: {  	s22 =	simm.s32 $0x1BFF;
	s21 =	sshll.u32 s6, $0x1;
	s3 =	sadd.s32 s4, s19  }
0x9c: {  	s7 =	simm.s32 $0x0;
	s20 =	sshll.u32 s5, $0x1;
	s5 =	sadd.s32 s21, s3  }
0x9d: {  	[timem:s7], [sflag:s22] =	dma.local [hbm:s5], s20  }
0x9e: {  	_ =	swait.ge [sflag:s22], s20  }
0x9f: {  	s4 =	ssub.s32 $0x0, s20;
	[sflag:s22] =	ssyncset.done $0x0  }
0xa0: {  	[sflag:s22] =	ssyncadd.s32 s4;
	_ =	sdelay $0x1  }
0xa1: {  	s23 =	simm.s32 $0x1B8B  }
0xa2: {  	_ =	swait.ge [sflag:s23], $0x1  }
0xa3: {  	[sflag:s23] =	ssyncset.done $0x0  }
0xa4: {  	s25 =	simm.s32 $0x1B8E;
	s24 =	sld [smem:$0x3FFE];
	[sflag:s23] =	ssyncadd.s32 $0xFFFFFFFF  }
0xa5: {  	s26 =	simm.s32 $execute0_lowered;
	[smem:$0x3FD2] =	sst s25  }
0xa6: {  	s5 =	sshll.u32 s26, $0x1;
	_ =	strace $0x80000046;
	[dreg:$0x1] =	wrdreg $0xFFFFFFFF  }
0xa7: {  	s28 =	simm.s32 $_size_execute0_lowered;
	s3 =	sadd.s32 s3, s5;
	[dreg:$0x0] =	wrdreg $0x0  }
0xa8: {  	s5 =	sshll.u32 s28, $0x1;
	[dreg:$0x2] =	wrdreg s3  }
0xa9: {  	[dreg:$0x3] =	wrdreg s5  }
0xaa: {  	[dreg:$0x4] =	wrdreg $0xC0  }
0xab: {  	_ =	task [dreg:s7], $0x5FFFF  }
0xac: {  	[dreg:$0x1] =	wrdreg $0xFFFFFFFF  }
0xad: {  	[dreg:$0x0] =	wrdreg $0x60  }
0xae: {  	[dreg:$0x2] =	wrdreg s2  }
0xaf: {  	[dreg:$0x3] =	wrdreg s24  }
0xb0: {  	[dreg:$0x4] =	wrdreg $0x9  }
0xb1: {  	_ =	task.clear_ibuf [dreg:s7], $0x5FFFF;
	_ =	strace $0x90000046  }
0xb2: {  	s29 =	simm.s32 $0x9;
	_ =	strace $0x80000048  }
0xb3: {  	_ =	swait.ge [sflag:s29], $0x1  }
0xb4: {  	[sflag:s29] =	ssyncadd.s32 $0xFFFFFFFF  }
0xb5: {  	_ =	strace $0x90000048  }
0xb6: {  	_ =	sfence  }
0xb7: {  	s30 =	sld [smem:$0x0];
	_ =	sdelay $0x2  }
0xb8: {  	s31 =	sshll.u32 s1, $0xD;
	s1 =	sshrl.u32 s1, $0x2  }
0xb9: {  	s3 =	sand.u32 $0x4000, s31;
	s1 =	sadd.s32 s1, s30  }
0xba: {  	s0 =	sor.u32 s3, s0;
	s1 =	sshll.u32 s1, $0x11  }
0xbb: {  	s0 =	sor.u32 s1, s0  }
0xbc: {  	s0 =	sadd.s32 $0x8F2B, s0  }
0xbd: {  	[sflag:s0] =	ssyncadd.remote.s32 $0x1  }
0xbe: {  	_ =	sfence.sel $0xFFFF  }
0xbf: {  	[dreg:$0x0] =	wrdreg $0xFFFFFFFF;
	(pc) =	sbr.abs _section_cstart, $3  }
0xc0: {  	[dreg:$0x1] =	wrdreg $0xFFFFFFFF  }
0xc1: {  	_ =	task.clear_ibuf [dreg:s7], $0x2FFFF;
	_ =	strace $0x9FFFFFFF  }
0xc2: {  	(tm) =	ssettm $0x7FFFFFFF  }
0xc3: {  	_ =	shalt  }
tec
execute0_lowered:
.L_overlay_start_1:
0x0: {  	(tag) =	ssettag $0x1  }
0x1: {  	s1 =	rddreg [dreg:$0x0]  }
0x2: {  	s0 =	rddreg [dreg:$0x1];
	s2 =	simm.s32 $0x0  }
0x3: {  	s3 =	srdreg.scid;
	s7 =	stileid.u32;
	s13 =	simm.s32 $0x2  }
0x4: {  	s14 =	simm.s32 $0x80;
	s25 =	simm.s32 $0x1;
	s31 =	simm.s32 $0x0  }
0x5: {  	[smem:$0x7FF] =	sst s2;
	s3 =	sand.u32 $0x1, s3;
	s4 =	sadd.s32 $0x600, s0  }
0x6: {  	s7 =	sshll.u32 s7, $0x7;
	s5 =	ssub.s32 $0x2, s3;
	s3 =	sshll.u32 s3, $0x6  }
0x7: {  	s0 =	sadd.s32 $0xE00, s0;
	s6 =	sshrl.u32 s5, $0x1;
	s3 =	sor.u32 s3, s7  }
0x8: {  	_ =	strace $0x80000047;
	s5 =	ssub.s32 s5, s6;
	s28 =	sadd.s32 s4, s3  }
0x9: {  	vm0 =	vmmov $0x1;
	vm1 =	vmmov $0x3;
	vm2 =	vmmov $0x7;
	s29 =	sor.u32 $0x10, s3;
	s7 =	sor.u32 $0x20, s3;
	s11 =	sor.u32 $0x30, s3  }
0xa: {  	vm3 =	vmmov $0xf;
	vm4 =	vmmov $0x1f;
	vm5 =	vmmov $0x3f;
	[dreg:$0x3] =	wrdreg s28;
	s8 =	sadd.s32 s4, s29;
	s30 =	sadd.s32 s4, s7  }
0xb: {  	vm6 =	vmmov $0x7f;
	vm7 =	vmmov $0xff;
	vm8 =	vmmov $0x1ff;
	s4 =	sadd.s32 s4, s11;
	s9 =	sadd.s32 s0, s29;
	[dreg:$0x4] =	wrdreg s8  }
0xc: {  	vm9 =	vmmov $0x3ff;
	vm10 =	vmmov $0x7ff;
	vm11 =	vmmov $0xfff;
	s10 =	sadd.s32 s0, s7;
	s11 =	sadd.s32 s0, s11;
	[dreg:$0x5] =	wrdreg s30  }
0xd: {  	vm12 =	vmmov $0x1fff;
	vm13 =	vmmov $0x3fff;
	vm14 =	vmmov $0x7fff;
	s12 =	smax.u32 s5, $0x1;
	[dreg:$0x6] =	wrdreg s4;
	s8 =	sadd.s32 s0, s3  }
.LBB2_1:
0xe: {  	s0 =	rddreg [dreg:$0x3]  }
0xf: {  	[tilespmem:s2], [sflag:$0x2] =	stream.linear.gather [hbm4b:s0+s2], $0x80, $0x38;
	[tilespmem:$0x10600] =	vst v63  }
0x10: {  	_ =	swait.ge [sflag:s13], $0x80  }
0x11: {  	[sflag:s13] =	ssyncset.done $0x0  }
0x12: {  	s5 =	rddreg [dreg:$0x4];
	[sflag:s13] =	ssyncadd.s32 $0xFFFFFF80  }
0x13: {  	[tilespmem:s14], [sflag:$0x2] =	stream.linear.gather [hbm4b:s5+s2], $0x80, $0x38;
	[tilespmem:$0x10600] =	vst v63  }
0x14: {  	_ =	swait.ge [sflag:s13], $0x80  }
0x15: {  	[sflag:s13] =	ssyncset.done $0x0  }
0x16: {  	s3 =	simm.s32 $0x100;
	s6 =	rddreg [dreg:$0x5];
	[sflag:s13] =	ssyncadd.s32 $0xFFFFFF80  }
0x17: {  	[tilespmem:s3], [sflag:$0x2] =	stream.linear.gather [hbm4b:s6+s2], $0x80, $0x38;
	[tilespmem:$0x10600] =	vst v63  }
0x18: {  	_ =	swait.ge [sflag:s13], $0x80  }
0x19: {  	[sflag:s13] =	ssyncset.done $0x0  }
0x1a: {  	s15 =	simm.s32 $0x180;
	s7 =	rddreg [dreg:$0x6];
	[sflag:s13] =	ssyncadd.s32 $0xFFFFFF80  }
0x1b: {  	[tilespmem:s15], [sflag:$0x2] =	stream.linear.gather [hbm4b:s7+s2], $0x80, $0x38;
	[tilespmem:$0x10600] =	vst v63  }
0x1c: {  	_ =	swait.ge [sflag:s13], $0x80  }
0x1d: {  	[sflag:s13] =	ssyncset.done $0x0  }
0x1e: {  	[sflag:s13] =	ssyncadd.s32 $0xFFFFFF80  }
0x1f: {  	v0 =	vld [tilespmem:$0x0]  }
0x20: {  	v1 =	vld [tilespmem:$0x10]  }
0x21: {  	v2 =	vld [tilespmem:$0x20]  }
0x22: {  	v3 =	vld [tilespmem:$0x30]  }
0x23: {  	v4 =	vld [tilespmem:$0x40]  }
0x24: {  	v5 =	vld [tilespmem:$0x50];
	v0 =	vshrl.u32 v0, $0xC  }
0x25: {  	[tilespmem:$0x200] =	vst v0;
	v0 =	vshrl.u32 v1, $0xC;
	v1 =	vld [tilespmem:$0x60]  }
0x26: {  	[tilespmem:$0x210] =	vst v0;
	v0 =	vshrl.u32 v2, $0xC;
	v2 =	vld [tilespmem:$0x70]  }
0x27: {  	[tilespmem:$0x220] =	vst v0;
	v0 =	vshrl.u32 v3, $0xC;
	v3 =	vld [tilespmem:$0x80]  }
0x28: {  	[tilespmem:$0x230] =	vst v0;
	v0 =	vshrl.u32 v4, $0xC;
	v4 =	vld [tilespmem:$0x90]  }
0x29: {  	[tilespmem:$0x240] =	vst v0;
	v0 =	vshrl.u32 v5, $0xC;
	v5 =	vld [tilespmem:$0xA0]  }
0x2a: {  	[tilespmem:$0x250] =	vst v0;
	v0 =	vshrl.u32 v1, $0xC;
	v1 =	vld [tilespmem:$0xB0]  }
0x2b: {  	[tilespmem:$0x260] =	vst v0;
	v0 =	vshrl.u32 v2, $0xC;
	v2 =	vld [tilespmem:$0xC0]  }
0x2c: {  	[tilespmem:$0x270] =	vst v0;
	v0 =	vshrl.u32 v3, $0xC;
	v3 =	vld [tilespmem:$0xD0]  }
0x2d: {  	[tilespmem:$0x280] =	vst v0;
	v0 =	vshrl.u32 v4, $0xC;
	v4 =	vld [tilespmem:$0xE0]  }
0x2e: {  	[tilespmem:$0x290] =	vst v0;
	v0 =	vshrl.u32 v5, $0xC;
	v5 =	vld [tilespmem:$0xF0]  }
0x2f: {  	[tilespmem:$0x2A0] =	vst v0;
	v0 =	vshrl.u32 v1, $0xC;
	v1 =	vld [tilespmem:$0x100]  }
0x30: {  	[tilespmem:$0x2B0] =	vst v0;
	v0 =	vshrl.u32 v2, $0xC;
	v2 =	vld [tilespmem:$0x110]  }
0x31: {  	[tilespmem:$0x2C0] =	vst v0;
	v0 =	vshrl.u32 v3, $0xC;
	v3 =	vld [tilespmem:$0x120]  }
0x32: {  	[tilespmem:$0x2D0] =	vst v0;
	v0 =	vshrl.u32 v4, $0xC;
	v4 =	vld [tilespmem:$0x130]  }
0x33: {  	[tilespmem:$0x2E0] =	vst v0;
	v0 =	vshrl.u32 v5, $0xC;
	v5 =	vld [tilespmem:$0x140]  }
0x34: {  	[tilespmem:$0x2F0] =	vst v0;
	v0 =	vshrl.u32 v1, $0xC;
	v1 =	vld [tilespmem:$0x150]  }
0x35: {  	[tilespmem:$0x300] =	vst v0;
	v0 =	vshrl.u32 v2, $0xC;
	v2 =	vld [tilespmem:$0x160]  }
0x36: {  	[tilespmem:$0x310] =	vst v0;
	v0 =	vshrl.u32 v3, $0xC;
	v3 =	vld [tilespmem:$0x170]  }
0x37: {  	[tilespmem:$0x320] =	vst v0;
	v0 =	vshrl.u32 v4, $0xC;
	v4 =	vld [tilespmem:$0x180]  }
0x38: {  	[tilespmem:$0x330] =	vst v0;
	v0 =	vshrl.u32 v5, $0xC;
	v5 =	vld [tilespmem:$0x190]  }
0x39: {  	[tilespmem:$0x340] =	vst v0;
	v0 =	vshrl.u32 v1, $0xC;
	v1 =	vld [tilespmem:$0x1A0]  }
0x3a: {  	[tilespmem:$0x350] =	vst v0;
	v0 =	vshrl.u32 v2, $0xC;
	v2 =	vld [tilespmem:$0x1B0]  }
0x3b: {  	[tilespmem:$0x360] =	vst v0;
	v0 =	vshrl.u32 v3, $0xC;
	v3 =	vld [tilespmem:$0x1C0]  }
0x3c: {  	[tilespmem:$0x370] =	vst v0;
	v0 =	vshrl.u32 v4, $0xC;
	v4 =	vld [tilespmem:$0x1D0]  }
0x3d: {  	[tilespmem:$0x380] =	vst v0;
	v0 =	vshrl.u32 v5, $0xC;
	v5 =	vld [tilespmem:$0x1E0]  }
0x3e: {  	[tilespmem:$0x390] =	vst v0;
	v0 =	vshrl.u32 v1, $0xC;
	v1 =	vld [tilespmem:$0x1F0]  }
0x3f: {  	[tilespmem:$0x3A0] =	vst v0;
	v0 =	vshrl.u32 v2, $0xC  }
0x40: {  	[tilespmem:$0x3B0] =	vst v0;
	v0 =	vshrl.u32 v3, $0xC  }
0x41: {  	[tilespmem:$0x3C0] =	vst v0;
	v0 =	vshrl.u32 v4, $0xC  }
0x42: {  	[tilespmem:$0x3D0] =	vst v0;
	v0 =	vshrl.u32 v5, $0xC  }
0x43: {  	[tilespmem:$0x3E0] =	vst v0;
	v0 =	vshrl.u32 v1, $0xC  }
0x44: {  	s16 =	simm.s32 $0x200;
	s17 =	simm.s32 $0x400;
	[tilespmem:$0x3F0] =	vst v0  }
0x45: {  	[tilespmem:s17], [sflag:$0x1] =	stream.indirect.gather [hbm4b:s1+s14], $0x80, s16, s14, $0xb8;
	[tilespmem:$0x10600] =	vst v63  }
0x46: {  	s18 =	simm.s32 $0x280;
	s19 =	simm.s32 $0x4400  }
0x47: {  	[tilespmem:s19], [sflag:$0x1] =	stream.indirect.gather [hbm4b:s1+s14], $0x80, s18, s14, $0xb8;
	[tilespmem:$0x10600] =	vst v63  }
0x48: {  	s20 =	simm.s32 $0x300;
	s21 =	simm.s32 $0x8400  }
0x49: {  	[tilespmem:s21], [sflag:$0x1] =	stream.indirect.gather [hbm4b:s1+s14], $0x80, s20, s14, $0xb8;
	[tilespmem:$0x10600] =	vst v63  }
0x4a: {  	s22 =	simm.s32 $0x380;
	s23 =	simm.s32 $0xC400  }
0x4b: {  	[tilespmem:s23], [sflag:$0x1] =	stream.indirect.gather [hbm4b:s1+s14], $0x80, s22, s14, $0xb8;
	[tilespmem:$0x10600] =	vst v63  }
0x4c: {  	_ =	swait.ge [sflag:s25], $0x4000  }
0x4d: {  	[sflag:s25] =	ssyncset.done $0x0  }
0x4e: {  	[sflag:s25] =	ssyncadd.s32 $0xFFFFC000  }
0x4f: {  	_ =	swait.ge [sflag:s25], $0x4000  }
0x50: {  	[sflag:s25] =	ssyncset.done $0x0  }
0x51: {  	[sflag:s25] =	ssyncadd.s32 $0xFFFFC000  }
0x52: {  	_ =	swait.ge [sflag:s25], $0x4000  }
0x53: {  	[sflag:s25] =	ssyncset.done $0x0  }
0x54: {  	[sflag:s25] =	ssyncadd.s32 $0xFFFFC000  }
0x55: {  	s24 =	sand.u32 $0x70, s2;
	_ =	swait.ge [sflag:s25], $0x4000  }
0x56: {  	s26 =	simm.s32 $0x0;
	s4 =	simm.s32 $0x0;
	[sflag:s25] =	ssyncset.done $0x0  }
0x57: {  	s0 =	sor.u32 s24, s26;
	s3 =	sshll.u32 s24, $0x7;
	[sflag:s25] =	ssyncadd.s32 $0xFFFFC000  }
0x58: {  	s3 =	sor.u32 s3, s4;
	v20 =	vld [tilespmem:s0+$0x0]  }
0x59: {  	v3 =	vld [tilespmem:s3+$0xBE0]  }
0x5a: {  	v33 =	vld [tilespmem:s3+$0xB60]  }
0x5b: {  	v58 =	vld [tilespmem:s3+$0xBD0]  }
0x5c: {  	v30 =	vld [tilespmem:s3+$0xAE0]  }
0x5d: {  	v40 =	vld [tilespmem:s3+$0xB50]  }
0x5e: {  	v13 =	vld [tilespmem:s3+$0xBC0]  }
0x5f: {  	v36 =	vld [tilespmem:s3+$0xA60]  }
0x60: {  	v39 =	vld [tilespmem:s3+$0xAD0]  }
0x61: {  	v48 =	vld [tilespmem:s3+$0xB40]  }
0x62: {  	v42 =	vld [tilespmem:s3+$0xBB0]  }
0x63: {  	v0 =	vld [tilespmem:s3+$0x9E0]  }
0x64: {  	v44 =	vld [tilespmem:s3+$0xA50]  }
0x65: {  	v49 =	vld [tilespmem:s3+$0xAC0]  }
0x66: {  	v56 =	vld [tilespmem:s3+$0xB30]  }
0x67: {  	v16 =	vld [tilespmem:s3+$0xBA0]  }
0x68: {  	v25 =	vld [tilespmem:s3+$0x9D0]  }
0x69: {  	v52 =	vld [tilespmem:s3+$0xA40]  }
0x6a: {  	[tilespmem:$0x1FEB0] =	vst v0;
	v0 =	vld [tilespmem:s3+$0x960]  }
0x6b: {  	v57 =	vld [tilespmem:s3+$0xAB0]  }
0x6c: {  	v63 =	vld [tilespmem:s3+$0xB20]  }
0x6d: {  	v17 =	vld [tilespmem:s3+$0xB90]  }
0x6e: {  	v26 =	vld [tilespmem:s3+$0x950]  }
0x6f: {  	[tilespmem:$0x1FEC0] =	vst v0;
	v0 =	vld [tilespmem:s3+$0x8E0]  }
0x70: {  	v31 =	vld [tilespmem:s3+$0x9C0]  }
0x71: {  	v59 =	vld [tilespmem:s3+$0xA30]  }
0x72: {  	v1 =	vld [tilespmem:s3+$0xAA0]  }
0x73: {  	v18 =	vld [tilespmem:s3+$0xB10]  }
0x74: {  	[tilespmem:$0x1FED0] =	vst v0;
	v0 =	vld [tilespmem:s3+$0x860]  }
0x75: {  	v9 =	vld [tilespmem:s3+$0xB80]  }
0x76: {  	v29 =	vld [tilespmem:s3+$0x8D0]  }
0x77: {  	v34 =	vld [tilespmem:s3+$0x940]  }
0x78: {  	v43 =	vld [tilespmem:s3+$0x9B0]  }
0x79: {  	[tilespmem:$0x1FEE0] =	vst v0;
	v0 =	vld [tilespmem:s3+$0x7E0]  }
0x7a: {  	v5 =	vld [tilespmem:s3+$0xA20]  }
0x7b: {  	v6 =	vld [tilespmem:s3+$0xA90]  }
0x7c: {  	v19 =	vld [tilespmem:s3+$0xB00]  }
0x7d: {  	v41 =	vld [tilespmem:s3+$0x8C0]  }
0x7e: {  	[tilespmem:$0x1FEF0] =	vst v0;
	v0 =	vld [tilespmem:s3+$0x850]  }
0x7f: {  	v45 =	vld [tilespmem:s3+$0x930]  }
0x80: {  	v53 =	vld [tilespmem:s3+$0x9A0]  }
0x81: {  	v10 =	vld [tilespmem:s3+$0xA10]  }
0x82: {  	v12 =	vld [tilespmem:s3+$0xA80]  }
0x83: {  	[tilespmem:$0x1FF00] =	vst v0;
	v0 =	vld [tilespmem:s3+$0x760]  }
0x84: {  	v23 =	vld [tilespmem:s3+$0x840]  }
0x85: {  	v51 =	vld [tilespmem:s3+$0x8B0]  }
0x86: {  	v55 =	vld [tilespmem:s3+$0x920]  }
0x87: {  	v2 =	vld [tilespmem:s3+$0x6E0]  }
0x88: {  	[tilespmem:$0x1FF10] =	vst v0;
	v0 =	vld [tilespmem:s3+$0x7D0]  }
0x89: {  	v4 =	vld [tilespmem:s3+$0x5F0]  }
0x8a: {  	v61 =	vld [tilespmem:s3+$0x990]  }
0x8b: {  	v15 =	vld [tilespmem:s3+$0xA00]  }
0x8c: {  	v22 =	vld [tilespmem:s3+$0x750];
	[tilespmem:$0x1FF30] =	vst v2  }
0x8d: {  	v27 =	vld [tilespmem:s3+$0x7C0];
	[tilespmem:$0x1FF20] =	vst v0;
	v0 =	vshrl.u32 v20, $0x7  }
0x8e: {  	[tilespmem:$0x1FF50] =	vst v4;
	v4 =	vld [tilespmem:s3+$0x6D0];
	v2 =	vand.u32 $0x7, v0  }
0x8f: {  	v32 =	vld [tilespmem:s3+$0x830];
	(v2sf) =	vpush v2, $0xF  }
0x90: {  	v62 =	vld [tilespmem:s3+$0x8A0];
	(v2sf) =	vpush v2, $0xE  }
0x91: {  	v7 =	vld [tilespmem:s3+$0x980];
	(v2sf) =	vpush v2, $0xD  }
0x92: {  	v35 =	vld [tilespmem:s3+$0x740];
	(v2sf) =	vpush v2, $0xC  }
0x93: {  	[tilespmem:$0x1FF60] =	vst v4;
	v4 =	vld [tilespmem:s3+$0x5E0];
	(v2sf) =	vpush v2, $0xB  }
0x94: {  	v38 =	vld [tilespmem:s3+$0x7B0];
	(v2sf) =	vpush v2, $0xA  }
0x95: {  	v47 =	vld [tilespmem:s3+$0x820];
	(v2sf) =	vpush v2, $0x9  }
0x96: {  	v8 =	vld [tilespmem:s3+$0x890];
	(v2sf) =	vpush v2, $0x8  }
0x97: {  	v11 =	vld [tilespmem:s3+$0x900];
	(v2sf) =	vpush v2, $0x7  }
0x98: {  	[tilespmem:$0x1FF70] =	vst v4;
	v4 =	vld [tilespmem:s3+$0x650];
	(v2sf) =	vpush v2, $0x6  }
0x99: {  	v50 =	vld [tilespmem:s3+$0x730];
	(v2sf) =	vpush v2, $0x5  }
0x9a: {  	v54 =	vld [tilespmem:s3+$0x7A0];
	(v2sf) =	vpush v2, $0x4  }
0x9b: {  	v60 =	vld [tilespmem:s3+$0x810];
	(v2sf) =	vpush v2, $0x3  }
0x9c: {  	v14 =	vld [tilespmem:s3+$0x880];
	(v2sf) =	vpush v2, $0x2  }
0x9d: {  	[tilespmem:$0x1FF80] =	vst v4;
	v4 =	vld [tilespmem:s3+$0x6C0];
	(v2sf) =	vpush v2, $0x0  }
0x9e: {  	v24 =	vld [tilespmem:s3+$0x5D0];
	(v2sf) =	vpush v2, $0x1;
	s15 =	spop (v2sf)  }
0x9f: {  	v28 =	vld [tilespmem:s3+$0x640];
	s16 =	spop (v2sf)  }
0xa0: {  	v37 =	vld [tilespmem:s3+$0x6B0];
	s17 =	spop (v2sf)  }
0xa1: {  	v21 =	vld [tilespmem:s3+$0x460];
	s18 =	spop (v2sf)  }
0xa2: {  	[tilespmem:$0x1FF90] =	vst v4;
	v4 =	vld [tilespmem:s3+$0x790];
	s19 =	spop (v2sf)  }
0xa3: {  	v2 =	vld [tilespmem:s3+$0x470];
	p0 =	seq.s32 s15, $0x0;
	s20 =	spop (v2sf)  }
0xa4: {  	[tilespmem:$0x1FF40] =	vst v0;
	v0 =	vld [tilespmem:s3+$0x910];
	p6 =	seq.s32 s15, $0x1;
	v46 =	vpsel !p0, $0x0, v9;
	s21 =	spop (v2sf)  }
0xa5: {  	p1 =	seq.s32 s15, $0x2;
	v9 =	vld [tilespmem:s3+$0x800];
	v17 =	vpsel p6, v17, v46;
	s22 =	spop (v2sf)  }
0xa6: {  	v16 =	vpsel p1, v16, v17;
	v17 =	vld [tilespmem:s3+$0x4E0];
	s23 =	spop (v2sf)  }
0xa7: {  	s28 =	simm.s32 $0x1;
	p2 =	seq.s32 s15, $0x3;
	v46 =	vld [tilespmem:s3+$0x630];
	s24 =	spop (v2sf)  }
0xa8: {  	s29 =	simm.s32 $0x0;
	p3 =	seq.s32 s15, $0x4;
	[tilespmem:$0x1FFA0] =	vst v2;
	v2 =	vld [tilespmem:s3+$0x4F0];
	v16 =	vpsel p2, v42, v16;
	s26 =	spop (v2sf)  }
0xa9: {  	[tilespmem:$0x1FFC0] =	vst v21;
	p4 =	seq.s32 s15, $0x6;
	p1 =	seq.s32 s15, $0x5;
	v42 =	vld [tilespmem:s3+$0x5C0];
	v13 =	vpsel p3, v13, v16;
	s30 =	spop (v2sf)  }
0xaa: {  	[tilespmem:$0x1FFF0] =	vst v20;
	p5 =	seq.s32 s16, $0x1;
	p6 =	seq.s32 s18, $0x0;
	v13 =	vpsel p1, v58, v13;
	v58 =	vld [tilespmem:s3+$0x6A0];
	s4 =	spop (v2sf)  }
0xab: {  	p2 =	seq.s32 s16, $0x2;
	p3 =	seq.s32 s16, $0x0;
	v3 =	vpsel p4, v3, v13;
	v13 =	vld [tilespmem:s3+$0x710];
	[tilespmem:$0x1FFD0] =	vst v17;
	s5 =	spop (v2sf)  }
0xac: {  	p1 =	seq.s32 s16, $0x3;
	v16 =	vpsel !p3, $0x0, v19;
	p4 =	seq.s32 s17, $0x0;
	[tilespmem:$0x1FFE0] =	vst v3;
	v3 =	vshrl.u32 v20, $0x3;
	v17 =	vpsel !p6, $0x0, v15;
	v15 =	vld [tilespmem:s3+$0x780];
	s6 =	spop (v2sf)  }
0xad: {  	p3 =	seq.s32 s18, $0x1;
	v16 =	vpsel p5, v18, v16;
	v18 =	vpsel !p4, $0x0, v12;
	p4 =	seq.s32 s17, $0x1;
	[tilespmem:$0x1FFB0] =	vst v2;
	v2 =	vld [tilespmem:s3+$0x720];
	v3 =	vand.u32 $0xF, v3;
	s7 =	spop (v2sf)  }
.LBB2_2:
0xae: {  	p5 =	seq.s32 s18, $0x2;
	p6 =	seq.s32 s17, $0x2;
	v17 =	vpsel p3, v10, v17;
	v6 =	vpsel p4, v6, v18  }
0xaf: {  	v16 =	vpsel p2, v63, v16;
	p3 =	seq.s32 s18, $0x3;
	v5 =	vpsel p5, v5, v17;
	v1 =	vpsel p6, v1, v6;
	p5 =	seq.s32 s17, $0x3  }
0xb0: {  	p4 =	seq.s32 s18, $0x4;
	v6 =	vpsel p1, v56, v16;
	p6 =	seq.s32 s16, $0x4;
	p1 =	seq.s32 s21, $0x0;
	v5 =	vpsel p3, v59, v5;
	v1 =	vpsel p5, v57, v1  }
0xb1: {  	p2 =	seq.s32 s18, $0x5;
	p5 =	seq.s32 s17, $0x4;
	v6 =	vpsel p6, v48, v6;
	p6 =	seq.s32 s16, $0x5;
	v14 =	vpsel !p1, $0x0, v14;
	v5 =	vpsel p4, v52, v5  }
0xb2: {  	v1 =	vpsel p5, v49, v1;
	p4 =	seq.s32 s17, $0x5;
	v6 =	vpsel p6, v40, v6;
	p5 =	seq.s32 s16, $0x6;
	p6 =	seq.s32 s19, $0x0;
	v5 =	vpsel p2, v44, v5  }
0xb3: {  	p3 =	seq.s32 s17, $0x6;
	p2 =	seq.s32 s18, $0x6;
	v17 =	vpsel p4, v39, v1;
	v1 =	vpsel p5, v33, v6;
	p5 =	seq.s32 s20, $0x0;
	v7 =	vpsel !p6, $0x0, v7  }
0xb4: {  	p6 =	seq.s32 s19, $0x1;
	v6 =	vpsel p2, v36, v5;
	v5 =	vpsel p3, v30, v17;
	p3 =	seq.s32 s21, $0x1;
	v17 =	vpsel !p5, $0x0, v11;
	p5 =	seq.s32 s20, $0x1  }
0xb5: {  	p4 =	seq.s32 s21, $0x2;
	v7 =	vpsel p6, v61, v7;
	p6 =	seq.s32 s19, $0x2;
	v8 =	vpsel p3, v8, v14;
	v0 =	vpsel p5, v0, v17;
	p5 =	seq.s32 s20, $0x2  }
0xb6: {  	v7 =	vpsel p6, v53, v7;
	p6 =	seq.s32 s19, $0x3;
	v8 =	vpsel p4, v62, v8;
	p4 =	seq.s32 s21, $0x3;
	v0 =	vpsel p5, v55, v0;
	p5 =	seq.s32 s20, $0x3  }
0xb7: {  	v7 =	vpsel p6, v43, v7;
	p6 =	seq.s32 s19, $0x4;
	v8 =	vpsel p4, v51, v8;
	p4 =	seq.s32 s21, $0x4;
	v0 =	vpsel p5, v45, v0;
	p5 =	seq.s32 s20, $0x4  }
0xb8: {  	v7 =	vpsel p6, v31, v7;
	p6 =	seq.s32 s19, $0x5;
	v8 =	vpsel p4, v41, v8;
	v0 =	vpsel p5, v34, v0;
	p4 =	seq.s32 s20, $0x5  }
0xb9: {  	v7 =	vpsel p6, v25, v7;
	v25 =	vpsel p4, v26, v0;
	v0 =	vld [tilespmem:$0x1FEB0]  }
0xba: {  	v19 =	vld [tilespmem:s3+$0x700];
	_ =	sdelay $0x1  }
0xbb: {  	v21 =	vld [tilespmem:s3+$0x590]  }
0xbc: {  	v20 =	vld [tilespmem:$0x1FF00];
	p5 =	seq.s32 s19, $0x6  }
0xbd: {  	p3 =	seq.s32 s24, $0x0;
	v0 =	vpsel p5, v0, v7;
	v7 =	vld [tilespmem:$0x1FED0]  }
0xbe: {  	v10 =	vld [tilespmem:s3+$0x4D0];
	v19 =	vpsel !p3, $0x0, v19;
	p3 =	seq.s32 s24, $0x1  }
0xbf: {  	v18 =	vld [tilespmem:s3+$0x690];
	v13 =	vpsel p3, v13, v19;
	p4 =	seq.s32 s24, $0x2  }
0xc0: {  	v63 =	vld [tilespmem:s3+$0x610];
	p1 =	seq.s32 s21, $0x5;
	v2 =	vpsel p4, v2, v13;
	p4 =	seq.s32 s24, $0x3  }
0xc1: {  	v16 =	vld [tilespmem:s3+$0x5B0];
	v8 =	vpsel p1, v29, v8;
	p1 =	seq.s32 s21, $0x6;
	v2 =	vpsel p4, v50, v2;
	p4 =	seq.s32 s24, $0x4  }
0xc2: {  	v59 =	vld [tilespmem:s3+$0x620];
	v2 =	vpsel p4, v35, v2;
	p5 =	seq.s32 s23, $0x0;
	v8 =	vpsel p1, v7, v8;
	p1 =	seq.s32 s24, $0x5  }
0xc3: {  	v15 =	vpsel !p5, $0x0, v15;
	p5 =	seq.s32 s23, $0x1;
	v22 =	vpsel p1, v22, v2;
	v2 =	vld [tilespmem:$0x1FF20]  }
0xc4: {  	v11 =	vld [tilespmem:s3+$0x4C0];
	v4 =	vpsel p5, v4, v15;
	p5 =	seq.s32 s23, $0x2  }
0xc5: {  	v61 =	vld [tilespmem:s3+$0x5A0];
	v4 =	vpsel p5, v54, v4;
	p5 =	seq.s32 s23, $0x3  }
0xc6: {  	v14 =	vld [tilespmem:s3+$0x430];
	p6 =	seq.s32 s22, $0x0;
	v4 =	vpsel p5, v38, v4;
	p5 =	seq.s32 s23, $0x4  }
0xc7: {  	v9 =	vpsel !p6, $0x0, v9;
	p6 =	seq.s32 s22, $0x1;
	p4 =	seq.s32 s23, $0x5;
	v15 =	vld [tilespmem:s3+$0x580];
	v4 =	vpsel p5, v27, v4  }
0xc8: {  	v9 =	vpsel p6, v60, v9;
	p6 =	seq.s32 s22, $0x2;
	v4 =	vpsel p4, v2, v4;
	v2 =	vld [tilespmem:$0x1FEE0]  }
0xc9: {  	v9 =	vpsel p6, v47, v9;
	p6 =	seq.s32 s22, $0x3;
	v7 =	vld [tilespmem:$0x1FEC0]  }
0xca: {  	v17 =	vld [tilespmem:s3+$0x4B0];
	v9 =	vpsel p6, v32, v9;
	p6 =	seq.s32 s22, $0x4  }
0xcb: {  	v31 =	vld [tilespmem:s3+$0x680];
	v9 =	vpsel p6, v23, v9;
	p6 =	seq.s32 s22, $0x5  }
0xcc: {  	v19 =	vld [tilespmem:s3+$0x4A0];
	v9 =	vpsel p6, v20, v9;
	p5 =	seq.s32 s22, $0x6  }
0xcd: {  	p2 =	seq.s32 s20, $0x6;
	p3 =	seq.s32 s4, $0x0;
	v2 =	vpsel p5, v2, v9;
	v9 =	vld [tilespmem:$0x1FF10]  }
0xce: {  	v15 =	vpsel !p3, $0x0, v15;
	p3 =	seq.s32 s4, $0x1;
	v7 =	vpsel p2, v7, v25;
	v25 =	vld [tilespmem:s3+$0x600]  }
0xcf: {  	v26 =	vld [tilespmem:s3+$0x490];
	v15 =	vpsel p3, v21, v15;
	p4 =	seq.s32 s4, $0x2  }
0xd0: {  	v20 =	vld [tilespmem:$0x1FEF0];
	v15 =	vpsel p4, v61, v15;
	p4 =	seq.s32 s4, $0x3  }
0xd1: {  	v29 =	vld [tilespmem:s3+$0x510];
	p1 =	seq.s32 s24, $0x6;
	v15 =	vpsel p4, v16, v15;
	p4 =	seq.s32 s4, $0x4  }
0xd2: {  	v23 =	vld [tilespmem:s3+$0x410];
	p6 =	seq.s32 s26, $0x0;
	v15 =	vpsel p4, v42, v15;
	p5 =	seq.s32 s30, $0x0;
	v9 =	vpsel p1, v9, v22;
	p1 =	seq.s32 s4, $0x5  }
0xd3: {  	v27 =	vpsel !p6, $0x0, v31;
	p6 =	seq.s32 s26, $0x1;
	v25 =	vpsel !p5, $0x0, v25;
	p5 =	seq.s32 s30, $0x1;
	v15 =	vpsel p1, v24, v15;
	v24 =	vld [tilespmem:$0x1FF80]  }
0xd4: {  	v18 =	vpsel p6, v18, v27;
	v27 =	vld [tilespmem:s3+$0x480];
	p2 =	seq.s32 s23, $0x6;
	v21 =	vpsel p5, v63, v25;
	p5 =	seq.s32 s30, $0x2  }
0xd5: {  	v4 =	vpsel p2, v20, v4;
	v20 =	vld [tilespmem:$0x1FF90];
	v21 =	vpsel p5, v59, v21;
	p5 =	seq.s32 s30, $0x3  }
0xd6: {  	v16 =	vpsel p5, v46, v21;
	p5 =	seq.s32 s30, $0x4;
	v21 =	vld [tilespmem:$0x1FF60]  }
0xd7: {  	p2 =	seq.s32 s30, $0x5;
	v22 =	vld [tilespmem:s3+$0x400];
	v16 =	vpsel p5, v28, v16  }
0xd8: {  	p6 =	seq.s32 s26, $0x2;
	v16 =	vpsel p2, v24, v16;
	v24 =	vld [tilespmem:$0x1FF30]  }
0xd9: {  	v18 =	vpsel p6, v58, v18;
	p6 =	seq.s32 s26, $0x3;
	v25 =	vld [tilespmem:s3+$0x500]  }
0xda: {  	v13 =	vld [tilespmem:s3+$0x420];
	v18 =	vpsel p6, v37, v18;
	p6 =	seq.s32 s26, $0x4  }
0xdb: {  	v18 =	vpsel p6, v20, v18;
	p6 =	seq.s32 s26, $0x5;
	v20 =	vld [tilespmem:s3+$0x520]  }
0xdc: {  	p4 =	seq.s32 s26, $0x6;
	p5 =	seq.s32 s6, $0x0;
	v18 =	vpsel p6, v21, v18;
	p6 =	seq.s32 s7, $0x0;
	v21 =	vld [tilespmem:s3+$0x530]  }
0xdd: {  	v22 =	vpsel !p5, $0x0, v22;
	p5 =	seq.s32 s7, $0x1;
	v18 =	vpsel p4, v24, v18;
	p4 =	seq.s32 s6, $0x1;
	v24 =	vpsel !p6, $0x0, v27;
	p6 =	seq.s32 s5, $0x0;
	v27 =	vld [tilespmem:s3+$0x540]  }
0xde: {  	p3 =	seq.s32 s7, $0x2;
	p2 =	seq.s32 s6, $0x2;
	v22 =	vpsel p4, v23, v22;
	v23 =	vpsel p5, v26, v24;
	v24 =	vpsel !p6, $0x0, v25;
	p5 =	seq.s32 s5, $0x1  }
0xdf: {  	v12 =	vld [tilespmem:s3+$0x450];
	p6 =	seq.s32 s6, $0x3;
	p4 =	seq.s32 s7, $0x3;
	v13 =	vpsel p2, v13, v22;
	v19 =	vpsel p3, v19, v23;
	v22 =	vpsel p5, v29, v24;
	p5 =	seq.s32 s5, $0x2  }
0xe0: {  	v30 =	vld [tilespmem:s3+$0x440];
	v13 =	vpsel p6, v14, v13;
	v14 =	vpsel p4, v17, v19;
	p4 =	seq.s32 s7, $0x4;
	v17 =	vpsel p5, v20, v22;
	p5 =	seq.s32 s5, $0x3  }
0xe1: {  	v28 =	vld [tilespmem:$0x1FF70];
	v11 =	vpsel p4, v11, v14;
	p4 =	seq.s32 s7, $0x5;
	v14 =	vpsel p5, v21, v17;
	p5 =	seq.s32 s5, $0x4  }
0xe2: {  	v10 =	vpsel p4, v10, v11;
	v11 =	vpsel p5, v27, v14;
	v14 =	vld [tilespmem:$0x1FFC0]  }
0xe3: {  	v20 =	vld [tilespmem:$0x1FFA0]  }
0xe4: {  	v25 =	vld [tilespmem:s3+$0x550];
	p6 =	seq.s32 s6, $0x4  }
0xe5: {  	v23 =	vld [tilespmem:s3+$0x560];
	v13 =	vpsel p6, v30, v13;
	p6 =	seq.s32 s6, $0x5  }
0xe6: {  	v19 =	vld [tilespmem:s3+$0x570];
	v12 =	vpsel p6, v12, v13;
	p6 =	seq.s32 s6, $0x6  }
0xe7: {  	v12 =	vpsel p6, v14, v12;
	p6 =	seq.s32 s6, $0x7;
	v14 =	vld [tilespmem:$0x1FFD0]  }
0xe8: {  	v12 =	vpsel p6, v20, v12;
	v20 =	vld [tilespmem:$0x1FFB0]  }
0xe9: {  	v17 =	vld [tilespmem:s3+$0x660]  }
0xea: {  	v21 =	vld [tilespmem:$0x1FF50]  }
0xeb: {  	p4 =	seq.s32 s7, $0x6;
	p5 =	seq.s32 s5, $0x5;
	v13 =	vld [tilespmem:s3+$0x670]  }
0xec: {  	p1 =	seq.s32 s4, $0x6;
	v11 =	vpsel p5, v25, v11;
	p5 =	seq.s32 s5, $0x6;
	v10 =	vpsel p4, v14, v10;
	p4 =	seq.s32 s7, $0x7;
	v14 =	vld [tilespmem:s3+$0x6F0]  }
0xed: {  	v15 =	vpsel p1, v28, v15;
	v11 =	vpsel p5, v23, v11;
	p6 =	seq.s32 s5, $0x7;
	v10 =	vpsel p4, v20, v10;
	v20 =	vld [tilespmem:s3+$0x770]  }
0xee: {  	p2 =	seq.s32 s4, $0x7;
	p3 =	seq.s32 s30, $0x6;
	v12 =	vperm.xlane v12, v3;
	v11 =	vpsel p6, v19, v11;
	v19 =	vld [tilespmem:s3+$0x7F0];
	v10 =	vperm.xlane v10, v3  }
0xef: {  	v15 =	vpsel p2, v21, v15;
	v16 =	vpsel p3, v17, v16;
	v17 =	vld [tilespmem:s3+$0x870];
	v11 =	vperm.xlane v11, v3;
	p4 =	seq.s32 s30, $0x7  }
0xf0: {  	p5 =	seq.s32 s26, $0x7;
	v13 =	vpsel p4, v13, v16;
	v10 =	vsel vm0, v12, v10;
	v12 =	vperm.xlane v15, v3;
	v15 =	vld [tilespmem:s3+$0x8F0]  }
0xf1: {  	p6 =	seq.s32 s24, $0x7;
	v10 =	vsel vm1, v10, v11;
	v11 =	vperm.xlane v13, v3;
	v13 =	vpsel p5, v14, v18;
	v14 =	vld [tilespmem:s3+$0x970]  }
0xf2: {  	p2 =	seq.s32 s23, $0x7;
	v10 =	vsel vm2, v10, v12;
	v12 =	vperm.xlane v13, v3;
	v9 =	vpsel p6, v20, v9;
	v13 =	vld [tilespmem:s3+$0x9F0]  }
0xf3: {  	p3 =	seq.s32 s22, $0x7;
	v4 =	vpsel p2, v19, v4;
	v10 =	vsel vm3, v10, v11;
	v9 =	vperm.xlane v9, v3;
	v11 =	vld [tilespmem:s3+$0xA70]  }
0xf4: {  	v2 =	vpsel p3, v17, v2;
	p4 =	seq.s32 s21, $0x7;
	v4 =	vperm.xlane v4, v3;
	v10 =	vsel vm4, v10, v12  }
0xf5: {  	v2 =	vperm.xlane v2, v3;
	p5 =	seq.s32 s20, $0x7;
	v9 =	vsel vm5, v10, v9;
	v8 =	vpsel p4, v15, v8  }
0xf6: {  	p6 =	seq.s32 s19, $0x7;
	v4 =	vsel vm6, v9, v4;
	v8 =	vperm.xlane v8, v3;
	v7 =	vpsel p5, v14, v7  }
0xf7: {  	p2 =	seq.s32 s18, $0x7;
	v12 =	vld [tilespmem:s3+$0xAF0];
	v2 =	vsel vm7, v4, v2;
	v4 =	vperm.xlane v7, v3;
	v0 =	vpsel p6, v13, v0  }
0xf8: {  	v10 =	vld [tilespmem:s3+$0xB70];
	v2 =	vsel vm8, v2, v8;
	v0 =	vperm.xlane v0, v3;
	v6 =	vpsel p2, v11, v6  }
0xf9: {  	v2 =	vsel vm9, v2, v4;
	v4 =	vperm.xlane v6, v3  }
0xfa: {  	v9 =	vld [tilespmem:s3+$0xBF0];
	v0 =	vsel vm10, v2, v0  }
0xfb: {  	p3 =	seq.s32 s17, $0x7;
	v0 =	vsel vm11, v0, v4;
	v4 =	vld [tilespmem:$0x1FFE0]  }
0xfc: {  	p4 =	seq.s32 s16, $0x7;
	v5 =	vpsel p3, v12, v5  }
0xfd: {  	v2 =	vperm.xlane v5, v3;
	v1 =	vpsel p4, v10, v1  }
0xfe: {  	v1 =	vperm.xlane v1, v3  }
0xff: {  	p5 =	seq.s32 s15, $0x7;
	v0 =	vsel vm12, v0, v2  }
0x100: {  	v0 =	vsel vm13, v0, v1;
	v1 =	vld [tilespmem:$0x1FF40];
	v4 =	vpsel p5, v9, v4  }
0x101: {  	v2 =	vperm.xlane v4, v3;
	v3 =	vld [tilespmem:$0x1FFF0];
	_ =	sdelay $0x4  }
0x102: {  	v1 =	vand.u32 $0x18, v1;
	v3 =	vand.u32 $0x7, v3  }
0x103: {  	s29 =	sadd.s32 $0x10, s29;
	s23 =	sshrl.u32 s28, $0x3;
	v0 =	vsel vm14, v0, v2;
	v1 =	vor.u32 v3, v1  }
0x104: {  	s26 =	sshll.u32 s23, $0x7;
	s24 =	sand.u32 $0x70, s29;
	s3 =	sshll.u32 s23, $0x10;
	v0 =	vshrl.u32 v0, v1  }
0x105: {  	s5 =	sor.u32 s24, s26;
	s4 =	sshll.u32 s24, $0x7;
	s3 =	sshra.s32 s3, $0x2;
	v0 =	vand.u32 $0x1, v0  }
0x106: {  	v20 =	vld [tilespmem:s5+$0x0];
	s3 =	sor.u32 s4, s3;
	[tilespmem:s0+$0x10400] =	vst v0  }
0x107: {  	v12 =	vld [tilespmem:s3+$0xBE0]  }
0x108: {  	v33 =	vld [tilespmem:s3+$0xB60]  }
0x109: {  	v3 =	vld [tilespmem:s3+$0xBD0]  }
0x10a: {  	v30 =	vld [tilespmem:s3+$0xAE0]  }
0x10b: {  	v40 =	vld [tilespmem:s3+$0xB50]  }
0x10c: {  	v13 =	vld [tilespmem:s3+$0xBC0]  }
0x10d: {  	v36 =	vld [tilespmem:s3+$0xA60]  }
0x10e: {  	v39 =	vld [tilespmem:s3+$0xAD0]  }
0x10f: {  	v48 =	vld [tilespmem:s3+$0xB40]  }
0x110: {  	v15 =	vld [tilespmem:s3+$0xBB0]  }
0x111: {  	v0 =	vld [tilespmem:s3+$0x9E0]  }
0x112: {  	v44 =	vld [tilespmem:s3+$0xA50]  }
0x113: {  	v49 =	vld [tilespmem:s3+$0xAC0]  }
0x114: {  	v56 =	vld [tilespmem:s3+$0xB30]  }
0x115: {  	v42 =	vld [tilespmem:s3+$0xBA0]  }
0x116: {  	v25 =	vld [tilespmem:s3+$0x9D0]  }
0x117: {  	v52 =	vld [tilespmem:s3+$0xA40]  }
0x118: {  	[tilespmem:$0x1FEB0] =	vst v0;
	v0 =	vld [tilespmem:s3+$0x960]  }
0x119: {  	v57 =	vld [tilespmem:s3+$0xAB0]  }
0x11a: {  	v63 =	vld [tilespmem:s3+$0xB20]  }
0x11b: {  	v46 =	vld [tilespmem:s3+$0xB90]  }
0x11c: {  	v26 =	vld [tilespmem:s3+$0x950]  }
0x11d: {  	[tilespmem:$0x1FEC0] =	vst v0;
	v0 =	vld [tilespmem:s3+$0x8E0]  }
0x11e: {  	v31 =	vld [tilespmem:s3+$0x9C0]  }
0x11f: {  	v59 =	vld [tilespmem:s3+$0xA30]  }
0x120: {  	v1 =	vld [tilespmem:s3+$0xAA0]  }
0x121: {  	v16 =	vld [tilespmem:s3+$0xB10]  }
0x122: {  	[tilespmem:$0x1FED0] =	vst v0;
	v0 =	vld [tilespmem:s3+$0x860]  }
0x123: {  	v58 =	vld [tilespmem:s3+$0xB80]  }
0x124: {  	v29 =	vld [tilespmem:s3+$0x8D0]  }
0x125: {  	v34 =	vld [tilespmem:s3+$0x940]  }
0x126: {  	v43 =	vld [tilespmem:s3+$0x9B0]  }
0x127: {  	[tilespmem:$0x1FEE0] =	vst v0;
	v0 =	vld [tilespmem:s3+$0x7E0]  }
0x128: {  	v5 =	vld [tilespmem:s3+$0xA20]  }
0x129: {  	v6 =	vld [tilespmem:s3+$0xA90]  }
0x12a: {  	v17 =	vld [tilespmem:s3+$0xB00]  }
0x12b: {  	v41 =	vld [tilespmem:s3+$0x8C0]  }
0x12c: {  	[tilespmem:$0x1FEF0] =	vst v0;
	v0 =	vld [tilespmem:s3+$0x850]  }
0x12d: {  	v45 =	vld [tilespmem:s3+$0x930]  }
0x12e: {  	v53 =	vld [tilespmem:s3+$0x9A0]  }
0x12f: {  	v10 =	vld [tilespmem:s3+$0xA10]  }
0x130: {  	v18 =	vld [tilespmem:s3+$0xA80]  }
0x131: {  	[tilespmem:$0x1FF00] =	vst v0;
	v0 =	vld [tilespmem:s3+$0x760]  }
0x132: {  	v23 =	vld [tilespmem:s3+$0x840]  }
0x133: {  	v51 =	vld [tilespmem:s3+$0x8B0]  }
0x134: {  	v55 =	vld [tilespmem:s3+$0x920]  }
0x135: {  	v61 =	vld [tilespmem:s3+$0x990]  }
0x136: {  	[tilespmem:$0x1FF10] =	vst v0;
	v0 =	vld [tilespmem:s3+$0x7D0]  }
0x137: {  	v2 =	vld [tilespmem:s3+$0x6E0]  }
0x138: {  	v19 =	vld [tilespmem:s3+$0xA00]  }
0x139: {  	v22 =	vld [tilespmem:s3+$0x750]  }
0x13a: {  	v4 =	vld [tilespmem:s3+$0x5F0]  }
0x13b: {  	v27 =	vld [tilespmem:s3+$0x7C0];
	[tilespmem:$0x1FF20] =	vst v0;
	v0 =	vshrl.u32 v20, $0x7  }
0x13c: {  	v32 =	vld [tilespmem:s3+$0x830];
	[tilespmem:$0x1FF30] =	vst v2;
	v2 =	vand.u32 $0x7, v0  }
0x13d: {  	v62 =	vld [tilespmem:s3+$0x8A0];
	(v2sf) =	vpush v2, $0xF  }
0x13e: {  	v7 =	vld [tilespmem:s3+$0x980];
	(v2sf) =	vpush v2, $0xE  }
0x13f: {  	[tilespmem:$0x1FF50] =	vst v4;
	v4 =	vld [tilespmem:s3+$0x6D0];
	(v2sf) =	vpush v2, $0xD  }
0x140: {  	v35 =	vld [tilespmem:s3+$0x740];
	(v2sf) =	vpush v2, $0xC  }
0x141: {  	v38 =	vld [tilespmem:s3+$0x7B0];
	(v2sf) =	vpush v2, $0xB  }
0x142: {  	v47 =	vld [tilespmem:s3+$0x820];
	(v2sf) =	vpush v2, $0xA  }
0x143: {  	v8 =	vld [tilespmem:s3+$0x890];
	(v2sf) =	vpush v2, $0x9  }
0x144: {  	[tilespmem:$0x1FF60] =	vst v4;
	v4 =	vld [tilespmem:s3+$0x5E0];
	(v2sf) =	vpush v2, $0x8  }
0x145: {  	v11 =	vld [tilespmem:s3+$0x900];
	(v2sf) =	vpush v2, $0x7  }
0x146: {  	v50 =	vld [tilespmem:s3+$0x730];
	(v2sf) =	vpush v2, $0x6  }
0x147: {  	v54 =	vld [tilespmem:s3+$0x7A0];
	(v2sf) =	vpush v2, $0x5  }
0x148: {  	v60 =	vld [tilespmem:s3+$0x810];
	(v2sf) =	vpush v2, $0x4  }
0x149: {  	[tilespmem:$0x1FF70] =	vst v4;
	v4 =	vld [tilespmem:s3+$0x650];
	(v2sf) =	vpush v2, $0x3  }
0x14a: {  	v14 =	vld [tilespmem:s3+$0x880];
	(v2sf) =	vpush v2, $0x2  }
0x14b: {  	v24 =	vld [tilespmem:s3+$0x5D0];
	(v2sf) =	vpush v2, $0x0  }
0x14c: {  	v28 =	vld [tilespmem:s3+$0x640];
	(v2sf) =	vpush v2, $0x1;
	s15 =	spop (v2sf)  }
0x14d: {  	v21 =	vld [tilespmem:s3+$0x460];
	s16 =	spop (v2sf)  }
0x14e: {  	[tilespmem:$0x1FF80] =	vst v4;
	v4 =	vld [tilespmem:s3+$0x6C0];
	s17 =	spop (v2sf)  }
0x14f: {  	v37 =	vld [tilespmem:s3+$0x6B0];
	s18 =	spop (v2sf)  }
0x150: {  	v9 =	vld [tilespmem:s3+$0x800];
	s19 =	spop (v2sf)  }
0x151: {  	v2 =	vld [tilespmem:s3+$0x470];
	s20 =	spop (v2sf)  }
0x152: {  	[tilespmem:$0x1FFC0] =	vst v21;
	v21 =	vld [tilespmem:s3+$0x4E0];
	p6 =	seq.s32 s15, $0x0;
	s21 =	spop (v2sf)  }
0x153: {  	p0 =	sne.s32 s28, $0x1F;
	[tilespmem:$0x1FF90] =	vst v4;
	v4 =	vld [tilespmem:s3+$0x790];
	p2 =	seq.s32 s15, $0x1;
	v58 =	vpsel !p6, $0x0, v58;
	s22 =	spop (v2sf)  }
0x154: {  	s28 =	sadd.s32 $0x1, s28;
	[tilespmem:$0x1FF40] =	vst v0;
	v0 =	vld [tilespmem:s3+$0x910];
	p3 =	seq.s32 s15, $0x2;
	v46 =	vpsel p2, v46, v58;
	s23 =	spop (v2sf)  }
0x155: {  	s0 =	smov.u32 s5;
	p4 =	seq.s32 s15, $0x3;
	v58 =	vld [tilespmem:s3+$0x6A0];
	v46 =	vpsel p3, v42, v46;
	s24 =	spop (v2sf)  }
0x156: {  	p5 =	seq.s32 s15, $0x4;
	p6 =	seq.s32 s15, $0x5;
	[tilespmem:$0x1FFA0] =	vst v2;
	v2 =	vld [tilespmem:s3+$0x4F0];
	v15 =	vpsel p4, v15, v46;
	s26 =	spop (v2sf)  }
.Ltmp0:
0x157: {  	p1 =	seq.s32 s16, $0x3;
	v42 =	vld [tilespmem:s3+$0x5C0];
	v13 =	vpsel p5, v13, v15;
	s30 =	spop (v2sf);
	(pc) =	sbr.rel @p0 .LBB2_2-.Ltmp0, $4  }
0x158: {  	[tilespmem:$0x1FFF0] =	vst v20;
	p2 =	seq.s32 s16, $0x2;
	p3 =	seq.s32 s15, $0x6;
	v46 =	vld [tilespmem:s3+$0x630];
	v15 =	vshrl.u32 v20, $0x3;
	v20 =	vpsel p6, v3, v13;
	s4 =	spop (v2sf)  }
0x159: {  	[tilespmem:$0x1FFD0] =	vst v21;
	p4 =	seq.s32 s18, $0x0;
	p5 =	seq.s32 s16, $0x0;
	v13 =	vld [tilespmem:s3+$0x710];
	v12 =	vpsel p3, v12, v20;
	s5 =	spop (v2sf)  }
0x15a: {  	v3 =	vand.u32 $0xF, v15;
	p6 =	seq.s32 s17, $0x0;
	v21 =	vpsel !p5, $0x0, v17;
	p5 =	seq.s32 s16, $0x1;
	v15 =	vld [tilespmem:s3+$0x780];
	[tilespmem:$0x1FFE0] =	vst v12;
	s6 =	spop (v2sf)  }
0x15b: {  	v17 =	vpsel !p4, $0x0, v19;
	p4 =	seq.s32 s17, $0x1;
	p3 =	seq.s32 s18, $0x1;
	v18 =	vpsel !p6, $0x0, v18;
	v16 =	vpsel p5, v16, v21;
	[tilespmem:$0x1FFB0] =	vst v2;
	v2 =	vld [tilespmem:s3+$0x720];
	s7 =	spop (v2sf)  }
0x15c: {  	v12 =	vpsel p3, v10, v17;
	v10 =	vld [tilespmem:s3+$0x450]  }
0x15d: {  	v17 =	vld [tilespmem:s3+$0x620]  }
0x15e: {  	v19 =	vld [tilespmem:s3+$0x690]  }
0x15f: {  	v16 =	vpsel p2, v63, v16;
	p0 =	seq.s32 s18, $0x2;
	v63 =	vld [tilespmem:s3+$0x590]  }
0x160: {  	v5 =	vpsel p0, v5, v12;
	v12 =	vld [tilespmem:s3+$0x4D0]  }
0x161: {  	v21 =	vpsel p1, v56, v16;
	v16 =	vld [tilespmem:s3+$0x5B0]  }
0x162: {  	v6 =	vpsel p4, v6, v18;
	p6 =	seq.s32 s17, $0x2;
	p3 =	seq.s32 s16, $0x4;
	v56 =	vld [tilespmem:s3+$0x5A0]  }
0x163: {  	p2 =	seq.s32 s17, $0x3;
	v1 =	vpsel p6, v1, v6;
	v6 =	vpsel p3, v48, v21;
	v21 =	vld [tilespmem:s3+$0x610]  }
0x164: {  	p1 =	seq.s32 s18, $0x3;
	v1 =	vpsel p2, v57, v1;
	v57 =	vld [tilespmem:s3+$0x680]  }
0x165: {  	v5 =	vpsel p1, v59, v5;
	v59 =	vld [tilespmem:$0x1FEB0]  }
0x166: {  	p4 =	seq.s32 s18, $0x4;
	v48 =	vld [tilespmem:s3+$0x400]  }
0x167: {  	p5 =	seq.s32 s17, $0x4;
	p6 =	seq.s32 s16, $0x5;
	v5 =	vpsel p4, v52, v5;
	v52 =	vld [tilespmem:s3+$0x700]  }
0x168: {  	v1 =	vpsel p5, v49, v1;
	v6 =	vpsel p6, v40, v6;
	p4 =	seq.s32 s17, $0x5;
	p5 =	seq.s32 s16, $0x6;
	v40 =	vld [tilespmem:$0x1FF20]  }
0x169: {  	v49 =	vpsel p4, v39, v1;
	v1 =	vpsel p5, v33, v6;
	v33 =	vld [tilespmem:s3+$0x600]  }
0x16a: {  	p3 =	seq.s32 s18, $0x5;
	v39 =	vld [tilespmem:s3+$0x4A0]  }
0x16b: {  	p6 =	seq.s32 s19, $0x0;
	v5 =	vpsel p3, v44, v5;
	p5 =	seq.s32 s20, $0x0;
	v44 =	vld [tilespmem:$0x1FF10]  }
0x16c: {  	v7 =	vpsel !p6, $0x0, v7;
	p6 =	seq.s32 s19, $0x1;
	v20 =	vpsel !p5, $0x0, v11;
	v11 =	vld [tilespmem:s3+$0x440]  }
0x16d: {  	p2 =	seq.s32 s18, $0x6;
	v7 =	vpsel p6, v61, v7;
	v61 =	vld [tilespmem:$0x1FED0]  }
0x16e: {  	p3 =	seq.s32 s17, $0x6;
	v6 =	vpsel p2, v36, v5;
	v36 =	vld [tilespmem:s3+$0x420]  }
0x16f: {  	p4 =	seq.s32 s21, $0x0;
	v5 =	vpsel p3, v30, v49;
	v49 =	vld [tilespmem:s3+$0x480]  }
0x170: {  	p1 =	seq.s32 s21, $0x1;
	v14 =	vpsel !p4, $0x0, v14;
	v30 =	vld [tilespmem:s3+$0x660]  }
0x171: {  	p3 =	seq.s32 s19, $0x2;
	v8 =	vpsel p1, v8, v14;
	v14 =	vld [tilespmem:s3+$0x4C0]  }
0x172: {  	p4 =	seq.s32 s21, $0x2;
	v7 =	vpsel p3, v53, v7;
	v53 =	vld [tilespmem:s3+$0x510]  }
0x173: {  	p2 =	seq.s32 s20, $0x1;
	p6 =	seq.s32 s19, $0x3;
	v8 =	vpsel p4, v62, v8;
	v62 =	vld [tilespmem:$0x1FEC0]  }
0x174: {  	p5 =	seq.s32 s20, $0x2;
	v0 =	vpsel p2, v0, v20;
	v7 =	vpsel p6, v43, v7;
	v43 =	vld [tilespmem:s3+$0x410]  }
0x175: {  	p1 =	seq.s32 s21, $0x3;
	p2 =	seq.s32 s20, $0x3;
	p3 =	seq.s32 s19, $0x4;
	v0 =	vpsel p5, v55, v0;
	v55 =	vld [tilespmem:s3+$0x520]  }
0x176: {  	p4 =	seq.s32 s21, $0x4;
	p5 =	seq.s32 s20, $0x4;
	p6 =	seq.s32 s19, $0x5;
	v8 =	vpsel p1, v51, v8;
	v0 =	vpsel p2, v45, v0;
	v7 =	vpsel p3, v31, v7;
	v45 =	vld [tilespmem:$0x1FEF0]  }
0x177: {  	p3 =	seq.s32 s21, $0x5;
	v51 =	vld [tilespmem:s3+$0x500];
	v8 =	vpsel p4, v41, v8;
	v0 =	vpsel p5, v34, v0;
	v7 =	vpsel p6, v25, v7;
	p4 =	seq.s32 s20, $0x5;
	p5 =	seq.s32 s19, $0x6  }
0x178: {  	p2 =	seq.s32 s21, $0x6;
	v34 =	vld [tilespmem:s3+$0x580];
	v8 =	vpsel p3, v29, v8;
	v26 =	vpsel p4, v26, v0;
	v0 =	vpsel p5, v59, v7;
	p5 =	seq.s32 s23, $0x0  }
0x179: {  	p6 =	seq.s32 s22, $0x0;
	v41 =	vld [tilespmem:$0x1FEE0];
	p4 =	seq.s32 s24, $0x0;
	v8 =	vpsel p2, v61, v8;
	v15 =	vpsel !p5, $0x0, v15;
	p2 =	seq.s32 s23, $0x1  }
0x17a: {  	p1 =	seq.s32 s24, $0x1;
	v29 =	vld [tilespmem:s3+$0x430];
	v9 =	vpsel !p6, $0x0, v9;
	p6 =	seq.s32 s22, $0x1;
	v18 =	vpsel !p4, $0x0, v52;
	p5 =	seq.s32 s23, $0x2;
	v4 =	vpsel p2, v4, v15  }
0x17b: {  	p3 =	seq.s32 s20, $0x6;
	v59 =	vld [tilespmem:$0x1FF70];
	v9 =	vpsel p6, v60, v9;
	p4 =	seq.s32 s24, $0x2;
	v13 =	vpsel p1, v13, v18;
	p2 =	seq.s32 s23, $0x3;
	v4 =	vpsel p5, v54, v4  }
0x17c: {  	v7 =	vpsel p3, v62, v26;
	p3 =	seq.s32 s22, $0x2;
	p1 =	seq.s32 s24, $0x3;
	v2 =	vpsel p4, v2, v13;
	v4 =	vpsel p2, v38, v4;
	v38 =	vld [tilespmem:$0x1FF00]  }
0x17d: {  	p6 =	seq.s32 s22, $0x3;
	v52 =	vld [tilespmem:$0x1FF90];
	v9 =	vpsel p3, v47, v9;
	p4 =	seq.s32 s24, $0x4;
	p5 =	seq.s32 s23, $0x4;
	v2 =	vpsel p1, v50, v2  }
0x17e: {  	v60 =	vld [tilespmem:s3+$0x540];
	p3 =	seq.s32 s22, $0x4;
	v9 =	vpsel p6, v32, v9;
	v2 =	vpsel p4, v35, v2;
	v4 =	vpsel p5, v27, v4;
	p4 =	seq.s32 s23, $0x5  }
0x17f: {  	v61 =	vld [tilespmem:s3+$0x550];
	v9 =	vpsel p3, v23, v9;
	p3 =	seq.s32 s24, $0x5;
	v4 =	vpsel p4, v40, v4;
	p4 =	seq.s32 s4, $0x0  }
0x180: {  	v26 =	vld [tilespmem:s3+$0x4B0];
	p6 =	seq.s32 s22, $0x5;
	p2 =	seq.s32 s24, $0x6;
	p1 =	seq.s32 s4, $0x1;
	v22 =	vpsel p3, v22, v2;
	v13 =	vpsel !p4, $0x0, v34  }
0x181: {  	v54 =	vld [tilespmem:$0x1FF60];
	p5 =	seq.s32 s22, $0x6;
	v22 =	vpsel p2, v44, v22;
	p4 =	seq.s32 s4, $0x2;
	v13 =	vpsel p1, v63, v13;
	v9 =	vpsel p6, v38, v9;
	p6 =	seq.s32 s26, $0x0  }
0x182: {  	p3 =	seq.s32 s23, $0x6;
	v13 =	vpsel p4, v56, v13;
	v56 =	vld [tilespmem:$0x1FF80];
	v2 =	vpsel p5, v41, v9;
	p5 =	seq.s32 s30, $0x0;
	v25 =	vpsel !p6, $0x0, v57;
	p6 =	seq.s32 s26, $0x1  }
0x183: {  	v4 =	vpsel p3, v45, v4;
	p2 =	seq.s32 s30, $0x1;
	p3 =	seq.s32 s26, $0x2;
	v57 =	vld [tilespmem:$0x1FF30];
	v19 =	vpsel p6, v19, v25;
	v15 =	vpsel !p5, $0x0, v33  }
0x184: {  	v47 =	vld [tilespmem:s3+$0x490];
	p5 =	seq.s32 s30, $0x2;
	p6 =	seq.s32 s26, $0x3;
	v15 =	vpsel p2, v21, v15;
	v19 =	vpsel p3, v58, v19  }
0x185: {  	v35 =	vld [tilespmem:$0x1FFD0];
	p1 =	seq.s32 s4, $0x3;
	p2 =	seq.s32 s30, $0x3;
	p3 =	seq.s32 s26, $0x4;
	v15 =	vpsel p5, v17, v15;
	v50 =	vpsel p6, v37, v19  }
0x186: {  	v40 =	vld [tilespmem:s3+$0x7F0];
	p4 =	seq.s32 s4, $0x4;
	v13 =	vpsel p1, v16, v13;
	p5 =	seq.s32 s30, $0x4;
	p6 =	seq.s32 s26, $0x5;
	v15 =	vpsel p2, v46, v15;
	v16 =	vpsel p3, v52, v50  }
0x187: {  	v34 =	vld [tilespmem:$0x1FFC0];
	v13 =	vpsel p4, v42, v13;
	p4 =	seq.s32 s26, $0x6;
	p2 =	seq.s32 s4, $0x5;
	p3 =	seq.s32 s30, $0x5;
	v15 =	vpsel p5, v28, v15;
	v16 =	vpsel p6, v54, v16  }
0x188: {  	v58 =	vld [tilespmem:s3+$0x530];
	v13 =	vpsel p2, v24, v13;
	p5 =	seq.s32 s6, $0x0;
	p6 =	seq.s32 s7, $0x0;
	v15 =	vpsel p3, v56, v15;
	v16 =	vpsel p4, v57, v16;
	p3 =	seq.s32 s4, $0x6  }
0x189: {  	v63 =	vld [tilespmem:s3+$0x560];
	v25 =	vpsel !p5, $0x0, v48;
	p4 =	seq.s32 s6, $0x1;
	v21 =	vpsel !p6, $0x0, v49;
	p5 =	seq.s32 s7, $0x1;
	p6 =	seq.s32 s5, $0x0;
	v13 =	vpsel p3, v59, v13  }
0x18a: {  	v38 =	vld [tilespmem:$0x1FFB0];
	v9 =	vpsel p4, v43, v25;
	p4 =	seq.s32 s6, $0x2;
	v21 =	vpsel p5, v47, v21;
	p5 =	seq.s32 s7, $0x2;
	v19 =	vpsel !p6, $0x0, v51;
	p6 =	seq.s32 s5, $0x1  }
0x18b: {  	p1 =	seq.s32 s6, $0x3;
	v37 =	vld [tilespmem:$0x1FFA0];
	p3 =	seq.s32 s7, $0x3;
	v9 =	vpsel p4, v36, v9;
	v62 =	vpsel p5, v39, v21;
	v17 =	vpsel p6, v53, v19;
	p4 =	seq.s32 s5, $0x2  }
0x18c: {  	p5 =	seq.s32 s6, $0x4;
	p6 =	seq.s32 s7, $0x4;
	v9 =	vpsel p1, v29, v9;
	v18 =	vpsel p3, v26, v62;
	v17 =	vpsel p4, v55, v17;
	p3 =	seq.s32 s5, $0x3;
	v26 =	vld [tilespmem:s3+$0x570]  }
0x18d: {  	v41 =	vld [tilespmem:$0x1FF50];
	p4 =	seq.s32 s6, $0x5;
	v9 =	vpsel p5, v11, v9;
	v27 =	vpsel p6, v14, v18;
	p5 =	seq.s32 s7, $0x5;
	v29 =	vpsel p3, v58, v17;
	p6 =	seq.s32 s5, $0x4  }
0x18e: {  	v33 =	vld [tilespmem:s3+$0x670];
	p1 =	seq.s32 s6, $0x6;
	p3 =	seq.s32 s7, $0x6;
	v9 =	vpsel p4, v10, v9;
	v31 =	vpsel p5, v12, v27;
	v32 =	vpsel p6, v60, v29;
	p4 =	seq.s32 s5, $0x5  }
0x18f: {  	v36 =	vld [tilespmem:s3+$0x6F0];
	p5 =	seq.s32 s6, $0x7;
	p6 =	seq.s32 s7, $0x7;
	v9 =	vpsel p1, v34, v9;
	v10 =	vpsel p3, v35, v31;
	v11 =	vpsel p4, v61, v32;
	p1 =	seq.s32 s5, $0x6  }
0x190: {  	p2 =	seq.s32 s5, $0x7;
	v39 =	vld [tilespmem:s3+$0x770];
	v9 =	vpsel p5, v37, v9;
	v10 =	vpsel p6, v38, v10;
	v11 =	vpsel p1, v63, v11  }
0x191: {  	v44 =	vld [tilespmem:s3+$0x8F0];
	p4 =	seq.s32 s4, $0x7;
	p5 =	seq.s32 s30, $0x6;
	v9 =	vperm.xlane v9, v3;
	v10 =	vperm.xlane v10, v3;
	v11 =	vpsel p2, v26, v11  }
0x192: {  	v42 =	vld [tilespmem:s3+$0x870];
	p6 =	seq.s32 s30, $0x7;
	v13 =	vpsel p4, v41, v13;
	v15 =	vpsel p5, v30, v15;
	v11 =	vperm.xlane v11, v3  }
0x193: {  	v50 =	vld [tilespmem:s3+$0x9F0];
	p1 =	seq.s32 s26, $0x7;
	v43 =	vperm.xlane v13, v3;
	v12 =	vpsel p6, v33, v15;
	v9 =	vsel vm0, v9, v10  }
0x194: {  	v47 =	vld [tilespmem:s3+$0x970];
	p2 =	seq.s32 s24, $0x7;
	v46 =	vpsel p1, v36, v16;
	v45 =	vperm.xlane v12, v3;
	v9 =	vsel vm1, v9, v11  }
0x195: {  	v52 =	vld [tilespmem:s3+$0xA70];
	p3 =	seq.s32 s23, $0x7;
	v48 =	vperm.xlane v46, v3;
	v49 =	vpsel p2, v39, v22;
	v9 =	vsel vm2, v9, v43  }
0x196: {  	v54 =	vld [tilespmem:s3+$0xB70];
	p4 =	seq.s32 s22, $0x7;
	v4 =	vpsel p3, v40, v4;
	v51 =	vperm.xlane v49, v3;
	v9 =	vsel vm3, v9, v45  }
0x197: {  	v53 =	vld [tilespmem:s3+$0xAF0];
	p5 =	seq.s32 s21, $0x7;
	v4 =	vperm.xlane v4, v3;
	v2 =	vpsel p4, v42, v2;
	v9 =	vsel vm4, v9, v48  }
0x198: {  	v55 =	vld [tilespmem:s3+$0xBF0];
	p6 =	seq.s32 s20, $0x7;
	v2 =	vperm.xlane v2, v3;
	v8 =	vpsel p5, v44, v8;
	v9 =	vsel vm5, v9, v51  }
0x199: {  	v60 =	vld [tilespmem:$0x1FFE0];
	p2 =	seq.s32 s19, $0x7;
	v7 =	vpsel p6, v47, v7;
	v8 =	vperm.xlane v8, v3;
	v4 =	vsel vm6, v9, v4  }
0x19a: {  	v62 =	vld [tilespmem:$0x1FF40];
	p3 =	seq.s32 s18, $0x7;
	v0 =	vpsel p2, v50, v0;
	v56 =	vperm.xlane v7, v3;
	v2 =	vsel vm7, v4, v2  }
0x19b: {  	v63 =	vld [tilespmem:$0x1FFF0];
	p4 =	seq.s32 s17, $0x7;
	v6 =	vpsel p3, v52, v6;
	v0 =	vperm.xlane v0, v3;
	v2 =	vsel vm8, v2, v8  }
0x19c: {  	p5 =	seq.s32 s16, $0x7;
	v57 =	vpsel p4, v53, v5;
	v58 =	vperm.xlane v6, v3;
	v2 =	vsel vm9, v2, v56  }
0x19d: {  	p6 =	seq.s32 s15, $0x7;
	v1 =	vpsel p5, v54, v1;
	v59 =	vperm.xlane v57, v3;
	v0 =	vsel vm10, v2, v0  }
0x19e: {  	v1 =	vperm.xlane v1, v3;
	v4 =	vpsel p6, v55, v60;
	v0 =	vsel vm11, v0, v58  }
0x19f: {  	v61 =	vperm.xlane v4, v3;
	v0 =	vsel vm12, v0, v59  }
0x1a0: {  	v3 =	vand.u32 $0x7, v63;
	v0 =	vsel vm13, v0, v1;
	v1 =	vand.u32 $0x18, v62  }
0x1a1: {  	v0 =	vsel vm14, v0, v61;
	v1 =	vor.u32 v3, v1  }
0x1a2: {  	v0 =	vshrl.u32 v0, v1  }
0x1a3: {  	v0 =	vand.u32 $0x1, v0  }
0x1a4: {  	s26 =	simm.s32 $0x10400;
	[tilespmem:s0+$0x10400] =	vst v0  }
0x1a5: {  	[hbm4b:s8+s2] =	stream.linear.scatter [tilespmem:s26], [sflag:$0x2], $0x80, $0x38;
	[tilespmem:$0x10600] =	vst v63  }
0x1a6: {  	_ =	swait.ge [sflag:s13], $0x80  }
0x1a7: {  	[sflag:s13] =	ssyncset.done $0x0  }
0x1a8: {  	s28 =	simm.s32 $0x10480;
	[sflag:s13] =	ssyncadd.s32 $0xFFFFFF80  }
0x1a9: {  	[hbm4b:s9+s2] =	stream.linear.scatter [tilespmem:s28], [sflag:$0x2], $0x80, $0x38;
	[tilespmem:$0x10600] =	vst v63  }
0x1aa: {  	_ =	swait.ge [sflag:s13], $0x80  }
0x1ab: {  	[sflag:s13] =	ssyncset.done $0x0  }
0x1ac: {  	s29 =	simm.s32 $0x10500;
	[sflag:s13] =	ssyncadd.s32 $0xFFFFFF80  }
0x1ad: {  	[hbm4b:s10+s2] =	stream.linear.scatter [tilespmem:s29], [sflag:$0x2], $0x80, $0x38;
	[tilespmem:$0x10600] =	vst v63  }
0x1ae: {  	s31 =	sadd.s32 $0x1, s31;
	_ =	swait.ge [sflag:s13], $0x80  }
0x1af: {  	p0 =	sne.s32 s31, s12;
	[sflag:s13] =	ssyncset.done $0x0  }
.Ltmp1:
0x1b0: {  	s30 =	simm.s32 $0x10580;
	[sflag:s13] =	ssyncadd.s32 $0xFFFFFF80;
	(pc) =	sbr.rel @p0 .LBB2_1-.Ltmp1, $4  }
0x1b1: {  	[hbm4b:s11+s2] =	stream.linear.scatter [tilespmem:s30], [sflag:$0x2], $0x80, $0x38;
	[tilespmem:$0x10600] =	vst v63  }
0x1b2: {  	_ =	swait.ge [sflag:s13], $0x80  }
0x1b3: {  	[sflag:s13] =	ssyncset.done $0x0  }
0x1b4: {  	[sflag:s13] =	ssyncadd.s32 $0xFFFFFF80  }
0x1b5: {  	_ =	sfence.sel $0x180000  }
0x1b6: {  	[bflag:$0x0] =	sbarrier.arrive $0xFFFF  }
0x1b7: {  	_ =	strace $0x90000047  }
0x1b8: {  	s0 =	stileid.u32;
	[bflag:$0x2] =	sbarrier.arrive $0xFFFF  }
0x1b9: {  	p0 =	sne.s32 s0, $0x0;
	s0 =	rddreg [dreg:$0x2]  }
0x1ba: {  	s0 =	sadd.s32 @!p0 $0x100000, s0  }
0x1bb: {  	[sflag:s0] =	ssyncadd.tile.s32 @!p0 $0x1;
	_ =	shalt  }
.Lfunc_end2:
_tile_overlayer_lowered:
.L_overlay_start_2:
0x1bc: {  	(tag) =	ssettag $0x2  }
0x1bd: {  	s0 =	rddreg [dreg:$0x0];
	s2 =	stileid.u32  }
0x1be: {  	s1 =	rddreg [dreg:$0x1];
	p0 =	sne.s32 s2, $0x0  }
0x1bf: {  	s3 =	rddreg [dreg:$0x2];
	[bflag:$0x3] =	sbarrier.arrive $0xFFFF;
	s2 =	simm.s32 @!p0 $0x1C02  }
0x1c0: {  	[timem:s3], [sflag:s2] =	dma.local @!p0 [hbm:s0], s1  }
0x1c1: {  	s0 =	simm.s32 @!p0 $0x2  }
0x1c2: {  	_ =	swait.ge @!p0 [sflag:s0], s1  }
0x1c3: {  	s1 =	ssub.s32 @!p0 $0x0, s1;
	[sflag:s0] =	ssyncset.done @!p0 $0x0  }
0x1c4: {  	[sflag:s0] =	ssyncadd.s32 @!p0 s1  }
0x1c5: {  	[bflag:$0x3] =	sbarrier.arrive $0xFFFF  }
0x1c6: {  	_ =	shalt  }

</sc_bundles>
